<compile_context>
chip_gen: v7x
topology: tpu7x:2x2x1
jax: 0.10.2.dev20260603
libtpu: 0.0.44.dev20260713+nightly
codegen_flags: <defaults>
</compile_context>

<pallas_src>
import functools

import jax
import jax.numpy as jnp
from jax import lax
from jax.experimental import pallas as pl
from jax.experimental.pallas import tpu as pltpu
from jax.experimental.pallas import tpu_sc as plsc

N = 10000
E = 160000
F = 256
H = 128
NPAD = 10240
EPAD = 163840
CK = 32
CHUNKS = EPAD // CK
CPT = CHUNKS // 16
HSTG = CPT // 2
EPW = EPAD // 32
RPT = NPAD // 16
SINK = N

_mesh = plsc.VectorSubcoreMesh(core_axis_name="c", subcore_axis_name="s")
_f32 = jnp.float32
_sc_params = pltpu.CompilerParams(
    needs_layout_passes=False, use_tc_tiling_on_sc=False)



@functools.partial(
    pl.kernel,
    out_type=(
        jax.ShapeDtypeStruct((32 * NPAD,), _f32),
        jax.ShapeDtypeStruct((32 * NPAD,), _f32),
    ),
    mesh=_mesh,
    scratch_types=[
        pltpu.VMEM((EPW,), jnp.int32),
        pltpu.VMEM((EPW,), jnp.int32),
        pltpu.VMEM((NPAD,), _f32),
        pltpu.VMEM((NPAD,), _f32),
    ],
    compiler_params=_sc_params,
)
def _deg_kernel(src_hbm, dst_hbm, outs_hbm, outd_hbm, src_v, dst_v, degs, degd):
    cid = lax.axis_index("c")
    sid = lax.axis_index("s")
    w = cid * 16 + sid

    def zero(i, carry):
        z = jnp.zeros((16,), _f32)
        degs[pl.ds(i * 16, 16)] = z
        degd[pl.ds(i * 16, 16)] = z
        return carry

    lax.fori_loop(0, NPAD // 16, zero, 0)

    pltpu.sync_copy(src_hbm.at[pl.ds(w * EPW, EPW)], src_v)
    pltpu.sync_copy(dst_hbm.at[pl.ds(w * EPW, EPW)], dst_v)

    ones = jnp.full((16,), 1.0, _f32)

    def body(v, carry):
        sv = src_v[pl.ds(v * 16, 16)]
        dv = dst_v[pl.ds(v * 16, 16)]
        plsc.addupdate_scatter(degs, [sv], ones)
        plsc.addupdate_scatter(degd, [dv], ones)
        return carry

    lax.fori_loop(0, EPW // 16, body, 0)

    pltpu.sync_copy(degs, outs_hbm.at[pl.ds(w * NPAD, NPAD)])
    pltpu.sync_copy(degd, outd_hbm.at[pl.ds(w * NPAD, NPAD)])



def _normx_body(x_ref, dps_ref, dpd_ref, x0_ref, x1_ref, ns_ref, nd_ref):
    degs = jnp.sum(jnp.transpose(dps_ref[...]), axis=1, keepdims=True)
    degd = jnp.sum(jnp.transpose(dpd_ref[...]), axis=1, keepdims=True)
    ns = lax.rsqrt(jnp.maximum(degs, 1.0))
    nd = lax.rsqrt(jnp.maximum(degd, 1.0))
    xn = x_ref[...] * ns
    x0_ref[...] = xn[:, 0 * H:1 * H]
    x1_ref[...] = xn[:, 1 * H:2 * H]
    ns_ref[...] = ns
    nd_ref[...] = nd


def _normx(x_pad, dps, dpd):
    return pl.pallas_call(
        _normx_body,
        out_shape=(
            jax.ShapeDtypeStruct((NPAD, H), _f32),
            jax.ShapeDtypeStruct((NPAD, H), _f32),
            jax.ShapeDtypeStruct((NPAD, 1), _f32),
            jax.ShapeDtypeStruct((NPAD, 1), _f32),
        ),
    )(x_pad, dps, dpd)



@functools.partial(
    pl.kernel,
    out_type=(
        jax.ShapeDtypeStruct((NPAD, H), _f32),
        jax.ShapeDtypeStruct((NPAD, H), _f32),
        jax.ShapeDtypeStruct((32 * NPAD,), _f32),
    ),
    mesh=_mesh,
    scratch_types=[
        pltpu.VMEM((HSTG, CK), jnp.int32),
        pltpu.VMEM((HSTG, CK), jnp.int32),
    ] + [pltpu.VMEM((CK, H), _f32)] * 4 + [
        pltpu.VMEM((NPAD,), _f32),
        pltpu.VMEM((NPAD,), _f32),
        pltpu.VMEM_SHARED((NPAD, H), _f32),
    ] + [pltpu.SemaphoreType.DMA] * 8,
    compiler_params=_sc_params,
)
def _agg_kernel(src2_hbm, dst2_hbm, x0_hbm, x1_hbm, nd_hbm,
                agg0_hbm, agg1_hbm, cpart_hbm,
                src_v, dst_v, r0, r1, r2, r3,
                nd_v, c_v, acc_sh,
                sem_g0, sem_g1, sem_g2, sem_g3,
                sem_s0, sem_s1, sem_s2, sem_s3):
    rows = (r0, r1, r2, r3)
    sem_g = (sem_g0, sem_g1, sem_g2, sem_g3)
    sem_s = (sem_s0, sem_s1, sem_s2, sem_s3)
    cid = lax.axis_index("c")
    sid = lax.axis_index("s")

    def zc(i, carry):
        c_v[pl.ds(i * 16, 16)] = jnp.zeros((16,), _f32)
        return carry

    lax.fori_loop(0, NPAD // 16, zc, 0)
    pltpu.sync_copy(nd_hbm, nd_v)

    def c_work(j):
        for k in range(CK // 16):
            dvec = dst_v[j, pl.ds(k * 16, 16)]
            svec = src_v[j, pl.ds(k * 16, 16)]
            vals = plsc.load_gather(nd_v, [dvec])
            plsc.addupdate_scatter(c_v, [svec], vals)

    def zrow(r, carry):
        for k in range(H // 16):
            r0[r, pl.ds(k * 16, 16)] = jnp.zeros((16,), _f32)
        return carry

    lax.fori_loop(0, CK, zrow, 0)
    for q in range(RPT // CK):
        pltpu.sync_copy(r0, acc_sh.at[pl.ds(sid * RPT + q * CK, CK)])
    plsc.subcore_barrier()

    for c in range(2):

        @pl.when(cid == c)
        def _(cpar=c, x_hbm=(x0_hbm, x1_hbm)[c]):
            for h in range(2):
                pltpu.sync_copy(
                    src2_hbm.at[pl.ds(sid * CPT + h * HSTG, HSTG)], src_v)
                pltpu.sync_copy(
                    dst2_hbm.at[pl.ds(sid * CPT + h * HSTG, HSTG)], dst_v)

                for i in range(4):
                    pltpu.async_copy(
                        x_hbm.at[src_v.at[i]], rows[i], sem_g[i])

                def quad(t, carry):
                    base = 4 * t
                    for bank in range(4):
                        pltpu.make_async_copy(
                            x_hbm.at[src_v.at[base + bank]],
                            rows[bank], sem_g[bank]).wait()
                        pltpu.async_copy(
                            rows[bank],
                            acc_sh.at[dst_v.at[base + bank]],
                            sem_s[bank], add=True)
                        if cpar == bank % 2:
                            c_work(base + bank)
                        pltpu.make_async_copy(
                            rows[bank],
                            acc_sh.at[dst_v.at[base + bank]],
                            sem_s[bank]).wait()

                        @pl.when(t < HSTG // 4 - 1)
                        def _(bank=bank):
                            pltpu.async_copy(
                                x_hbm.at[src_v.at[base + bank + 4]],
                                rows[bank], sem_g[bank])
                    return carry

                lax.fori_loop(0, HSTG // 4, quad, 0)

    plsc.subcore_barrier()

    for c in range(2):

        @pl.when(cid == c)
        def _(agg_hbm=(agg0_hbm, agg1_hbm)[c]):
            pltpu.sync_copy(acc_sh.at[pl.ds(sid * RPT, RPT)],
                            agg_hbm.at[pl.ds(sid * RPT, RPT)])

    w = cid * 16 + sid
    pltpu.sync_copy(c_v, cpart_hbm.at[pl.ds(w * NPAD, NPAD)])



def _head_body(agg0_ref, agg1_ref, cpart_ref, ns_ref,
               nd_ref, w1_ref, b1_ref, w2_ref, b2_ref, out_ref):
    agg = jnp.concatenate([agg0_ref[...], agg1_ref[...]], axis=1)
    h = agg * nd_ref[...]
    h1 = jnp.maximum(
        jnp.dot(h, w1_ref[...], preferred_element_type=_f32)
        + b1_ref[...][None, :], 0.0)
    c = jnp.sum(jnp.transpose(cpart_ref[...]), axis=1, keepdims=True)
    w = ns_ref[...] * c
    rows = lax.broadcasted_iota(jnp.int32, (NPAD, 1), 0)
    w = jnp.where(rows < N, w, 0.0)
    v = jnp.sum(h1 * w, axis=0, keepdims=True) * (1.0 / N)
    out_ref[...] = (jnp.dot(v, w2_ref[...], preferred_element_type=_f32)
                    + b2_ref[...][None, :])


def _head(aggs, cpart, ns, nd, w1, b1, w2, b2):
    return pl.pallas_call(
        _head_body,
        out_shape=jax.ShapeDtypeStruct((1, F), _f32),
    )(*aggs, cpart, ns, nd, w1, b1, w2, b2)



def kernel(in_feat, edge_index, W1, b1, W2, b2):
    src = edge_index[0].astype(jnp.int32)
    dst = edge_index[1].astype(jnp.int32)
    sinks = jnp.full((EPAD - E,), SINK, jnp.int32)
    src_p = jnp.concatenate([src, sinks])
    dst_p = jnp.concatenate([dst, sinks])
    x_pad = jnp.pad(in_feat.astype(_f32), ((0, NPAD - N), (0, 0)))

    dps, dpd = _deg_kernel(src_p, dst_p)
    x0, x1, ns, nd = _normx(
        x_pad, dps.reshape(32, NPAD), dpd.reshape(32, NPAD))
    agg0, agg1, cpart = _agg_kernel(
        src_p.reshape(CHUNKS, CK), dst_p.reshape(CHUNKS, CK),
        x0, x1, nd.reshape(NPAD))
    return _head((agg0, agg1), cpart.reshape(32, NPAD),
                 ns, nd, W1, b1, W2, b2)

# --- scband reference (transcript-rebuilt; emitter-appended) ---
"""Pipeline reference for scband-gcn1-87127706567142 (READ-ONLY COPY).

The authoritative reference and input builder live on the scoring server;
editing this copy changes nothing except your own understanding.
"""

import jax, jax.numpy as jnp
import numpy as np

N_NODES = 10000
N_EDGES = 160000
IN_FEATS = 256
H_FEATS = 256
HIDDEN_DIM = 256


def setup_inputs(seed: int = 0) -> dict:
    key = jax.random.key(seed)
    k1, k2, k3, k4, k5, k6 = jax.random.split(key, 6)
    in_feat = jax.random.normal(k1, (N_NODES, IN_FEATS), dtype=jnp.float32)
    edge_index = jax.random.randint(k2, (2, N_EDGES), 0, N_NODES, dtype=jnp.int64)
    # Glorot-initialized weights like dgl.nn.GraphConv
    s1 = (6.0 / (IN_FEATS + H_FEATS)) ** 0.5
    W1 = jax.random.uniform(k3, (IN_FEATS, H_FEATS), dtype=jnp.float32, minval=-s1, maxval=s1)
    b1 = jnp.zeros((H_FEATS,), dtype=jnp.float32)
    s2 = (6.0 / (H_FEATS + HIDDEN_DIM)) ** 0.5
    W2 = jax.random.uniform(k4, (H_FEATS, HIDDEN_DIM), dtype=jnp.float32, minval=-s2, maxval=s2)
    b2 = jnp.zeros((HIDDEN_DIM,), dtype=jnp.float32)
    return {"in_feat": in_feat, "edge_index": edge_index, "W1": W1, "b1": b1, "W2": W2, "b2": b2}


def _graph_conv(h, src, dst, norm_src, norm_dst, W, b):
    # dgl GraphConv with norm='both': D^{-1/2} A D^{-1/2} X W + b
    h = h * norm_src[:, None]
    msgs = jnp.take(h, src, axis=0)              # gather from src nodes
    agg = jnp.zeros((h.shape[0], h.shape[1]), dtype=h.dtype).at[dst].add(msgs)  # scatter-add to dst
    agg = agg * norm_dst[:, None]
    return agg @ W + b


def reference(in_feat, edge_index, W1, b1, W2, b2):
    src = edge_index[0]
    dst = edge_index[1]
    N = in_feat.shape[0]
    ones = jnp.ones((src.shape[0],), dtype=jnp.float32)
    out_deg = jnp.zeros((N,), dtype=jnp.float32).at[src].add(ones)
    in_deg = jnp.zeros((N,), dtype=jnp.float32).at[dst].add(ones)
    out_deg = jnp.clip(out_deg, 1.0, None)
    in_deg = jnp.clip(in_deg, 1.0, None)
    norm_src = out_deg ** -0.5
    norm_dst = in_deg ** -0.5
    h = _graph_conv(in_feat, src, dst, norm_src, norm_dst, W1, b1)
    h = jax.nn.relu(h)
    h = _graph_conv(h, src, dst, norm_src, norm_dst, W2, b2)
    # dgl.mean_nodes on a single (unbatched) graph -> [1, hidden_dim]
    return jnp.mean(h, axis=0, keepdims=True)

if __name__ == "__main__":
    import jax
    _d = setup_inputs()
    print(jax.jit(kernel)(*tuple(_d.values())))

</pallas_src>

<mosaic_0001>
#map = affine_map<(d0, d1) -> (0)>
module attributes {stable_mosaic.version = 14 : i64} {
  func.func @_deg_kernel(%arg0: i32, %arg1: i32, %arg2: memref<163840xi32, #tpu.memory_space<hbm>>, %arg3: memref<163840xi32, #tpu.memory_space<hbm>>, %arg4: memref<327680xf32, #tpu.memory_space<hbm>>, %arg5: memref<327680xf32, #tpu.memory_space<hbm>>, %arg6: memref<5120xi32, #tpu.memory_space<vmem>>, %arg7: memref<5120xi32, #tpu.memory_space<vmem>>, %arg8: memref<10240xf32, #tpu.memory_space<vmem>>, %arg9: memref<10240xf32, #tpu.memory_space<vmem>>) attributes {dimension_semantics = [#tpu.dimension_semantics<core_parallel>, #tpu.dimension_semantics<subcore_parallel>], iteration_bounds = array<i64: 2, 16>, scalar_prefetch = 0 : i64, scratch_operands = 4 : i64, tpu.core_type = #tpu.core_type<sc_vector_subcore>, window_params = [{transform_indices = #map}, {transform_indices = #map}, {transform_indices = #map}, {transform_indices = #map}]} {
    %mul3A = arith.constant 16 : i32
    %mul3A_0 = arith.muli %arg0, %mul3A : i32
    %add3A = arith.addi %mul3A_0, %arg1 : i32
    %scan3A = arith.constant 0 : i32
    %scan3A_1 = arith.constant 0 : i32
    %scan3A_2 = arith.constant 640 : i32
    %scan3A_3 = arith.addi %scan3A_1, %scan3A_2 : i32
    %scan3A_4 = arith.constant 1 : i32
    scf.for %scan3A_21 = %scan3A_1 to %scan3A_3 step %scan3A_4  : i32 {
      %broadcast_in_dim3A_22 = arith.constant 0.000000e+00 : f32
      %broadcast_in_dim3A_23 = vector.broadcast %broadcast_in_dim3A_22 : f32 to vector<16xf32>
      %mul3A_24 = arith.constant 16 : i32
      %mul3A_25 = arith.muli %scan3A_21, %mul3A_24 : i32
      %swap3A = arith.index_cast %mul3A_25 : i32 to index
      %swap3A_26 = tpu.vector_load %arg8[%swap3A] {strides = array<i32>} : memref<10240xf32, #tpu.memory_space<vmem>>, vector<16xf32>,
      tpu.vector_store %arg8[%swap3A], %broadcast_in_dim3A_23 {strides = array<i32>} : memref<10240xf32, #tpu.memory_space<vmem>>, vector<16xf32>,
      %mul3A_27 = arith.constant 16 : i32
      %mul3A_28 = arith.muli %scan3A_21, %mul3A_27 : i32
      %swap3A_29 = arith.index_cast %mul3A_28 : i32 to index
      %swap3A_30 = tpu.vector_load %arg9[%swap3A_29] {strides = array<i32>} : memref<10240xf32, #tpu.memory_space<vmem>>, vector<16xf32>,
      tpu.vector_store %arg9[%swap3A_29], %broadcast_in_dim3A_23 {strides = array<i32>} : memref<10240xf32, #tpu.memory_space<vmem>>, vector<16xf32>,
    }
    %scan3A_5 = arith.constant 640 : i32
    %mul3A_6 = arith.constant 5120 : i32
    %mul3A_7 = arith.muli %add3A, %mul3A_6 : i32
    "tpu.region"() ({
      %run_scoped3A = tpu.sem_alloc : memref<!tpu.dma_semaphore, #tpu.memory_space<semaphore_mem>>
      %dma_start3A = tpu.memref_slice %arg2[%mul3A_7] : memref<163840xi32, #tpu.memory_space<hbm>> -> memref<5120xi32, #tpu.memory_space<hbm>>
      %dma_start3A_21 = tpu.memref_slice %arg2[%mul3A_7] : memref<163840xi32, #tpu.memory_space<hbm>> -> memref<5120xi32, #tpu.memory_space<hbm>>
      tpu.enqueue_dma source(%dma_start3A_21 : memref<5120xi32, #tpu.memory_space<hbm>>) target(%arg6 : memref<5120xi32, #tpu.memory_space<vmem>>) target_semaphore(%run_scoped3A : memref<!tpu.dma_semaphore, #tpu.memory_space<semaphore_mem>>)
      %dma_wait3A = tpu.memref_slice %arg2[%mul3A_7] : memref<163840xi32, #tpu.memory_space<hbm>> -> memref<5120xi32, #tpu.memory_space<hbm>>
      %dma_wait3A_22 = tpu.memref_slice %arg2[%mul3A_7] : memref<163840xi32, #tpu.memory_space<hbm>> -> memref<5120xi32, #tpu.memory_space<hbm>>
      tpu.wait_dma2 semaphore(%run_scoped3A : memref<!tpu.dma_semaphore, #tpu.memory_space<semaphore_mem>>) src(%dma_wait3A_22 : memref<5120xi32, #tpu.memory_space<hbm>>) dst(%arg6 : memref<5120xi32, #tpu.memory_space<vmem>>)
      tpu.yield
    }) : () -> ()
    %mul3A_8 = arith.constant 5120 : i32
    %mul3A_9 = arith.muli %add3A, %mul3A_8 : i32
    "tpu.region"() ({
      %run_scoped3A = tpu.sem_alloc : memref<!tpu.dma_semaphore, #tpu.memory_space<semaphore_mem>>
      %dma_start3A = tpu.memref_slice %arg3[%mul3A_9] : memref<163840xi32, #tpu.memory_space<hbm>> -> memref<5120xi32, #tpu.memory_space<hbm>>
      %dma_start3A_21 = tpu.memref_slice %arg3[%mul3A_9] : memref<163840xi32, #tpu.memory_space<hbm>> -> memref<5120xi32, #tpu.memory_space<hbm>>
      tpu.enqueue_dma source(%dma_start3A_21 : memref<5120xi32, #tpu.memory_space<hbm>>) target(%arg7 : memref<5120xi32, #tpu.memory_space<vmem>>) target_semaphore(%run_scoped3A : memref<!tpu.dma_semaphore, #tpu.memory_space<semaphore_mem>>)
      %dma_wait3A = tpu.memref_slice %arg3[%mul3A_9] : memref<163840xi32, #tpu.memory_space<hbm>> -> memref<5120xi32, #tpu.memory_space<hbm>>
      %dma_wait3A_22 = tpu.memref_slice %arg3[%mul3A_9] : memref<163840xi32, #tpu.memory_space<hbm>> -> memref<5120xi32, #tpu.memory_space<hbm>>
      tpu.wait_dma2 semaphore(%run_scoped3A : memref<!tpu.dma_semaphore, #tpu.memory_space<semaphore_mem>>) src(%dma_wait3A_22 : memref<5120xi32, #tpu.memory_space<hbm>>) dst(%arg7 : memref<5120xi32, #tpu.memory_space<vmem>>)
      tpu.yield
    }) : () -> ()
    %broadcast_in_dim3A = arith.constant 1.000000e+00 : f32
    %broadcast_in_dim3A_10 = vector.broadcast %broadcast_in_dim3A : f32 to vector<16xf32>
    %scan3A_11 = arith.constant 0 : i32
    %scan3A_12 = arith.constant 0 : i32
    %scan3A_13 = arith.constant 320 : i32
    %scan3A_14 = arith.addi %scan3A_12, %scan3A_13 : i32
    %scan3A_15 = arith.constant 1 : i32
    scf.for %scan3A_21 = %scan3A_12 to %scan3A_14 step %scan3A_15  : i32 {
      %mul3A_22 = arith.constant 16 : i32
      %mul3A_23 = arith.muli %scan3A_21, %mul3A_22 : i32
      %get3A = arith.index_cast %mul3A_23 : i32 to index
      %get3A_24 = tpu.vector_load %arg6[%get3A] {strides = array<i32>} : memref<5120xi32, #tpu.memory_space<vmem>>, vector<16xi32>,
      %mul3A_25 = arith.constant 16 : i32
      %mul3A_26 = arith.muli %scan3A_21, %mul3A_25 : i32
      %get3A_27 = arith.index_cast %mul3A_26 : i32 to index
      %get3A_28 = tpu.vector_load %arg7[%get3A_27] {strides = array<i32>} : memref<5120xi32, #tpu.memory_space<vmem>>, vector<16xi32>,
      tpu.vector_store_idx %arg8[%get3A_24], %broadcast_in_dim3A_10 {add = true} : memref<10240xf32, #tpu.memory_space<vmem>>[vector<16xi32>], vector<16xf32>,
      tpu.vector_store_idx %arg9[%get3A_28], %broadcast_in_dim3A_10 {add = true} : memref<10240xf32, #tpu.memory_space<vmem>>[vector<16xi32>], vector<16xf32>,
    }
    %scan3A_16 = arith.constant 320 : i32
    %mul3A_17 = arith.constant 10240 : i32
    %mul3A_18 = arith.muli %add3A, %mul3A_17 : i32
    "tpu.region"() ({
      %run_scoped3A = tpu.sem_alloc : memref<!tpu.dma_semaphore, #tpu.memory_space<semaphore_mem>>
      %dma_start3A = tpu.memref_slice %arg4[%mul3A_18] : memref<327680xf32, #tpu.memory_space<hbm>> -> memref<10240xf32, #tpu.memory_space<hbm>>
      %dma_start3A_21 = tpu.memref_slice %arg4[%mul3A_18] : memref<327680xf32, #tpu.memory_space<hbm>> -> memref<10240xf32, #tpu.memory_space<hbm>>
      tpu.enqueue_dma source(%arg8 : memref<10240xf32, #tpu.memory_space<vmem>>) target(%dma_start3A_21 : memref<10240xf32, #tpu.memory_space<hbm>>) target_semaphore(%run_scoped3A : memref<!tpu.dma_semaphore, #tpu.memory_space<semaphore_mem>>)
      %dma_wait3A = tpu.memref_slice %arg4[%mul3A_18] : memref<327680xf32, #tpu.memory_space<hbm>> -> memref<10240xf32, #tpu.memory_space<hbm>>
      %dma_wait3A_22 = tpu.memref_slice %arg4[%mul3A_18] : memref<327680xf32, #tpu.memory_space<hbm>> -> memref<10240xf32, #tpu.memory_space<hbm>>
      tpu.wait_dma2 semaphore(%run_scoped3A : memref<!tpu.dma_semaphore, #tpu.memory_space<semaphore_mem>>) src(%arg8 : memref<10240xf32, #tpu.memory_space<vmem>>) dst(%dma_wait3A_22 : memref<10240xf32, #tpu.memory_space<hbm>>)
      tpu.yield
    }) : () -> ()
    %mul3A_19 = arith.constant 10240 : i32
    %mul3A_20 = arith.muli %add3A, %mul3A_19 : i32
    "tpu.region"() ({
      %run_scoped3A = tpu.sem_alloc : memref<!tpu.dma_semaphore, #tpu.memory_space<semaphore_mem>>
      %dma_start3A = tpu.memref_slice %arg5[%mul3A_20] : memref<327680xf32, #tpu.memory_space<hbm>> -> memref<10240xf32, #tpu.memory_space<hbm>>
      %dma_start3A_21 = tpu.memref_slice %arg5[%mul3A_20] : memref<327680xf32, #tpu.memory_space<hbm>> -> memref<10240xf32, #tpu.memory_space<hbm>>
      tpu.enqueue_dma source(%arg9 : memref<10240xf32, #tpu.memory_space<vmem>>) target(%dma_start3A_21 : memref<10240xf32, #tpu.memory_space<hbm>>) target_semaphore(%run_scoped3A : memref<!tpu.dma_semaphore, #tpu.memory_space<semaphore_mem>>)
      %dma_wait3A = tpu.memref_slice %arg5[%mul3A_20] : memref<327680xf32, #tpu.memory_space<hbm>> -> memref<10240xf32, #tpu.memory_space<hbm>>
      %dma_wait3A_22 = tpu.memref_slice %arg5[%mul3A_20] : memref<327680xf32, #tpu.memory_space<hbm>> -> memref<10240xf32, #tpu.memory_space<hbm>>
      tpu.wait_dma2 semaphore(%run_scoped3A : memref<!tpu.dma_semaphore, #tpu.memory_space<semaphore_mem>>) src(%arg9 : memref<10240xf32, #tpu.memory_space<vmem>>) dst(%dma_wait3A_22 : memref<10240xf32, #tpu.memory_space<hbm>>)
      tpu.yield
    }) : () -> ()
    return
  }
}

#map = affine_map<(d0, d1) -> (0, 0)>
#map1 = affine_map<(d0, d1) -> (0)>
module attributes {stable_mosaic.version = 14 : i64} {
  func.func @_agg_kernel(%arg0: i32, %arg1: i32, %arg2: memref<5120x32xi32, #tpu.memory_space<hbm>>, %arg3: memref<5120x32xi32, #tpu.memory_space<hbm>>, %arg4: memref<10240x128xf32, #tpu.memory_space<hbm>>, %arg5: memref<10240x128xf32, #tpu.memory_space<hbm>>, %arg6: memref<10240xf32, #tpu.memory_space<hbm>>, %arg7: memref<10240x128xf32, #tpu.memory_space<hbm>>, %arg8: memref<10240x128xf32, #tpu.memory_space<hbm>>, %arg9: memref<327680xf32, #tpu.memory_space<hbm>>, %arg10: memref<160x32xi32, #tpu.memory_space<vmem>>, %arg11: memref<160x32xi32, #tpu.memory_space<vmem>>, %arg12: memref<32x128xf32, #tpu.memory_space<vmem>>, %arg13: memref<32x128xf32, #tpu.memory_space<vmem>>, %arg14: memref<32x128xf32, #tpu.memory_space<vmem>>, %arg15: memref<32x128xf32, #tpu.memory_space<vmem>>, %arg16: memref<10240xf32, #tpu.memory_space<vmem>>, %arg17: memref<10240xf32, #tpu.memory_space<vmem>>, %arg18: memref<10240x128xf32, #tpu.memory_space<vmem_shared>>, %arg19: memref<!tpu.dma_semaphore, #tpu.memory_space<semaphore_mem>>, %arg20: memref<!tpu.dma_semaphore, #tpu.memory_space<semaphore_mem>>, %arg21: memref<!tpu.dma_semaphore, #tpu.memory_space<semaphore_mem>>, %arg22: memref<!tpu.dma_semaphore, #tpu.memory_space<semaphore_mem>>, %arg23: memref<!tpu.dma_semaphore, #tpu.memory_space<semaphore_mem>>, %arg24: memref<!tpu.dma_semaphore, #tpu.memory_space<semaphore_mem>>, %arg25: memref<!tpu.dma_semaphore, #tpu.memory_space<semaphore_mem>>, %arg26: memref<!tpu.dma_semaphore, #tpu.memory_space<semaphore_mem>>) attributes {dimension_semantics = [#tpu.dimension_semantics<core_parallel>, #tpu.dimension_semantics<subcore_parallel>], iteration_bounds = array<i64: 2, 16>, scalar_prefetch = 0 : i64, scratch_operands = 17 : i64, tpu.core_type = #tpu.core_type<sc_vector_subcore>, window_params = [{transform_indices = #map}, {transform_indices = #map}, {transform_indices = #map}, {transform_indices = #map}, {transform_indices = #map1}, {transform_indices = #map}, {transform_indices = #map}, {transform_indices = #map1}]} {
    %scan3A = arith.constant 0 : i32
    %scan3A_0 = arith.constant 0 : i32
    %scan3A_1 = arith.constant 640 : i32
    %scan3A_2 = arith.addi %scan3A_0, %scan3A_1 : i32
    %scan3A_3 = arith.constant 1 : i32
    scf.for %scan3A_112 = %scan3A_0 to %scan3A_2 step %scan3A_3  : i32 {
      %broadcast_in_dim3A = arith.constant 0.000000e+00 : f32
      %broadcast_in_dim3A_113 = vector.broadcast %broadcast_in_dim3A : f32 to vector<16xf32>
      %mul3A_114 = arith.constant 16 : i32
      %mul3A_115 = arith.muli %scan3A_112, %mul3A_114 : i32
      %swap3A = arith.index_cast %mul3A_115 : i32 to index
      %swap3A_116 = tpu.vector_load %arg17[%swap3A] {strides = array<i32>} : memref<10240xf32, #tpu.memory_space<vmem>>, vector<16xf32>,
      tpu.vector_store %arg17[%swap3A], %broadcast_in_dim3A_113 {strides = array<i32>} : memref<10240xf32, #tpu.memory_space<vmem>>, vector<16xf32>,
    }
    %scan3A_4 = arith.constant 640 : i32
    "tpu.region"() ({
      %run_scoped3A = tpu.sem_alloc : memref<!tpu.dma_semaphore, #tpu.memory_space<semaphore_mem>>
      tpu.enqueue_dma source(%arg6 : memref<10240xf32, #tpu.memory_space<hbm>>) target(%arg16 : memref<10240xf32, #tpu.memory_space<vmem>>) target_semaphore(%run_scoped3A : memref<!tpu.dma_semaphore, #tpu.memory_space<semaphore_mem>>)
      tpu.wait_dma2 semaphore(%run_scoped3A : memref<!tpu.dma_semaphore, #tpu.memory_space<semaphore_mem>>) src(%arg6 : memref<10240xf32, #tpu.memory_space<hbm>>) dst(%arg16 : memref<10240xf32, #tpu.memory_space<vmem>>)
      tpu.yield
    }) : () -> ()
    %scan3A_5 = arith.constant 0 : i32
    %scan3A_6 = arith.constant 0 : i32
    %scan3A_7 = arith.constant 32 : i32
    %scan3A_8 = arith.addi %scan3A_6, %scan3A_7 : i32
    %scan3A_9 = arith.constant 1 : i32
    scf.for %scan3A_112 = %scan3A_6 to %scan3A_8 step %scan3A_9  : i32 {
      %broadcast_in_dim3A = arith.constant 0.000000e+00 : f32
      %broadcast_in_dim3A_113 = vector.broadcast %broadcast_in_dim3A : f32 to vector<16xf32>
      %swap3A = arith.index_cast %scan3A_112 : i32 to index
      %swap3A_114 = arith.constant 0 : index
      %swap3A_115 = tpu.vector_load %arg12[%swap3A, %swap3A_114] {strides = array<i32>} : memref<32x128xf32, #tpu.memory_space<vmem>>, vector<16xf32>,
      tpu.vector_store %arg12[%swap3A, %swap3A_114], %broadcast_in_dim3A_113 {strides = array<i32>} : memref<32x128xf32, #tpu.memory_space<vmem>>, vector<16xf32>,
      %broadcast_in_dim3A_116 = arith.constant 0.000000e+00 : f32
      %broadcast_in_dim3A_117 = vector.broadcast %broadcast_in_dim3A_116 : f32 to vector<16xf32>
      %swap3A_118 = arith.index_cast %scan3A_112 : i32 to index
      %swap3A_119 = arith.constant 16 : index
      %swap3A_120 = tpu.vector_load %arg12[%swap3A_118, %swap3A_119] {strides = array<i32>} : memref<32x128xf32, #tpu.memory_space<vmem>>, vector<16xf32>,
      tpu.vector_store %arg12[%swap3A_118, %swap3A_119], %broadcast_in_dim3A_117 {strides = array<i32>} : memref<32x128xf32, #tpu.memory_space<vmem>>, vector<16xf32>,
      %broadcast_in_dim3A_121 = arith.constant 0.000000e+00 : f32
      %broadcast_in_dim3A_122 = vector.broadcast %broadcast_in_dim3A_121 : f32 to vector<16xf32>
      %swap3A_123 = arith.index_cast %scan3A_112 : i32 to index
      %swap3A_124 = arith.constant 32 : index
      %swap3A_125 = tpu.vector_load %arg12[%swap3A_123, %swap3A_124] {strides = array<i32>} : memref<32x128xf32, #tpu.memory_space<vmem>>, vector<16xf32>,
      tpu.vector_store %arg12[%swap3A_123, %swap3A_124], %broadcast_in_dim3A_122 {strides = array<i32>} : memref<32x128xf32, #tpu.memory_space<vmem>>, vector<16xf32>,
      %broadcast_in_dim3A_126 = arith.constant 0.000000e+00 : f32
      %broadcast_in_dim3A_127 = vector.broadcast %broadcast_in_dim3A_126 : f32 to vector<16xf32>
      %swap3A_128 = arith.index_cast %scan3A_112 : i32 to index
      %swap3A_129 = arith.constant 48 : index
      %swap3A_130 = tpu.vector_load %arg12[%swap3A_128, %swap3A_129] {strides = array<i32>} : memref<32x128xf32, #tpu.memory_space<vmem>>, vector<16xf32>,
      tpu.vector_store %arg12[%swap3A_128, %swap3A_129], %broadcast_in_dim3A_127 {strides = array<i32>} : memref<32x128xf32, #tpu.memory_space<vmem>>, vector<16xf32>,
      %broadcast_in_dim3A_131 = arith.constant 0.000000e+00 : f32
      %broadcast_in_dim3A_132 = vector.broadcast %broadcast_in_dim3A_131 : f32 to vector<16xf32>
      %swap3A_133 = arith.index_cast %scan3A_112 : i32 to index
      %swap3A_134 = arith.constant 64 : index
      %swap3A_135 = tpu.vector_load %arg12[%swap3A_133, %swap3A_134] {strides = array<i32>} : memref<32x128xf32, #tpu.memory_space<vmem>>, vector<16xf32>,
      tpu.vector_store %arg12[%swap3A_133, %swap3A_134], %broadcast_in_dim3A_132 {strides = array<i32>} : memref<32x128xf32, #tpu.memory_space<vmem>>, vector<16xf32>,
      %broadcast_in_dim3A_136 = arith.constant 0.000000e+00 : f32
      %broadcast_in_dim3A_137 = vector.broadcast %broadcast_in_dim3A_136 : f32 to vector<16xf32>
      %swap3A_138 = arith.index_cast %scan3A_112 : i32 to index
      %swap3A_139 = arith.constant 80 : index
      %swap3A_140 = tpu.vector_load %arg12[%swap3A_138, %swap3A_139] {strides = array<i32>} : memref<32x128xf32, #tpu.memory_space<vmem>>, vector<16xf32>,
      tpu.vector_store %arg12[%swap3A_138, %swap3A_139], %broadcast_in_dim3A_137 {strides = array<i32>} : memref<32x128xf32, #tpu.memory_space<vmem>>, vector<16xf32>,
      %broadcast_in_dim3A_141 = arith.constant 0.000000e+00 : f32
      %broadcast_in_dim3A_142 = vector.broadcast %broadcast_in_dim3A_141 : f32 to vector<16xf32>
      %swap3A_143 = arith.index_cast %scan3A_112 : i32 to index
      %swap3A_144 = arith.constant 96 : index
      %swap3A_145 = tpu.vector_load %arg12[%swap3A_143, %swap3A_144] {strides = array<i32>} : memref<32x128xf32, #tpu.memory_space<vmem>>, vector<16xf32>,
      tpu.vector_store %arg12[%swap3A_143, %swap3A_144], %broadcast_in_dim3A_142 {strides = array<i32>} : memref<32x128xf32, #tpu.memory_space<vmem>>, vector<16xf32>,
      %broadcast_in_dim3A_146 = arith.constant 0.000000e+00 : f32
      %broadcast_in_dim3A_147 = vector.broadcast %broadcast_in_dim3A_146 : f32 to vector<16xf32>
      %swap3A_148 = arith.index_cast %scan3A_112 : i32 to index
      %swap3A_149 = arith.constant 112 : index
      %swap3A_150 = tpu.vector_load %arg12[%swap3A_148, %swap3A_149] {strides = array<i32>} : memref<32x128xf32, #tpu.memory_space<vmem>>, vector<16xf32>,
      tpu.vector_store %arg12[%swap3A_148, %swap3A_149], %broadcast_in_dim3A_147 {strides = array<i32>} : memref<32x128xf32, #tpu.memory_space<vmem>>, vector<16xf32>,
    }
    %scan3A_10 = arith.constant 32 : i32
    %mul3A = arith.constant 640 : i32
    %mul3A_11 = arith.muli %arg1, %mul3A : i32
    %add3A = arith.constant 0 : i32
    %add3A_12 = arith.addi %mul3A_11, %add3A : i32
    "tpu.region"() ({
      %run_scoped3A = tpu.sem_alloc : memref<!tpu.dma_semaphore, #tpu.memory_space<semaphore_mem>>
      %dma_start3A = arith.constant 0 : i32
      %dma_start3A_112 = tpu.memref_slice %arg18[%add3A_12, %dma_start3A] : memref<10240x128xf32, #tpu.memory_space<vmem_shared>> -> memref<32x128xf32, #tpu.memory_space<vmem_shared>>
      %dma_start3A_113 = arith.constant 0 : i32
      %dma_start3A_114 = tpu.memref_slice %arg18[%add3A_12, %dma_start3A_113] : memref<10240x128xf32, #tpu.memory_space<vmem_shared>> -> memref<32x128xf32, #tpu.memory_space<vmem_shared>>
      tpu.enqueue_dma source(%arg12 : memref<32x128xf32, #tpu.memory_space<vmem>>) target(%dma_start3A_114 : memref<32x128xf32, #tpu.memory_space<vmem_shared>>) target_semaphore(%run_scoped3A : memref<!tpu.dma_semaphore, #tpu.memory_space<semaphore_mem>>)
      %dma_wait3A = arith.constant 0 : i32
      %dma_wait3A_115 = tpu.memref_slice %arg18[%add3A_12, %dma_wait3A] : memref<10240x128xf32, #tpu.memory_space<vmem_shared>> -> memref<32x128xf32, #tpu.memory_space<vmem_shared>>
      %dma_wait3A_116 = arith.constant 0 : i32
      %dma_wait3A_117 = tpu.memref_slice %arg18[%add3A_12, %dma_wait3A_116] : memref<10240x128xf32, #tpu.memory_space<vmem_shared>> -> memref<32x128xf32, #tpu.memory_space<vmem_shared>>
      tpu.wait_dma2 semaphore(%run_scoped3A : memref<!tpu.dma_semaphore, #tpu.memory_space<semaphore_mem>>) src(%arg12 : memref<32x128xf32, #tpu.memory_space<vmem>>) dst(%dma_wait3A_117 : memref<32x128xf32, #tpu.memory_space<vmem_shared>>)
      tpu.yield
    }) : () -> ()
    %mul3A_13 = arith.constant 640 : i32
    %mul3A_14 = arith.muli %arg1, %mul3A_13 : i32
    %add3A_15 = arith.constant 32 : i32
    %add3A_16 = arith.addi %mul3A_14, %add3A_15 : i32
    "tpu.region"() ({
      %run_scoped3A = tpu.sem_alloc : memref<!tpu.dma_semaphore, #tpu.memory_space<semaphore_mem>>
      %dma_start3A = arith.constant 0 : i32
      %dma_start3A_112 = tpu.memref_slice %arg18[%add3A_16, %dma_start3A] : memref<10240x128xf32, #tpu.memory_space<vmem_shared>> -> memref<32x128xf32, #tpu.memory_space<vmem_shared>>
      %dma_start3A_113 = arith.constant 0 : i32
      %dma_start3A_114 = tpu.memref_slice %arg18[%add3A_16, %dma_start3A_113] : memref<10240x128xf32, #tpu.memory_space<vmem_shared>> -> memref<32x128xf32, #tpu.memory_space<vmem_shared>>
      tpu.enqueue_dma source(%arg12 : memref<32x128xf32, #tpu.memory_space<vmem>>) target(%dma_start3A_114 : memref<32x128xf32, #tpu.memory_space<vmem_shared>>) target_semaphore(%run_scoped3A : memref<!tpu.dma_semaphore, #tpu.memory_space<semaphore_mem>>)
      %dma_wait3A = arith.constant 0 : i32
      %dma_wait3A_115 = tpu.memref_slice %arg18[%add3A_16, %dma_wait3A] : memref<10240x128xf32, #tpu.memory_space<vmem_shared>> -> memref<32x128xf32, #tpu.memory_space<vmem_shared>>
      %dma_wait3A_116 = arith.constant 0 : i32
      %dma_wait3A_117 = tpu.memref_slice %arg18[%add3A_16, %dma_wait3A_116] : memref<10240x128xf32, #tpu.memory_space<vmem_shared>> -> memref<32x128xf32, #tpu.memory_space<vmem_shared>>
      tpu.wait_dma2 semaphore(%run_scoped3A : memref<!tpu.dma_semaphore, #tpu.memory_space<semaphore_mem>>) src(%arg12 : memref<32x128xf32, #tpu.memory_space<vmem>>) dst(%dma_wait3A_117 : memref<32x128xf32, #tpu.memory_space<vmem_shared>>)
      tpu.yield
    }) : () -> ()
    %mul3A_17 = arith.constant 640 : i32
    %mul3A_18 = arith.muli %arg1, %mul3A_17 : i32
    %add3A_19 = arith.constant 64 : i32
    %add3A_20 = arith.addi %mul3A_18, %add3A_19 : i32
    "tpu.region"() ({
      %run_scoped3A = tpu.sem_alloc : memref<!tpu.dma_semaphore, #tpu.memory_space<semaphore_mem>>
      %dma_start3A = arith.constant 0 : i32
      %dma_start3A_112 = tpu.memref_slice %arg18[%add3A_20, %dma_start3A] : memref<10240x128xf32, #tpu.memory_space<vmem_shared>> -> memref<32x128xf32, #tpu.memory_space<vmem_shared>>
      %dma_start3A_113 = arith.constant 0 : i32
      %dma_start3A_114 = tpu.memref_slice %arg18[%add3A_20, %dma_start3A_113] : memref<10240x128xf32, #tpu.memory_space<vmem_shared>> -> memref<32x128xf32, #tpu.memory_space<vmem_shared>>
      tpu.enqueue_dma source(%arg12 : memref<32x128xf32, #tpu.memory_space<vmem>>) target(%dma_start3A_114 : memref<32x128xf32, #tpu.memory_space<vmem_shared>>) target_semaphore(%run_scoped3A : memref<!tpu.dma_semaphore, #tpu.memory_space<semaphore_mem>>)
      %dma_wait3A = arith.constant 0 : i32
      %dma_wait3A_115 = tpu.memref_slice %arg18[%add3A_20, %dma_wait3A] : memref<10240x128xf32, #tpu.memory_space<vmem_shared>> -> memref<32x128xf32, #tpu.memory_space<vmem_shared>>
      %dma_wait3A_116 = arith.constant 0 : i32
      %dma_wait3A_117 = tpu.memref_slice %arg18[%add3A_20, %dma_wait3A_116] : memref<10240x128xf32, #tpu.memory_space<vmem_shared>> -> memref<32x128xf32, #tpu.memory_space<vmem_shared>>
      tpu.wait_dma2 semaphore(%run_scoped3A : memref<!tpu.dma_semaphore, #tpu.memory_space<semaphore_mem>>) src(%arg12 : memref<32x128xf32, #tpu.memory_space<vmem>>) dst(%dma_wait3A_117 : memref<32x128xf32, #tpu.memory_space<vmem_shared>>)
      tpu.yield
    }) : () -> ()
    %mul3A_21 = arith.constant 640 : i32
    %mul3A_22 = arith.muli %arg1, %mul3A_21 : i32
    %add3A_23 = arith.constant 96 : i32
    %add3A_24 = arith.addi %mul3A_22, %add3A_23 : i32
    "tpu.region"() ({
      %run_scoped3A = tpu.sem_alloc : memref<!tpu.dma_semaphore, #tpu.memory_space<semaphore_mem>>
      %dma_start3A = arith.constant 0 : i32
      %dma_start3A_112 = tpu.memref_slice %arg18[%add3A_24, %dma_start3A] : memref<10240x128xf32, #tpu.memory_space<vmem_shared>> -> memref<32x128xf32, #tpu.memory_space<vmem_shared>>
      %dma_start3A_113 = arith.constant 0 : i32
      %dma_start3A_114 = tpu.memref_slice %arg18[%add3A_24, %dma_start3A_113] : memref<10240x128xf32, #tpu.memory_space<vmem_shared>> -> memref<32x128xf32, #tpu.memory_space<vmem_shared>>
      tpu.enqueue_dma source(%arg12 : memref<32x128xf32, #tpu.memory_space<vmem>>) target(%dma_start3A_114 : memref<32x128xf32, #tpu.memory_space<vmem_shared>>) target_semaphore(%run_scoped3A : memref<!tpu.dma_semaphore, #tpu.memory_space<semaphore_mem>>)
      %dma_wait3A = arith.constant 0 : i32
      %dma_wait3A_115 = tpu.memref_slice %arg18[%add3A_24, %dma_wait3A] : memref<10240x128xf32, #tpu.memory_space<vmem_shared>> -> memref<32x128xf32, #tpu.memory_space<vmem_shared>>
      %dma_wait3A_116 = arith.constant 0 : i32
      %dma_wait3A_117 = tpu.memref_slice %arg18[%add3A_24, %dma_wait3A_116] : memref<10240x128xf32, #tpu.memory_space<vmem_shared>> -> memref<32x128xf32, #tpu.memory_space<vmem_shared>>
      tpu.wait_dma2 semaphore(%run_scoped3A : memref<!tpu.dma_semaphore, #tpu.memory_space<semaphore_mem>>) src(%arg12 : memref<32x128xf32, #tpu.memory_space<vmem>>) dst(%dma_wait3A_117 : memref<32x128xf32, #tpu.memory_space<vmem_shared>>)
      tpu.yield
    }) : () -> ()
    %mul3A_25 = arith.constant 640 : i32
    %mul3A_26 = arith.muli %arg1, %mul3A_25 : i32
    %add3A_27 = arith.constant 128 : i32
    %add3A_28 = arith.addi %mul3A_26, %add3A_27 : i32
    "tpu.region"() ({
      %run_scoped3A = tpu.sem_alloc : memref<!tpu.dma_semaphore, #tpu.memory_space<semaphore_mem>>
      %dma_start3A = arith.constant 0 : i32
      %dma_start3A_112 = tpu.memref_slice %arg18[%add3A_28, %dma_start3A] : memref<10240x128xf32, #tpu.memory_space<vmem_shared>> -> memref<32x128xf32, #tpu.memory_space<vmem_shared>>
      %dma_start3A_113 = arith.constant 0 : i32
      %dma_start3A_114 = tpu.memref_slice %arg18[%add3A_28, %dma_start3A_113] : memref<10240x128xf32, #tpu.memory_space<vmem_shared>> -> memref<32x128xf32, #tpu.memory_space<vmem_shared>>
      tpu.enqueue_dma source(%arg12 : memref<32x128xf32, #tpu.memory_space<vmem>>) target(%dma_start3A_114 : memref<32x128xf32, #tpu.memory_space<vmem_shared>>) target_semaphore(%run_scoped3A : memref<!tpu.dma_semaphore, #tpu.memory_space<semaphore_mem>>)
      %dma_wait3A = arith.constant 0 : i32
      %dma_wait3A_115 = tpu.memref_slice %arg18[%add3A_28, %dma_wait3A] : memref<10240x128xf32, #tpu.memory_space<vmem_shared>> -> memref<32x128xf32, #tpu.memory_space<vmem_shared>>
      %dma_wait3A_116 = arith.constant 0 : i32
      %dma_wait3A_117 = tpu.memref_slice %arg18[%add3A_28, %dma_wait3A_116] : memref<10240x128xf32, #tpu.memory_space<vmem_shared>> -> memref<32x128xf32, #tpu.memory_space<vmem_shared>>
      tpu.wait_dma2 semaphore(%run_scoped3A : memref<!tpu.dma_semaphore, #tpu.memory_space<semaphore_mem>>) src(%arg12 : memref<32x128xf32, #tpu.memory_space<vmem>>) dst(%dma_wait3A_117 : memref<32x128xf32, #tpu.memory_space<vmem_shared>>)
      tpu.yield
    }) : () -> ()
    %mul3A_29 = arith.constant 640 : i32
    %mul3A_30 = arith.muli %arg1, %mul3A_29 : i32
    %add3A_31 = arith.constant 160 : i32
    %add3A_32 = arith.addi %mul3A_30, %add3A_31 : i32
    "tpu.region"() ({
      %run_scoped3A = tpu.sem_alloc : memref<!tpu.dma_semaphore, #tpu.memory_space<semaphore_mem>>
      %dma_start3A = arith.constant 0 : i32
      %dma_start3A_112 = tpu.memref_slice %arg18[%add3A_32, %dma_start3A] : memref<10240x128xf32, #tpu.memory_space<vmem_shared>> -> memref<32x128xf32, #tpu.memory_space<vmem_shared>>
      %dma_start3A_113 = arith.constant 0 : i32
      %dma_start3A_114 = tpu.memref_slice %arg18[%add3A_32, %dma_start3A_113] : memref<10240x128xf32, #tpu.memory_space<vmem_shared>> -> memref<32x128xf32, #tpu.memory_space<vmem_shared>>
      tpu.enqueue_dma source(%arg12 : memref<32x128xf32, #tpu.memory_space<vmem>>) target(%dma_start3A_114 : memref<32x128xf32, #tpu.memory_space<vmem_shared>>) target_semaphore(%run_scoped3A : memref<!tpu.dma_semaphore, #tpu.memory_space<semaphore_mem>>)
      %dma_wait3A = arith.constant 0 : i32
      %dma_wait3A_115 = tpu.memref_slice %arg18[%add3A_32, %dma_wait3A] : memref<10240x128xf32, #tpu.memory_space<vmem_shared>> -> memref<32x128xf32, #tpu.memory_space<vmem_shared>>
      %dma_wait3A_116 = arith.constant 0 : i32
      %dma_wait3A_117 = tpu.memref_slice %arg18[%add3A_32, %dma_wait3A_116] : memref<10240x128xf32, #tpu.memory_space<vmem_shared>> -> memref<32x128xf32, #tpu.memory_space<vmem_shared>>
      tpu.wait_dma2 semaphore(%run_scoped3A : memref<!tpu.dma_semaphore, #tpu.memory_space<semaphore_mem>>) src(%arg12 : memref<32x128xf32, #tpu.memory_space<vmem>>) dst(%dma_wait3A_117 : memref<32x128xf32, #tpu.memory_space<vmem_shared>>)
      tpu.yield
    }) : () -> ()
    %mul3A_33 = arith.constant 640 : i32
    %mul3A_34 = arith.muli %arg1, %mul3A_33 : i32
    %add3A_35 = arith.constant 192 : i32
    %add3A_36 = arith.addi %mul3A_34, %add3A_35 : i32
    "tpu.region"() ({
      %run_scoped3A = tpu.sem_alloc : memref<!tpu.dma_semaphore, #tpu.memory_space<semaphore_mem>>
      %dma_start3A = arith.constant 0 : i32
      %dma_start3A_112 = tpu.memref_slice %arg18[%add3A_36, %dma_start3A] : memref<10240x128xf32, #tpu.memory_space<vmem_shared>> -> memref<32x128xf32, #tpu.memory_space<vmem_shared>>
      %dma_start3A_113 = arith.constant 0 : i32
      %dma_start3A_114 = tpu.memref_slice %arg18[%add3A_36, %dma_start3A_113] : memref<10240x128xf32, #tpu.memory_space<vmem_shared>> -> memref<32x128xf32, #tpu.memory_space<vmem_shared>>
      tpu.enqueue_dma source(%arg12 : memref<32x128xf32, #tpu.memory_space<vmem>>) target(%dma_start3A_114 : memref<32x128xf32, #tpu.memory_space<vmem_shared>>) target_semaphore(%run_scoped3A : memref<!tpu.dma_semaphore, #tpu.memory_space<semaphore_mem>>)
      %dma_wait3A = arith.constant 0 : i32
      %dma_wait3A_115 = tpu.memref_slice %arg18[%add3A_36, %dma_wait3A] : memref<10240x128xf32, #tpu.memory_space<vmem_shared>> -> memref<32x128xf32, #tpu.memory_space<vmem_shared>>
      %dma_wait3A_116 = arith.constant 0 : i32
      %dma_wait3A_117 = tpu.memref_slice %arg18[%add3A_36, %dma_wait3A_116] : memref<10240x128xf32, #tpu.memory_space<vmem_shared>> -> memref<32x128xf32, #tpu.memory_space<vmem_shared>>
      tpu.wait_dma2 semaphore(%run_scoped3A : memref<!tpu.dma_semaphore, #tpu.memory_space<semaphore_mem>>) src(%arg12 : memref<32x128xf32, #tpu.memory_space<vmem>>) dst(%dma_wait3A_117 : memref<32x128xf32, #tpu.memory_space<vmem_shared>>)
      tpu.yield
    }) : () -> ()
    %mul3A_37 = arith.constant 640 : i32
    %mul3A_38 = arith.muli %arg1, %mul3A_37 : i32
    %add3A_39 = arith.constant 224 : i32
    %add3A_40 = arith.addi %mul3A_38, %add3A_39 : i32
    "tpu.region"() ({
      %run_scoped3A = tpu.sem_alloc : memref<!tpu.dma_semaphore, #tpu.memory_space<semaphore_mem>>
      %dma_start3A = arith.constant 0 : i32
      %dma_start3A_112 = tpu.memref_slice %arg18[%add3A_40, %dma_start3A] : memref<10240x128xf32, #tpu.memory_space<vmem_shared>> -> memref<32x128xf32, #tpu.memory_space<vmem_shared>>
      %dma_start3A_113 = arith.constant 0 : i32
      %dma_start3A_114 = tpu.memref_slice %arg18[%add3A_40, %dma_start3A_113] : memref<10240x128xf32, #tpu.memory_space<vmem_shared>> -> memref<32x128xf32, #tpu.memory_space<vmem_shared>>
      tpu.enqueue_dma source(%arg12 : memref<32x128xf32, #tpu.memory_space<vmem>>) target(%dma_start3A_114 : memref<32x128xf32, #tpu.memory_space<vmem_shared>>) target_semaphore(%run_scoped3A : memref<!tpu.dma_semaphore, #tpu.memory_space<semaphore_mem>>)
      %dma_wait3A = arith.constant 0 : i32
      %dma_wait3A_115 = tpu.memref_slice %arg18[%add3A_40, %dma_wait3A] : memref<10240x128xf32, #tpu.memory_space<vmem_shared>> -> memref<32x128xf32, #tpu.memory_space<vmem_shared>>
      %dma_wait3A_116 = arith.constant 0 : i32
      %dma_wait3A_117 = tpu.memref_slice %arg18[%add3A_40, %dma_wait3A_116] : memref<10240x128xf32, #tpu.memory_space<vmem_shared>> -> memref<32x128xf32, #tpu.memory_space<vmem_shared>>
      tpu.wait_dma2 semaphore(%run_scoped3A : memref<!tpu.dma_semaphore, #tpu.memory_space<semaphore_mem>>) src(%arg12 : memref<32x128xf32, #tpu.memory_space<vmem>>) dst(%dma_wait3A_117 : memref<32x128xf32, #tpu.memory_space<vmem_shared>>)
      tpu.yield
    }) : () -> ()
    %mul3A_41 = arith.constant 640 : i32
    %mul3A_42 = arith.muli %arg1, %mul3A_41 : i32
    %add3A_43 = arith.constant 256 : i32
    %add3A_44 = arith.addi %mul3A_42, %add3A_43 : i32
    "tpu.region"() ({
      %run_scoped3A = tpu.sem_alloc : memref<!tpu.dma_semaphore, #tpu.memory_space<semaphore_mem>>
      %dma_start3A = arith.constant 0 : i32
      %dma_start3A_112 = tpu.memref_slice %arg18[%add3A_44, %dma_start3A] : memref<10240x128xf32, #tpu.memory_space<vmem_shared>> -> memref<32x128xf32, #tpu.memory_space<vmem_shared>>
      %dma_start3A_113 = arith.constant 0 : i32
      %dma_start3A_114 = tpu.memref_slice %arg18[%add3A_44, %dma_start3A_113] : memref<10240x128xf32, #tpu.memory_space<vmem_shared>> -> memref<32x128xf32, #tpu.memory_space<vmem_shared>>
      tpu.enqueue_dma source(%arg12 : memref<32x128xf32, #tpu.memory_space<vmem>>) target(%dma_start3A_114 : memref<32x128xf32, #tpu.memory_space<vmem_shared>>) target_semaphore(%run_scoped3A : memref<!tpu.dma_semaphore, #tpu.memory_space<semaphore_mem>>)
      %dma_wait3A = arith.constant 0 : i32
      %dma_wait3A_115 = tpu.memref_slice %arg18[%add3A_44, %dma_wait3A] : memref<10240x128xf32, #tpu.memory_space<vmem_shared>> -> memref<32x128xf32, #tpu.memory_space<vmem_shared>>
      %dma_wait3A_116 = arith.constant 0 : i32
      %dma_wait3A_117 = tpu.memref_slice %arg18[%add3A_44, %dma_wait3A_116] : memref<10240x128xf32, #tpu.memory_space<vmem_shared>> -> memref<32x128xf32, #tpu.memory_space<vmem_shared>>
      tpu.wait_dma2 semaphore(%run_scoped3A : memref<!tpu.dma_semaphore, #tpu.memory_space<semaphore_mem>>) src(%arg12 : memref<32x128xf32, #tpu.memory_space<vmem>>) dst(%dma_wait3A_117 : memref<32x128xf32, #tpu.memory_space<vmem_shared>>)
      tpu.yield
    }) : () -> ()
    %mul3A_45 = arith.constant 640 : i32
    %mul3A_46 = arith.muli %arg1, %mul3A_45 : i32
    %add3A_47 = arith.constant 288 : i32
    %add3A_48 = arith.addi %mul3A_46, %add3A_47 : i32
    "tpu.region"() ({
      %run_scoped3A = tpu.sem_alloc : memref<!tpu.dma_semaphore, #tpu.memory_space<semaphore_mem>>
      %dma_start3A = arith.constant 0 : i32
      %dma_start3A_112 = tpu.memref_slice %arg18[%add3A_48, %dma_start3A] : memref<10240x128xf32, #tpu.memory_space<vmem_shared>> -> memref<32x128xf32, #tpu.memory_space<vmem_shared>>
      %dma_start3A_113 = arith.constant 0 : i32
      %dma_start3A_114 = tpu.memref_slice %arg18[%add3A_48, %dma_start3A_113] : memref<10240x128xf32, #tpu.memory_space<vmem_shared>> -> memref<32x128xf32, #tpu.memory_space<vmem_shared>>
      tpu.enqueue_dma source(%arg12 : memref<32x128xf32, #tpu.memory_space<vmem>>) target(%dma_start3A_114 : memref<32x128xf32, #tpu.memory_space<vmem_shared>>) target_semaphore(%run_scoped3A : memref<!tpu.dma_semaphore, #tpu.memory_space<semaphore_mem>>)
      %dma_wait3A = arith.constant 0 : i32
      %dma_wait3A_115 = tpu.memref_slice %arg18[%add3A_48, %dma_wait3A] : memref<10240x128xf32, #tpu.memory_space<vmem_shared>> -> memref<32x128xf32, #tpu.memory_space<vmem_shared>>
      %dma_wait3A_116 = arith.constant 0 : i32
      %dma_wait3A_117 = tpu.memref_slice %arg18[%add3A_48, %dma_wait3A_116] : memref<10240x128xf32, #tpu.memory_space<vmem_shared>> -> memref<32x128xf32, #tpu.memory_space<vmem_shared>>
      tpu.wait_dma2 semaphore(%run_scoped3A : memref<!tpu.dma_semaphore, #tpu.memory_space<semaphore_mem>>) src(%arg12 : memref<32x128xf32, #tpu.memory_space<vmem>>) dst(%dma_wait3A_117 : memref<32x128xf32, #tpu.memory_space<vmem_shared>>)
      tpu.yield
    }) : () -> ()
    %mul3A_49 = arith.constant 640 : i32
    %mul3A_50 = arith.muli %arg1, %mul3A_49 : i32
    %add3A_51 = arith.constant 320 : i32
    %add3A_52 = arith.addi %mul3A_50, %add3A_51 : i32
    "tpu.region"() ({
      %run_scoped3A = tpu.sem_alloc : memref<!tpu.dma_semaphore, #tpu.memory_space<semaphore_mem>>
      %dma_start3A = arith.constant 0 : i32
      %dma_start3A_112 = tpu.memref_slice %arg18[%add3A_52, %dma_start3A] : memref<10240x128xf32, #tpu.memory_space<vmem_shared>> -> memref<32x128xf32, #tpu.memory_space<vmem_shared>>
      %dma_start3A_113 = arith.constant 0 : i32
      %dma_start3A_114 = tpu.memref_slice %arg18[%add3A_52, %dma_start3A_113] : memref<10240x128xf32, #tpu.memory_space<vmem_shared>> -> memref<32x128xf32, #tpu.memory_space<vmem_shared>>
      tpu.enqueue_dma source(%arg12 : memref<32x128xf32, #tpu.memory_space<vmem>>) target(%dma_start3A_114 : memref<32x128xf32, #tpu.memory_space<vmem_shared>>) target_semaphore(%run_scoped3A : memref<!tpu.dma_semaphore, #tpu.memory_space<semaphore_mem>>)
      %dma_wait3A = arith.constant 0 : i32
      %dma_wait3A_115 = tpu.memref_slice %arg18[%add3A_52, %dma_wait3A] : memref<10240x128xf32, #tpu.memory_space<vmem_shared>> -> memref<32x128xf32, #tpu.memory_space<vmem_shared>>
      %dma_wait3A_116 = arith.constant 0 : i32
      %dma_wait3A_117 = tpu.memref_slice %arg18[%add3A_52, %dma_wait3A_116] : memref<10240x128xf32, #tpu.memory_space<vmem_shared>> -> memref<32x128xf32, #tpu.memory_space<vmem_shared>>
      tpu.wait_dma2 semaphore(%run_scoped3A : memref<!tpu.dma_semaphore, #tpu.memory_space<semaphore_mem>>) src(%arg12 : memref<32x128xf32, #tpu.memory_space<vmem>>) dst(%dma_wait3A_117 : memref<32x128xf32, #tpu.memory_space<vmem_shared>>)
      tpu.yield
    }) : () -> ()
    %mul3A_53 = arith.constant 640 : i32
    %mul3A_54 = arith.muli %arg1, %mul3A_53 : i32
    %add3A_55 = arith.constant 352 : i32
    %add3A_56 = arith.addi %mul3A_54, %add3A_55 : i32
    "tpu.region"() ({
      %run_scoped3A = tpu.sem_alloc : memref<!tpu.dma_semaphore, #tpu.memory_space<semaphore_mem>>
      %dma_start3A = arith.constant 0 : i32
      %dma_start3A_112 = tpu.memref_slice %arg18[%add3A_56, %dma_start3A] : memref<10240x128xf32, #tpu.memory_space<vmem_shared>> -> memref<32x128xf32, #tpu.memory_space<vmem_shared>>
      %dma_start3A_113 = arith.constant 0 : i32
      %dma_start3A_114 = tpu.memref_slice %arg18[%add3A_56, %dma_start3A_113] : memref<10240x128xf32, #tpu.memory_space<vmem_shared>> -> memref<32x128xf32, #tpu.memory_space<vmem_shared>>
      tpu.enqueue_dma source(%arg12 : memref<32x128xf32, #tpu.memory_space<vmem>>) target(%dma_start3A_114 : memref<32x128xf32, #tpu.memory_space<vmem_shared>>) target_semaphore(%run_scoped3A : memref<!tpu.dma_semaphore, #tpu.memory_space<semaphore_mem>>)
      %dma_wait3A = arith.constant 0 : i32
      %dma_wait3A_115 = tpu.memref_slice %arg18[%add3A_56, %dma_wait3A] : memref<10240x128xf32, #tpu.memory_space<vmem_shared>> -> memref<32x128xf32, #tpu.memory_space<vmem_shared>>
      %dma_wait3A_116 = arith.constant 0 : i32
      %dma_wait3A_117 = tpu.memref_slice %arg18[%add3A_56, %dma_wait3A_116] : memref<10240x128xf32, #tpu.memory_space<vmem_shared>> -> memref<32x128xf32, #tpu.memory_space<vmem_shared>>
      tpu.wait_dma2 semaphore(%run_scoped3A : memref<!tpu.dma_semaphore, #tpu.memory_space<semaphore_mem>>) src(%arg12 : memref<32x128xf32, #tpu.memory_space<vmem>>) dst(%dma_wait3A_117 : memref<32x128xf32, #tpu.memory_space<vmem_shared>>)
      tpu.yield
    }) : () -> ()
    %mul3A_57 = arith.constant 640 : i32
    %mul3A_58 = arith.muli %arg1, %mul3A_57 : i32
    %add3A_59 = arith.constant 384 : i32
    %add3A_60 = arith.addi %mul3A_58, %add3A_59 : i32
    "tpu.region"() ({
      %run_scoped3A = tpu.sem_alloc : memref<!tpu.dma_semaphore, #tpu.memory_space<semaphore_mem>>
      %dma_start3A = arith.constant 0 : i32
      %dma_start3A_112 = tpu.memref_slice %arg18[%add3A_60, %dma_start3A] : memref<10240x128xf32, #tpu.memory_space<vmem_shared>> -> memref<32x128xf32, #tpu.memory_space<vmem_shared>>
      %dma_start3A_113 = arith.constant 0 : i32
      %dma_start3A_114 = tpu.memref_slice %arg18[%add3A_60, %dma_start3A_113] : memref<10240x128xf32, #tpu.memory_space<vmem_shared>> -> memref<32x128xf32, #tpu.memory_space<vmem_shared>>
      tpu.enqueue_dma source(%arg12 : memref<32x128xf32, #tpu.memory_space<vmem>>) target(%dma_start3A_114 : memref<32x128xf32, #tpu.memory_space<vmem_shared>>) target_semaphore(%run_scoped3A : memref<!tpu.dma_semaphore, #tpu.memory_space<semaphore_mem>>)
      %dma_wait3A = arith.constant 0 : i32
      %dma_wait3A_115 = tpu.memref_slice %arg18[%add3A_60, %dma_wait3A] : memref<10240x128xf32, #tpu.memory_space<vmem_shared>> -> memref<32x128xf32, #tpu.memory_space<vmem_shared>>
      %dma_wait3A_116 = arith.constant 0 : i32
      %dma_wait3A_117 = tpu.memref_slice %arg18[%add3A_60, %dma_wait3A_116] : memref<10240x128xf32, #tpu.memory_space<vmem_shared>> -> memref<32x128xf32, #tpu.memory_space<vmem_shared>>
      tpu.wait_dma2 semaphore(%run_scoped3A : memref<!tpu.dma_semaphore, #tpu.memory_space<semaphore_mem>>) src(%arg12 : memref<32x128xf32, #tpu.memory_space<vmem>>) dst(%dma_wait3A_117 : memref<32x128xf32, #tpu.memory_space<vmem_shared>>)
      tpu.yield
    }) : () -> ()
    %mul3A_61 = arith.constant 640 : i32
    %mul3A_62 = arith.muli %arg1, %mul3A_61 : i32
    %add3A_63 = arith.constant 416 : i32
    %add3A_64 = arith.addi %mul3A_62, %add3A_63 : i32
    "tpu.region"() ({
      %run_scoped3A = tpu.sem_alloc : memref<!tpu.dma_semaphore, #tpu.memory_space<semaphore_mem>>
      %dma_start3A = arith.constant 0 : i32
      %dma_start3A_112 = tpu.memref_slice %arg18[%add3A_64, %dma_start3A] : memref<10240x128xf32, #tpu.memory_space<vmem_shared>> -> memref<32x128xf32, #tpu.memory_space<vmem_shared>>
      %dma_start3A_113 = arith.constant 0 : i32
      %dma_start3A_114 = tpu.memref_slice %arg18[%add3A_64, %dma_start3A_113] : memref<10240x128xf32, #tpu.memory_space<vmem_shared>> -> memref<32x128xf32, #tpu.memory_space<vmem_shared>>
      tpu.enqueue_dma source(%arg12 : memref<32x128xf32, #tpu.memory_space<vmem>>) target(%dma_start3A_114 : memref<32x128xf32, #tpu.memory_space<vmem_shared>>) target_semaphore(%run_scoped3A : memref<!tpu.dma_semaphore, #tpu.memory_space<semaphore_mem>>)
      %dma_wait3A = arith.constant 0 : i32
      %dma_wait3A_115 = tpu.memref_slice %arg18[%add3A_64, %dma_wait3A] : memref<10240x128xf32, #tpu.memory_space<vmem_shared>> -> memref<32x128xf32, #tpu.memory_space<vmem_shared>>
      %dma_wait3A_116 = arith.constant 0 : i32
      %dma_wait3A_117 = tpu.memref_slice %arg18[%add3A_64, %dma_wait3A_116] : memref<10240x128xf32, #tpu.memory_space<vmem_shared>> -> memref<32x128xf32, #tpu.memory_space<vmem_shared>>
      tpu.wait_dma2 semaphore(%run_scoped3A : memref<!tpu.dma_semaphore, #tpu.memory_space<semaphore_mem>>) src(%arg12 : memref<32x128xf32, #tpu.memory_space<vmem>>) dst(%dma_wait3A_117 : memref<32x128xf32, #tpu.memory_space<vmem_shared>>)
      tpu.yield
    }) : () -> ()
    %mul3A_65 = arith.constant 640 : i32
    %mul3A_66 = arith.muli %arg1, %mul3A_65 : i32
    %add3A_67 = arith.constant 448 : i32
    %add3A_68 = arith.addi %mul3A_66, %add3A_67 : i32
    "tpu.region"() ({
      %run_scoped3A = tpu.sem_alloc : memref<!tpu.dma_semaphore, #tpu.memory_space<semaphore_mem>>
      %dma_start3A = arith.constant 0 : i32
      %dma_start3A_112 = tpu.memref_slice %arg18[%add3A_68, %dma_start3A] : memref<10240x128xf32, #tpu.memory_space<vmem_shared>> -> memref<32x128xf32, #tpu.memory_space<vmem_shared>>
      %dma_start3A_113 = arith.constant 0 : i32
      %dma_start3A_114 = tpu.memref_slice %arg18[%add3A_68, %dma_start3A_113] : memref<10240x128xf32, #tpu.memory_space<vmem_shared>> -> memref<32x128xf32, #tpu.memory_space<vmem_shared>>
      tpu.enqueue_dma source(%arg12 : memref<32x128xf32, #tpu.memory_space<vmem>>) target(%dma_start3A_114 : memref<32x128xf32, #tpu.memory_space<vmem_shared>>) target_semaphore(%run_scoped3A : memref<!tpu.dma_semaphore, #tpu.memory_space<semaphore_mem>>)
      %dma_wait3A = arith.constant 0 : i32
      %dma_wait3A_115 = tpu.memref_slice %arg18[%add3A_68, %dma_wait3A] : memref<10240x128xf32, #tpu.memory_space<vmem_shared>> -> memref<32x128xf32, #tpu.memory_space<vmem_shared>>
      %dma_wait3A_116 = arith.constant 0 : i32
      %dma_wait3A_117 = tpu.memref_slice %arg18[%add3A_68, %dma_wait3A_116] : memref<10240x128xf32, #tpu.memory_space<vmem_shared>> -> memref<32x128xf32, #tpu.memory_space<vmem_shared>>
      tpu.wait_dma2 semaphore(%run_scoped3A : memref<!tpu.dma_semaphore, #tpu.memory_space<semaphore_mem>>) src(%arg12 : memref<32x128xf32, #tpu.memory_space<vmem>>) dst(%dma_wait3A_117 : memref<32x128xf32, #tpu.memory_space<vmem_shared>>)
      tpu.yield
    }) : () -> ()
    %mul3A_69 = arith.constant 640 : i32
    %mul3A_70 = arith.muli %arg1, %mul3A_69 : i32
    %add3A_71 = arith.constant 480 : i32
    %add3A_72 = arith.addi %mul3A_70, %add3A_71 : i32
    "tpu.region"() ({
      %run_scoped3A = tpu.sem_alloc : memref<!tpu.dma_semaphore, #tpu.memory_space<semaphore_mem>>
      %dma_start3A = arith.constant 0 : i32
      %dma_start3A_112 = tpu.memref_slice %arg18[%add3A_72, %dma_start3A] : memref<10240x128xf32, #tpu.memory_space<vmem_shared>> -> memref<32x128xf32, #tpu.memory_space<vmem_shared>>
      %dma_start3A_113 = arith.constant 0 : i32
      %dma_start3A_114 = tpu.memref_slice %arg18[%add3A_72, %dma_start3A_113] : memref<10240x128xf32, #tpu.memory_space<vmem_shared>> -> memref<32x128xf32, #tpu.memory_space<vmem_shared>>
      tpu.enqueue_dma source(%arg12 : memref<32x128xf32, #tpu.memory_space<vmem>>) target(%dma_start3A_114 : memref<32x128xf32, #tpu.memory_space<vmem_shared>>) target_semaphore(%run_scoped3A : memref<!tpu.dma_semaphore, #tpu.memory_space<semaphore_mem>>)
      %dma_wait3A = arith.constant 0 : i32
      %dma_wait3A_115 = tpu.memref_slice %arg18[%add3A_72, %dma_wait3A] : memref<10240x128xf32, #tpu.memory_space<vmem_shared>> -> memref<32x128xf32, #tpu.memory_space<vmem_shared>>
      %dma_wait3A_116 = arith.constant 0 : i32
      %dma_wait3A_117 = tpu.memref_slice %arg18[%add3A_72, %dma_wait3A_116] : memref<10240x128xf32, #tpu.memory_space<vmem_shared>> -> memref<32x128xf32, #tpu.memory_space<vmem_shared>>
      tpu.wait_dma2 semaphore(%run_scoped3A : memref<!tpu.dma_semaphore, #tpu.memory_space<semaphore_mem>>) src(%arg12 : memref<32x128xf32, #tpu.memory_space<vmem>>) dst(%dma_wait3A_117 : memref<32x128xf32, #tpu.memory_space<vmem_shared>>)
      tpu.yield
    }) : () -> ()
    %mul3A_73 = arith.constant 640 : i32
    %mul3A_74 = arith.muli %arg1, %mul3A_73 : i32
    %add3A_75 = arith.constant 512 : i32
    %add3A_76 = arith.addi %mul3A_74, %add3A_75 : i32
    "tpu.region"() ({
      %run_scoped3A = tpu.sem_alloc : memref<!tpu.dma_semaphore, #tpu.memory_space<semaphore_mem>>
      %dma_start3A = arith.constant 0 : i32
      %dma_start3A_112 = tpu.memref_slice %arg18[%add3A_76, %dma_start3A] : memref<10240x128xf32, #tpu.memory_space<vmem_shared>> -> memref<32x128xf32, #tpu.memory_space<vmem_shared>>
      %dma_start3A_113 = arith.constant 0 : i32
      %dma_start3A_114 = tpu.memref_slice %arg18[%add3A_76, %dma_start3A_113] : memref<10240x128xf32, #tpu.memory_space<vmem_shared>> -> memref<32x128xf32, #tpu.memory_space<vmem_shared>>
      tpu.enqueue_dma source(%arg12 : memref<32x128xf32, #tpu.memory_space<vmem>>) target(%dma_start3A_114 : memref<32x128xf32, #tpu.memory_space<vmem_shared>>) target_semaphore(%run_scoped3A : memref<!tpu.dma_semaphore, #tpu.memory_space<semaphore_mem>>)
      %dma_wait3A = arith.constant 0 : i32
      %dma_wait3A_115 = tpu.memref_slice %arg18[%add3A_76, %dma_wait3A] : memref<10240x128xf32, #tpu.memory_space<vmem_shared>> -> memref<32x128xf32, #tpu.memory_space<vmem_shared>>
      %dma_wait3A_116 = arith.constant 0 : i32
      %dma_wait3A_117 = tpu.memref_slice %arg18[%add3A_76, %dma_wait3A_116] : memref<10240x128xf32, #tpu.memory_space<vmem_shared>> -> memref<32x128xf32, #tpu.memory_space<vmem_shared>>
      tpu.wait_dma2 semaphore(%run_scoped3A : memref<!tpu.dma_semaphore, #tpu.memory_space<semaphore_mem>>) src(%arg12 : memref<32x128xf32, #tpu.memory_space<vmem>>) dst(%dma_wait3A_117 : memref<32x128xf32, #tpu.memory_space<vmem_shared>>)
      tpu.yield
    }) : () -> ()
    %mul3A_77 = arith.constant 640 : i32
    %mul3A_78 = arith.muli %arg1, %mul3A_77 : i32
    %add3A_79 = arith.constant 544 : i32
    %add3A_80 = arith.addi %mul3A_78, %add3A_79 : i32
    "tpu.region"() ({
      %run_scoped3A = tpu.sem_alloc : memref<!tpu.dma_semaphore, #tpu.memory_space<semaphore_mem>>
      %dma_start3A = arith.constant 0 : i32
      %dma_start3A_112 = tpu.memref_slice %arg18[%add3A_80, %dma_start3A] : memref<10240x128xf32, #tpu.memory_space<vmem_shared>> -> memref<32x128xf32, #tpu.memory_space<vmem_shared>>
      %dma_start3A_113 = arith.constant 0 : i32
      %dma_start3A_114 = tpu.memref_slice %arg18[%add3A_80, %dma_start3A_113] : memref<10240x128xf32, #tpu.memory_space<vmem_shared>> -> memref<32x128xf32, #tpu.memory_space<vmem_shared>>
      tpu.enqueue_dma source(%arg12 : memref<32x128xf32, #tpu.memory_space<vmem>>) target(%dma_start3A_114 : memref<32x128xf32, #tpu.memory_space<vmem_shared>>) target_semaphore(%run_scoped3A : memref<!tpu.dma_semaphore, #tpu.memory_space<semaphore_mem>>)
      %dma_wait3A = arith.constant 0 : i32
      %dma_wait3A_115 = tpu.memref_slice %arg18[%add3A_80, %dma_wait3A] : memref<10240x128xf32, #tpu.memory_space<vmem_shared>> -> memref<32x128xf32, #tpu.memory_space<vmem_shared>>
      %dma_wait3A_116 = arith.constant 0 : i32
      %dma_wait3A_117 = tpu.memref_slice %arg18[%add3A_80, %dma_wait3A_116] : memref<10240x128xf32, #tpu.memory_space<vmem_shared>> -> memref<32x128xf32, #tpu.memory_space<vmem_shared>>
      tpu.wait_dma2 semaphore(%run_scoped3A : memref<!tpu.dma_semaphore, #tpu.memory_space<semaphore_mem>>) src(%arg12 : memref<32x128xf32, #tpu.memory_space<vmem>>) dst(%dma_wait3A_117 : memref<32x128xf32, #tpu.memory_space<vmem_shared>>)
      tpu.yield
    }) : () -> ()
    %mul3A_81 = arith.constant 640 : i32
    %mul3A_82 = arith.muli %arg1, %mul3A_81 : i32
    %add3A_83 = arith.constant 576 : i32
    %add3A_84 = arith.addi %mul3A_82, %add3A_83 : i32
    "tpu.region"() ({
      %run_scoped3A = tpu.sem_alloc : memref<!tpu.dma_semaphore, #tpu.memory_space<semaphore_mem>>
      %dma_start3A = arith.constant 0 : i32
      %dma_start3A_112 = tpu.memref_slice %arg18[%add3A_84, %dma_start3A] : memref<10240x128xf32, #tpu.memory_space<vmem_shared>> -> memref<32x128xf32, #tpu.memory_space<vmem_shared>>
      %dma_start3A_113 = arith.constant 0 : i32
      %dma_start3A_114 = tpu.memref_slice %arg18[%add3A_84, %dma_start3A_113] : memref<10240x128xf32, #tpu.memory_space<vmem_shared>> -> memref<32x128xf32, #tpu.memory_space<vmem_shared>>
      tpu.enqueue_dma source(%arg12 : memref<32x128xf32, #tpu.memory_space<vmem>>) target(%dma_start3A_114 : memref<32x128xf32, #tpu.memory_space<vmem_shared>>) target_semaphore(%run_scoped3A : memref<!tpu.dma_semaphore, #tpu.memory_space<semaphore_mem>>)
      %dma_wait3A = arith.constant 0 : i32
      %dma_wait3A_115 = tpu.memref_slice %arg18[%add3A_84, %dma_wait3A] : memref<10240x128xf32, #tpu.memory_space<vmem_shared>> -> memref<32x128xf32, #tpu.memory_space<vmem_shared>>
      %dma_wait3A_116 = arith.constant 0 : i32
      %dma_wait3A_117 = tpu.memref_slice %arg18[%add3A_84, %dma_wait3A_116] : memref<10240x128xf32, #tpu.memory_space<vmem_shared>> -> memref<32x128xf32, #tpu.memory_space<vmem_shared>>
      tpu.wait_dma2 semaphore(%run_scoped3A : memref<!tpu.dma_semaphore, #tpu.memory_space<semaphore_mem>>) src(%arg12 : memref<32x128xf32, #tpu.memory_space<vmem>>) dst(%dma_wait3A_117 : memref<32x128xf32, #tpu.memory_space<vmem_shared>>)
      tpu.yield
    }) : () -> ()
    %mul3A_85 = arith.constant 640 : i32
    %mul3A_86 = arith.muli %arg1, %mul3A_85 : i32
    %add3A_87 = arith.constant 608 : i32
    %add3A_88 = arith.addi %mul3A_86, %add3A_87 : i32
    "tpu.region"() ({
      %run_scoped3A = tpu.sem_alloc : memref<!tpu.dma_semaphore, #tpu.memory_space<semaphore_mem>>
      %dma_start3A = arith.constant 0 : i32
      %dma_start3A_112 = tpu.memref_slice %arg18[%add3A_88, %dma_start3A] : memref<10240x128xf32, #tpu.memory_space<vmem_shared>> -> memref<32x128xf32, #tpu.memory_space<vmem_shared>>
      %dma_start3A_113 = arith.constant 0 : i32
      %dma_start3A_114 = tpu.memref_slice %arg18[%add3A_88, %dma_start3A_113] : memref<10240x128xf32, #tpu.memory_space<vmem_shared>> -> memref<32x128xf32, #tpu.memory_space<vmem_shared>>
      tpu.enqueue_dma source(%arg12 : memref<32x128xf32, #tpu.memory_space<vmem>>) target(%dma_start3A_114 : memref<32x128xf32, #tpu.memory_space<vmem_shared>>) target_semaphore(%run_scoped3A : memref<!tpu.dma_semaphore, #tpu.memory_space<semaphore_mem>>)
      %dma_wait3A = arith.constant 0 : i32
      %dma_wait3A_115 = tpu.memref_slice %arg18[%add3A_88, %dma_wait3A] : memref<10240x128xf32, #tpu.memory_space<vmem_shared>> -> memref<32x128xf32, #tpu.memory_space<vmem_shared>>
      %dma_wait3A_116 = arith.constant 0 : i32
      %dma_wait3A_117 = tpu.memref_slice %arg18[%add3A_88, %dma_wait3A_116] : memref<10240x128xf32, #tpu.memory_space<vmem_shared>> -> memref<32x128xf32, #tpu.memory_space<vmem_shared>>
      tpu.wait_dma2 semaphore(%run_scoped3A : memref<!tpu.dma_semaphore, #tpu.memory_space<semaphore_mem>>) src(%arg12 : memref<32x128xf32, #tpu.memory_space<vmem>>) dst(%dma_wait3A_117 : memref<32x128xf32, #tpu.memory_space<vmem_shared>>)
      tpu.yield
    }) : () -> ()
    %barrier3A = arith.constant 0 : index
    tpu.barrier barrier_id(%barrier3A)
    %eq3A = arith.constant 0 : i32
    %eq3A_89 = arith.cmpi eq, %arg0, %eq3A : i32
    %convert_element_type3A = arith.extui %eq3A_89 : i1 to i32
    %cond3A = arith.constant 0 : i32
    %cond3A_90 = arith.cmpi ne, %convert_element_type3A, %cond3A : i32
    scf.if %cond3A_90 {
      %mul3A_112 = arith.constant 320 : i32
      %mul3A_113 = arith.muli %arg1, %mul3A_112 : i32
      %add3A_114 = arith.constant 0 : i32
      %add3A_115 = arith.addi %mul3A_113, %add3A_114 : i32
      "tpu.region"() ({
        %run_scoped3A = tpu.sem_alloc : memref<!tpu.dma_semaphore, #tpu.memory_space<semaphore_mem>>
        %dma_start3A_195 = arith.constant 0 : i32
        %dma_start3A_196 = tpu.memref_slice %arg2[%add3A_115, %dma_start3A_195] : memref<5120x32xi32, #tpu.memory_space<hbm>> -> memref<160x32xi32, #tpu.memory_space<hbm>>
        %dma_start3A_197 = arith.constant 0 : i32
        %dma_start3A_198 = tpu.memref_slice %arg2[%add3A_115, %dma_start3A_197] : memref<5120x32xi32, #tpu.memory_space<hbm>> -> memref<160x32xi32, #tpu.memory_space<hbm>>
        tpu.enqueue_dma source(%dma_start3A_198 : memref<160x32xi32, #tpu.memory_space<hbm>>) target(%arg10 : memref<160x32xi32, #tpu.memory_space<vmem>>) target_semaphore(%run_scoped3A : memref<!tpu.dma_semaphore, #tpu.memory_space<semaphore_mem>>)
        %dma_wait3A = arith.constant 0 : i32
        %dma_wait3A_199 = tpu.memref_slice %arg2[%add3A_115, %dma_wait3A] : memref<5120x32xi32, #tpu.memory_space<hbm>> -> memref<160x32xi32, #tpu.memory_space<hbm>>
        %dma_wait3A_200 = arith.constant 0 : i32
        %dma_wait3A_201 = tpu.memref_slice %arg2[%add3A_115, %dma_wait3A_200] : memref<5120x32xi32, #tpu.memory_space<hbm>> -> memref<160x32xi32, #tpu.memory_space<hbm>>
        tpu.wait_dma2 semaphore(%run_scoped3A : memref<!tpu.dma_semaphore, #tpu.memory_space<semaphore_mem>>) src(%dma_wait3A_201 : memref<160x32xi32, #tpu.memory_space<hbm>>) dst(%arg10 : memref<160x32xi32, #tpu.memory_space<vmem>>)
        tpu.yield
      }) : () -> ()
      %mul3A_116 = arith.constant 320 : i32
      %mul3A_117 = arith.muli %arg1, %mul3A_116 : i32
      %add3A_118 = arith.constant 0 : i32
      %add3A_119 = arith.addi %mul3A_117, %add3A_118 : i32
      "tpu.region"() ({
        %run_scoped3A = tpu.sem_alloc : memref<!tpu.dma_semaphore, #tpu.memory_space<semaphore_mem>>
        %dma_start3A_195 = arith.constant 0 : i32
        %dma_start3A_196 = tpu.memref_slice %arg3[%add3A_119, %dma_start3A_195] : memref<5120x32xi32, #tpu.memory_space<hbm>> -> memref<160x32xi32, #tpu.memory_space<hbm>>
        %dma_start3A_197 = arith.constant 0 : i32
        %dma_start3A_198 = tpu.memref_slice %arg3[%add3A_119, %dma_start3A_197] : memref<5120x32xi32, #tpu.memory_space<hbm>> -> memref<160x32xi32, #tpu.memory_space<hbm>>
        tpu.enqueue_dma source(%dma_start3A_198 : memref<160x32xi32, #tpu.memory_space<hbm>>) target(%arg11 : memref<160x32xi32, #tpu.memory_space<vmem>>) target_semaphore(%run_scoped3A : memref<!tpu.dma_semaphore, #tpu.memory_space<semaphore_mem>>)
        %dma_wait3A = arith.constant 0 : i32
        %dma_wait3A_199 = tpu.memref_slice %arg3[%add3A_119, %dma_wait3A] : memref<5120x32xi32, #tpu.memory_space<hbm>> -> memref<160x32xi32, #tpu.memory_space<hbm>>
        %dma_wait3A_200 = arith.constant 0 : i32
        %dma_wait3A_201 = tpu.memref_slice %arg3[%add3A_119, %dma_wait3A_200] : memref<5120x32xi32, #tpu.memory_space<hbm>> -> memref<160x32xi32, #tpu.memory_space<hbm>>
        tpu.wait_dma2 semaphore(%run_scoped3A : memref<!tpu.dma_semaphore, #tpu.memory_space<semaphore_mem>>) src(%dma_wait3A_201 : memref<160x32xi32, #tpu.memory_space<hbm>>) dst(%arg11 : memref<160x32xi32, #tpu.memory_space<vmem>>)
        tpu.yield
      }) : () -> ()
      %dma_start3A = arith.constant 0 : i32
      %dma_start3A_120 = arith.constant 0 : i32
      %dma_start3A_121 = tpu.memref_slice %arg10[%dma_start3A, %dma_start3A_120] : memref<160x32xi32, #tpu.memory_space<vmem>> -> memref<1x32xi32, #tpu.memory_space<vmem>>
      %dma_start3A_122 = tpu.memref_squeeze %dma_start3A_121 : memref<1x32xi32, #tpu.memory_space<vmem>> -> memref<32xi32, #tpu.memory_space<vmem>>
      %dma_start3A_123 = arith.constant 0 : i32
      %dma_start3A_124 = arith.constant 0 : i32
      %dma_start3A_125 = tpu.memref_slice %arg4[%dma_start3A_123, %dma_start3A_124] : memref<10240x128xf32, #tpu.memory_space<hbm>> -> memref<10240x128xf32, #tpu.memory_space<hbm>>
      tpu.enqueue_indirect_dma source(%dma_start3A_125 : memref<10240x128xf32, #tpu.memory_space<hbm>>) target(%arg12 : memref<32x128xf32, #tpu.memory_space<vmem>>) offsets(%dma_start3A_122 : memref<32xi32, #tpu.memory_space<vmem>>) semaphore(%arg19 : memref<!tpu.dma_semaphore, #tpu.memory_space<semaphore_mem>>)
      %dma_start3A_126 = arith.constant 1 : i32
      %dma_start3A_127 = arith.constant 0 : i32
      %dma_start3A_128 = tpu.memref_slice %arg10[%dma_start3A_126, %dma_start3A_127] : memref<160x32xi32, #tpu.memory_space<vmem>> -> memref<1x32xi32, #tpu.memory_space<vmem>>
      %dma_start3A_129 = tpu.memref_squeeze %dma_start3A_128 : memref<1x32xi32, #tpu.memory_space<vmem>> -> memref<32xi32, #tpu.memory_space<vmem>>
      %dma_start3A_130 = arith.constant 0 : i32
      %dma_start3A_131 = arith.constant 0 : i32
      %dma_start3A_132 = tpu.memref_slice %arg4[%dma_start3A_130, %dma_start3A_131] : memref<10240x128xf32, #tpu.memory_space<hbm>> -> memref<10240x128xf32, #tpu.memory_space<hbm>>
      tpu.enqueue_indirect_dma source(%dma_start3A_132 : memref<10240x128xf32, #tpu.memory_space<hbm>>) target(%arg13 : memref<32x128xf32, #tpu.memory_space<vmem>>) offsets(%dma_start3A_129 : memref<32xi32, #tpu.memory_space<vmem>>) semaphore(%arg20 : memref<!tpu.dma_semaphore, #tpu.memory_space<semaphore_mem>>)
      %dma_start3A_133 = arith.constant 2 : i32
      %dma_start3A_134 = arith.constant 0 : i32
      %dma_start3A_135 = tpu.memref_slice %arg10[%dma_start3A_133, %dma_start3A_134] : memref<160x32xi32, #tpu.memory_space<vmem>> -> memref<1x32xi32, #tpu.memory_space<vmem>>
      %dma_start3A_136 = tpu.memref_squeeze %dma_start3A_135 : memref<1x32xi32, #tpu.memory_space<vmem>> -> memref<32xi32, #tpu.memory_space<vmem>>
      %dma_start3A_137 = arith.constant 0 : i32
      %dma_start3A_138 = arith.constant 0 : i32
      %dma_start3A_139 = tpu.memref_slice %arg4[%dma_start3A_137, %dma_start3A_138] : memref<10240x128xf32, #tpu.memory_space<hbm>> -> memref<10240x128xf32, #tpu.memory_space<hbm>>
      tpu.enqueue_indirect_dma source(%dma_start3A_139 : memref<10240x128xf32, #tpu.memory_space<hbm>>) target(%arg14 : memref<32x128xf32, #tpu.memory_space<vmem>>) offsets(%dma_start3A_136 : memref<32xi32, #tpu.memory_space<vmem>>) semaphore(%arg21 : memref<!tpu.dma_semaphore, #tpu.memory_space<semaphore_mem>>)
      %dma_start3A_140 = arith.constant 3 : i32
      %dma_start3A_141 = arith.constant 0 : i32
      %dma_start3A_142 = tpu.memref_slice %arg10[%dma_start3A_140, %dma_start3A_141] : memref<160x32xi32, #tpu.memory_space<vmem>> -> memref<1x32xi32, #tpu.memory_space<vmem>>
      %dma_start3A_143 = tpu.memref_squeeze %dma_start3A_142 : memref<1x32xi32, #tpu.memory_space<vmem>> -> memref<32xi32, #tpu.memory_space<vmem>>
      %dma_start3A_144 = arith.constant 0 : i32
      %dma_start3A_145 = arith.constant 0 : i32
      %dma_start3A_146 = tpu.memref_slice %arg4[%dma_start3A_144, %dma_start3A_145] : memref<10240x128xf32, #tpu.memory_space<hbm>> -> memref<10240x128xf32, #tpu.memory_space<hbm>>
      tpu.enqueue_indirect_dma source(%dma_start3A_146 : memref<10240x128xf32, #tpu.memory_space<hbm>>) target(%arg15 : memref<32x128xf32, #tpu.memory_space<vmem>>) offsets(%dma_start3A_143 : memref<32xi32, #tpu.memory_space<vmem>>) semaphore(%arg22 : memref<!tpu.dma_semaphore, #tpu.memory_space<semaphore_mem>>)
      %scan3A_147 = arith.constant 0 : i32
      %scan3A_148 = arith.constant 0 : i32
      %scan3A_149 = arith.constant 40 : i32
      %scan3A_150 = arith.addi %scan3A_148, %scan3A_149 : i32
      %scan3A_151 = arith.constant 1 : i32
      scf.for %scan3A_195 = %scan3A_148 to %scan3A_150 step %scan3A_151  : i32 {
        %mul3A_196 = arith.constant 4 : i32
        %mul3A_197 = arith.muli %mul3A_196, %scan3A_195 : i32
        %add3A_198 = arith.constant 0 : i32
        %add3A_199 = arith.addi %mul3A_197, %add3A_198 : i32
        %dma_wait3A = arith.constant 0 : i32
        %dma_wait3A_200 = tpu.memref_slice %arg10[%add3A_199, %dma_wait3A] : memref<160x32xi32, #tpu.memory_space<vmem>> -> memref<1x32xi32, #tpu.memory_space<vmem>>
        %dma_wait3A_201 = tpu.memref_squeeze %dma_wait3A_200 : memref<1x32xi32, #tpu.memory_space<vmem>> -> memref<32xi32, #tpu.memory_space<vmem>>
        %dma_wait3A_202 = arith.constant 0 : i32
        %dma_wait3A_203 = arith.constant 0 : i32
        %dma_wait3A_204 = tpu.memref_slice %arg4[%dma_wait3A_202, %dma_wait3A_203] : memref<10240x128xf32, #tpu.memory_space<hbm>> -> memref<10240x128xf32, #tpu.memory_space<hbm>>
        tpu.wait_indirect_dma semaphore(%arg19 : memref<!tpu.dma_semaphore, #tpu.memory_space<semaphore_mem>>) src(%dma_wait3A_204 : memref<10240x128xf32, #tpu.memory_space<hbm>>) dst(%arg12 : memref<32x128xf32, #tpu.memory_space<vmem>>)
        %add3A_205 = arith.constant 0 : i32
        %add3A_206 = arith.addi %mul3A_197, %add3A_205 : i32
        %dma_start3A_207 = arith.constant 0 : i32
        %dma_start3A_208 = tpu.memref_slice %arg11[%add3A_206, %dma_start3A_207] : memref<160x32xi32, #tpu.memory_space<vmem>> -> memref<1x32xi32, #tpu.memory_space<vmem>>
        %dma_start3A_209 = tpu.memref_squeeze %dma_start3A_208 : memref<1x32xi32, #tpu.memory_space<vmem>> -> memref<32xi32, #tpu.memory_space<vmem>>
        %dma_start3A_210 = arith.constant 0 : i32
        %dma_start3A_211 = arith.constant 0 : i32
        %dma_start3A_212 = tpu.memref_slice %arg18[%dma_start3A_210, %dma_start3A_211] : memref<10240x128xf32, #tpu.memory_space<vmem_shared>> -> memref<10240x128xf32, #tpu.memory_space<vmem_shared>>
        tpu.enqueue_indirect_dma source(%arg12 : memref<32x128xf32, #tpu.memory_space<vmem>>) target(%dma_start3A_212 : memref<10240x128xf32, #tpu.memory_space<vmem_shared>>) offsets(%dma_start3A_209 : memref<32xi32, #tpu.memory_space<vmem>>) semaphore(%arg23 : memref<!tpu.dma_semaphore, #tpu.memory_space<semaphore_mem>>) {add = true}
        %add3A_213 = arith.constant 0 : i32
        %add3A_214 = arith.addi %mul3A_197, %add3A_213 : i32
        %get3A = arith.index_cast %add3A_214 : i32 to index
        %get3A_215 = arith.constant 0 : index
        %get3A_216 = tpu.vector_load %arg11[%get3A, %get3A_215] {strides = array<i32>} : memref<160x32xi32, #tpu.memory_space<vmem>>, vector<16xi32>,
        %get3A_217 = arith.index_cast %add3A_214 : i32 to index
        %get3A_218 = arith.constant 0 : index
        %get3A_219 = tpu.vector_load %arg10[%get3A_217, %get3A_218] {strides = array<i32>} : memref<160x32xi32, #tpu.memory_space<vmem>>, vector<16xi32>,
        %gather3A = tpu.vector_load_idx %arg16[%get3A_216] : memref<10240xf32, #tpu.memory_space<vmem>>[vector<16xi32>], vector<16xf32>,
        tpu.vector_store_idx %arg17[%get3A_219], %gather3A {add = true} : memref<10240xf32, #tpu.memory_space<vmem>>[vector<16xi32>], vector<16xf32>,
        %get3A_220 = arith.index_cast %add3A_214 : i32 to index
        %get3A_221 = arith.constant 16 : index
        %get3A_222 = tpu.vector_load %arg11[%get3A_220, %get3A_221] {strides = array<i32>} : memref<160x32xi32, #tpu.memory_space<vmem>>, vector<16xi32>,
        %get3A_223 = arith.index_cast %add3A_214 : i32 to index
        %get3A_224 = arith.constant 16 : index
        %get3A_225 = tpu.vector_load %arg10[%get3A_223, %get3A_224] {strides = array<i32>} : memref<160x32xi32, #tpu.memory_space<vmem>>, vector<16xi32>,
        %gather3A_226 = tpu.vector_load_idx %arg16[%get3A_222] : memref<10240xf32, #tpu.memory_space<vmem>>[vector<16xi32>], vector<16xf32>,
        tpu.vector_store_idx %arg17[%get3A_225], %gather3A_226 {add = true} : memref<10240xf32, #tpu.memory_space<vmem>>[vector<16xi32>], vector<16xf32>,
        %add3A_227 = arith.constant 0 : i32
        %add3A_228 = arith.addi %mul3A_197, %add3A_227 : i32
        %dma_wait3A_229 = arith.constant 0 : i32
        %dma_wait3A_230 = tpu.memref_slice %arg11[%add3A_228, %dma_wait3A_229] : memref<160x32xi32, #tpu.memory_space<vmem>> -> memref<1x32xi32, #tpu.memory_space<vmem>>
        %dma_wait3A_231 = tpu.memref_squeeze %dma_wait3A_230 : memref<1x32xi32, #tpu.memory_space<vmem>> -> memref<32xi32, #tpu.memory_space<vmem>>
        %dma_wait3A_232 = arith.constant 0 : i32
        %dma_wait3A_233 = arith.constant 0 : i32
        %dma_wait3A_234 = tpu.memref_slice %arg18[%dma_wait3A_232, %dma_wait3A_233] : memref<10240x128xf32, #tpu.memory_space<vmem_shared>> -> memref<10240x128xf32, #tpu.memory_space<vmem_shared>>
        tpu.wait_indirect_dma semaphore(%arg23 : memref<!tpu.dma_semaphore, #tpu.memory_space<semaphore_mem>>) src(%arg12 : memref<32x128xf32, #tpu.memory_space<vmem>>) dst(%dma_wait3A_234 : memref<10240x128xf32, #tpu.memory_space<vmem_shared>>)
        %lt3A = arith.constant 39 : i32
        %lt3A_235 = arith.cmpi slt, %scan3A_195, %lt3A : i32
        %convert_element_type3A_236 = arith.extui %lt3A_235 : i1 to i32
        %cond3A_237 = arith.constant 0 : i32
        %cond3A_238 = arith.cmpi ne, %convert_element_type3A_236, %cond3A_237 : i32
        scf.if %cond3A_238 {
          %add3A_342 = arith.constant 0 : i32
          %add3A_343 = arith.addi %mul3A_197, %add3A_342 : i32
          %add3A_344 = arith.constant 4 : i32
          %add3A_345 = arith.addi %add3A_343, %add3A_344 : i32
          %dma_start3A_346 = arith.constant 0 : i32
          %dma_start3A_347 = tpu.memref_slice %arg10[%add3A_345, %dma_start3A_346] : memref<160x32xi32, #tpu.memory_space<vmem>> -> memref<1x32xi32, #tpu.memory_space<vmem>>
          %dma_start3A_348 = tpu.memref_squeeze %dma_start3A_347 : memref<1x32xi32, #tpu.memory_space<vmem>> -> memref<32xi32, #tpu.memory_space<vmem>>
          %dma_start3A_349 = arith.constant 0 : i32
          %dma_start3A_350 = arith.constant 0 : i32
          %dma_start3A_351 = tpu.memref_slice %arg4[%dma_start3A_349, %dma_start3A_350] : memref<10240x128xf32, #tpu.memory_space<hbm>> -> memref<10240x128xf32, #tpu.memory_space<hbm>>
          tpu.enqueue_indirect_dma source(%dma_start3A_351 : memref<10240x128xf32, #tpu.memory_space<hbm>>) target(%arg12 : memref<32x128xf32, #tpu.memory_space<vmem>>) offsets(%dma_start3A_348 : memref<32xi32, #tpu.memory_space<vmem>>) semaphore(%arg19 : memref<!tpu.dma_semaphore, #tpu.memory_space<semaphore_mem>>)
        } else {
        }
        %add3A_239 = arith.constant 1 : i32
        %add3A_240 = arith.addi %mul3A_197, %add3A_239 : i32
        %dma_wait3A_241 = arith.constant 0 : i32
        %dma_wait3A_242 = tpu.memref_slice %arg10[%add3A_240, %dma_wait3A_241] : memref<160x32xi32, #tpu.memory_space<vmem>> -> memref<1x32xi32, #tpu.memory_space<vmem>>
        %dma_wait3A_243 = tpu.memref_squeeze %dma_wait3A_242 : memref<1x32xi32, #tpu.memory_space<vmem>> -> memref<32xi32, #tpu.memory_space<vmem>>
        %dma_wait3A_244 = arith.constant 0 : i32
        %dma_wait3A_245 = arith.constant 0 : i32
        %dma_wait3A_246 = tpu.memref_slice %arg4[%dma_wait3A_244, %dma_wait3A_245] : memref<10240x128xf32, #tpu.memory_space<hbm>> -> memref<10240x128xf32, #tpu.memory_space<hbm>>
        tpu.wait_indirect_dma semaphore(%arg20 : memref<!tpu.dma_semaphore, #tpu.memory_space<semaphore_mem>>) src(%dma_wait3A_246 : memref<10240x128xf32, #tpu.memory_space<hbm>>) dst(%arg13 : memref<32x128xf32, #tpu.memory_space<vmem>>)
        %add3A_247 = arith.constant 1 : i32
        %add3A_248 = arith.addi %mul3A_197, %add3A_247 : i32
        %dma_start3A_249 = arith.constant 0 : i32
        %dma_start3A_250 = tpu.memref_slice %arg11[%add3A_248, %dma_start3A_249] : memref<160x32xi32, #tpu.memory_space<vmem>> -> memref<1x32xi32, #tpu.memory_space<vmem>>
        %dma_start3A_251 = tpu.memref_squeeze %dma_start3A_250 : memref<1x32xi32, #tpu.memory_space<vmem>> -> memref<32xi32, #tpu.memory_space<vmem>>
        %dma_start3A_252 = arith.constant 0 : i32
        %dma_start3A_253 = arith.constant 0 : i32
        %dma_start3A_254 = tpu.memref_slice %arg18[%dma_start3A_252, %dma_start3A_253] : memref<10240x128xf32, #tpu.memory_space<vmem_shared>> -> memref<10240x128xf32, #tpu.memory_space<vmem_shared>>
        tpu.enqueue_indirect_dma source(%arg13 : memref<32x128xf32, #tpu.memory_space<vmem>>) target(%dma_start3A_254 : memref<10240x128xf32, #tpu.memory_space<vmem_shared>>) offsets(%dma_start3A_251 : memref<32xi32, #tpu.memory_space<vmem>>) semaphore(%arg24 : memref<!tpu.dma_semaphore, #tpu.memory_space<semaphore_mem>>) {add = true}
        %add3A_255 = arith.constant 1 : i32
        %add3A_256 = arith.addi %mul3A_197, %add3A_255 : i32
        %dma_wait3A_257 = arith.constant 0 : i32
        %dma_wait3A_258 = tpu.memref_slice %arg11[%add3A_256, %dma_wait3A_257] : memref<160x32xi32, #tpu.memory_space<vmem>> -> memref<1x32xi32, #tpu.memory_space<vmem>>
        %dma_wait3A_259 = tpu.memref_squeeze %dma_wait3A_258 : memref<1x32xi32, #tpu.memory_space<vmem>> -> memref<32xi32, #tpu.memory_space<vmem>>
        %dma_wait3A_260 = arith.constant 0 : i32
        %dma_wait3A_261 = arith.constant 0 : i32
        %dma_wait3A_262 = tpu.memref_slice %arg18[%dma_wait3A_260, %dma_wait3A_261] : memref<10240x128xf32, #tpu.memory_space<vmem_shared>> -> memref<10240x128xf32, #tpu.memory_space<vmem_shared>>
        tpu.wait_indirect_dma semaphore(%arg24 : memref<!tpu.dma_semaphore, #tpu.memory_space<semaphore_mem>>) src(%arg13 : memref<32x128xf32, #tpu.memory_space<vmem>>) dst(%dma_wait3A_262 : memref<10240x128xf32, #tpu.memory_space<vmem_shared>>)
        %lt3A_263 = arith.constant 39 : i32
        %lt3A_264 = arith.cmpi slt, %scan3A_195, %lt3A_263 : i32
        %convert_element_type3A_265 = arith.extui %lt3A_264 : i1 to i32
        %cond3A_266 = arith.constant 0 : i32
        %cond3A_267 = arith.cmpi ne, %convert_element_type3A_265, %cond3A_266 : i32
        scf.if %cond3A_267 {
          %add3A_342 = arith.constant 1 : i32
          %add3A_343 = arith.addi %mul3A_197, %add3A_342 : i32
          %add3A_344 = arith.constant 4 : i32
          %add3A_345 = arith.addi %add3A_343, %add3A_344 : i32
          %dma_start3A_346 = arith.constant 0 : i32
          %dma_start3A_347 = tpu.memref_slice %arg10[%add3A_345, %dma_start3A_346] : memref<160x32xi32, #tpu.memory_space<vmem>> -> memref<1x32xi32, #tpu.memory_space<vmem>>
          %dma_start3A_348 = tpu.memref_squeeze %dma_start3A_347 : memref<1x32xi32, #tpu.memory_space<vmem>> -> memref<32xi32, #tpu.memory_space<vmem>>
          %dma_start3A_349 = arith.constant 0 : i32
          %dma_start3A_350 = arith.constant 0 : i32
          %dma_start3A_351 = tpu.memref_slice %arg4[%dma_start3A_349, %dma_start3A_350] : memref<10240x128xf32, #tpu.memory_space<hbm>> -> memref<10240x128xf32, #tpu.memory_space<hbm>>
          tpu.enqueue_indirect_dma source(%dma_start3A_351 : memref<10240x128xf32, #tpu.memory_space<hbm>>) target(%arg13 : memref<32x128xf32, #tpu.memory_space<vmem>>) offsets(%dma_start3A_348 : memref<32xi32, #tpu.memory_space<vmem>>) semaphore(%arg20 : memref<!tpu.dma_semaphore, #tpu.memory_space<semaphore_mem>>)
        } else {
        }
        %add3A_268 = arith.constant 2 : i32
        %add3A_269 = arith.addi %mul3A_197, %add3A_268 : i32
        %dma_wait3A_270 = arith.constant 0 : i32
        %dma_wait3A_271 = tpu.memref_slice %arg10[%add3A_269, %dma_wait3A_270] : memref<160x32xi32, #tpu.memory_space<vmem>> -> memref<1x32xi32, #tpu.memory_space<vmem>>
        %dma_wait3A_272 = tpu.memref_squeeze %dma_wait3A_271 : memref<1x32xi32, #tpu.memory_space<vmem>> -> memref<32xi32, #tpu.memory_space<vmem>>
        %dma_wait3A_273 = arith.constant 0 : i32
        %dma_wait3A_274 = arith.constant 0 : i32
        %dma_wait3A_275 = tpu.memref_slice %arg4[%dma_wait3A_273, %dma_wait3A_274] : memref<10240x128xf32, #tpu.memory_space<hbm>> -> memref<10240x128xf32, #tpu.memory_space<hbm>>
        tpu.wait_indirect_dma semaphore(%arg21 : memref<!tpu.dma_semaphore, #tpu.memory_space<semaphore_mem>>) src(%dma_wait3A_275 : memref<10240x128xf32, #tpu.memory_space<hbm>>) dst(%arg14 : memref<32x128xf32, #tpu.memory_space<vmem>>)
        %add3A_276 = arith.constant 2 : i32
        %add3A_277 = arith.addi %mul3A_197, %add3A_276 : i32
        %dma_start3A_278 = arith.constant 0 : i32
        %dma_start3A_279 = tpu.memref_slice %arg11[%add3A_277, %dma_start3A_278] : memref<160x32xi32, #tpu.memory_space<vmem>> -> memref<1x32xi32, #tpu.memory_space<vmem>>
        %dma_start3A_280 = tpu.memref_squeeze %dma_start3A_279 : memref<1x32xi32, #tpu.memory_space<vmem>> -> memref<32xi32, #tpu.memory_space<vmem>>
        %dma_start3A_281 = arith.constant 0 : i32
        %dma_start3A_282 = arith.constant 0 : i32
        %dma_start3A_283 = tpu.memref_slice %arg18[%dma_start3A_281, %dma_start3A_282] : memref<10240x128xf32, #tpu.memory_space<vmem_shared>> -> memref<10240x128xf32, #tpu.memory_space<vmem_shared>>
        tpu.enqueue_indirect_dma source(%arg14 : memref<32x128xf32, #tpu.memory_space<vmem>>) target(%dma_start3A_283 : memref<10240x128xf32, #tpu.memory_space<vmem_shared>>) offsets(%dma_start3A_280 : memref<32xi32, #tpu.memory_space<vmem>>) semaphore(%arg25 : memref<!tpu.dma_semaphore, #tpu.memory_space<semaphore_mem>>) {add = true}
        %add3A_284 = arith.constant 2 : i32
        %add3A_285 = arith.addi %mul3A_197, %add3A_284 : i32
        %get3A_286 = arith.index_cast %add3A_285 : i32 to index
        %get3A_287 = arith.constant 0 : index
        %get3A_288 = tpu.vector_load %arg11[%get3A_286, %get3A_287] {strides = array<i32>} : memref<160x32xi32, #tpu.memory_space<vmem>>, vector<16xi32>,
        %get3A_289 = arith.index_cast %add3A_285 : i32 to index
        %get3A_290 = arith.constant 0 : index
        %get3A_291 = tpu.vector_load %arg10[%get3A_289, %get3A_290] {strides = array<i32>} : memref<160x32xi32, #tpu.memory_space<vmem>>, vector<16xi32>,
        %gather3A_292 = tpu.vector_load_idx %arg16[%get3A_288] : memref<10240xf32, #tpu.memory_space<vmem>>[vector<16xi32>], vector<16xf32>,
        tpu.vector_store_idx %arg17[%get3A_291], %gather3A_292 {add = true} : memref<10240xf32, #tpu.memory_space<vmem>>[vector<16xi32>], vector<16xf32>,
        %get3A_293 = arith.index_cast %add3A_285 : i32 to index
        %get3A_294 = arith.constant 16 : index
        %get3A_295 = tpu.vector_load %arg11[%get3A_293, %get3A_294] {strides = array<i32>} : memref<160x32xi32, #tpu.memory_space<vmem>>, vector<16xi32>,
        %get3A_296 = arith.index_cast %add3A_285 : i32 to index
        %get3A_297 = arith.constant 16 : index
        %get3A_298 = tpu.vector_load %arg10[%get3A_296, %get3A_297] {strides = array<i32>} : memref<160x32xi32, #tpu.memory_space<vmem>>, vector<16xi32>,
        %gather3A_299 = tpu.vector_load_idx %arg16[%get3A_295] : memref<10240xf32, #tpu.memory_space<vmem>>[vector<16xi32>], vector<16xf32>,
        tpu.vector_store_idx %arg17[%get3A_298], %gather3A_299 {add = true} : memref<10240xf32, #tpu.memory_space<vmem>>[vector<16xi32>], vector<16xf32>,
        %add3A_300 = arith.constant 2 : i32
        %add3A_301 = arith.addi %mul3A_197, %add3A_300 : i32
        %dma_wait3A_302 = arith.constant 0 : i32
        %dma_wait3A_303 = tpu.memref_slice %arg11[%add3A_301, %dma_wait3A_302] : memref<160x32xi32, #tpu.memory_space<vmem>> -> memref<1x32xi32, #tpu.memory_space<vmem>>
        %dma_wait3A_304 = tpu.memref_squeeze %dma_wait3A_303 : memref<1x32xi32, #tpu.memory_space<vmem>> -> memref<32xi32, #tpu.memory_space<vmem>>
        %dma_wait3A_305 = arith.constant 0 : i32
        %dma_wait3A_306 = arith.constant 0 : i32
        %dma_wait3A_307 = tpu.memref_slice %arg18[%dma_wait3A_305, %dma_wait3A_306] : memref<10240x128xf32, #tpu.memory_space<vmem_shared>> -> memref<10240x128xf32, #tpu.memory_space<vmem_shared>>
        tpu.wait_indirect_dma semaphore(%arg25 : memref<!tpu.dma_semaphore, #tpu.memory_space<semaphore_mem>>) src(%arg14 : memref<32x128xf32, #tpu.memory_space<vmem>>) dst(%dma_wait3A_307 : memref<10240x128xf32, #tpu.memory_space<vmem_shared>>)
        %lt3A_308 = arith.constant 39 : i32
        %lt3A_309 = arith.cmpi slt, %scan3A_195, %lt3A_308 : i32
        %convert_element_type3A_310 = arith.extui %lt3A_309 : i1 to i32
        %cond3A_311 = arith.constant 0 : i32
        %cond3A_312 = arith.cmpi ne, %convert_element_type3A_310, %cond3A_311 : i32
        scf.if %cond3A_312 {
          %add3A_342 = arith.constant 2 : i32
          %add3A_343 = arith.addi %mul3A_197, %add3A_342 : i32
          %add3A_344 = arith.constant 4 : i32
          %add3A_345 = arith.addi %add3A_343, %add3A_344 : i32
          %dma_start3A_346 = arith.constant 0 : i32
          %dma_start3A_347 = tpu.memref_slice %arg10[%add3A_345, %dma_start3A_346] : memref<160x32xi32, #tpu.memory_space<vmem>> -> memref<1x32xi32, #tpu.memory_space<vmem>>
          %dma_start3A_348 = tpu.memref_squeeze %dma_start3A_347 : memref<1x32xi32, #tpu.memory_space<vmem>> -> memref<32xi32, #tpu.memory_space<vmem>>
          %dma_start3A_349 = arith.constant 0 : i32
          %dma_start3A_350 = arith.constant 0 : i32
          %dma_start3A_351 = tpu.memref_slice %arg4[%dma_start3A_349, %dma_start3A_350] : memref<10240x128xf32, #tpu.memory_space<hbm>> -> memref<10240x128xf32, #tpu.memory_space<hbm>>
          tpu.enqueue_indirect_dma source(%dma_start3A_351 : memref<10240x128xf32, #tpu.memory_space<hbm>>) target(%arg14 : memref<32x128xf32, #tpu.memory_space<vmem>>) offsets(%dma_start3A_348 : memref<32xi32, #tpu.memory_space<vmem>>) semaphore(%arg21 : memref<!tpu.dma_semaphore, #tpu.memory_space<semaphore_mem>>)
        } else {
        }
        %add3A_313 = arith.constant 3 : i32
        %add3A_314 = arith.addi %mul3A_197, %add3A_313 : i32
        %dma_wait3A_315 = arith.constant 0 : i32
        %dma_wait3A_316 = tpu.memref_slice %arg10[%add3A_314, %dma_wait3A_315] : memref<160x32xi32, #tpu.memory_space<vmem>> -> memref<1x32xi32, #tpu.memory_space<vmem>>
        %dma_wait3A_317 = tpu.memref_squeeze %dma_wait3A_316 : memref<1x32xi32, #tpu.memory_space<vmem>> -> memref<32xi32, #tpu.memory_space<vmem>>
        %dma_wait3A_318 = arith.constant 0 : i32
        %dma_wait3A_319 = arith.constant 0 : i32
        %dma_wait3A_320 = tpu.memref_slice %arg4[%dma_wait3A_318, %dma_wait3A_319] : memref<10240x128xf32, #tpu.memory_space<hbm>> -> memref<10240x128xf32, #tpu.memory_space<hbm>>
        tpu.wait_indirect_dma semaphore(%arg22 : memref<!tpu.dma_semaphore, #tpu.memory_space<semaphore_mem>>) src(%dma_wait3A_320 : memref<10240x128xf32, #tpu.memory_space<hbm>>) dst(%arg15 : memref<32x128xf32, #tpu.memory_space<vmem>>)
        %add3A_321 = arith.constant 3 : i32
        %add3A_322 = arith.addi %mul3A_197, %add3A_321 : i32
        %dma_start3A_323 = arith.constant 0 : i32
        %dma_start3A_324 = tpu.memref_slice %arg11[%add3A_322, %dma_start3A_323] : memref<160x32xi32, #tpu.memory_space<vmem>> -> memref<1x32xi32, #tpu.memory_space<vmem>>
        %dma_start3A_325 = tpu.memref_squeeze %dma_start3A_324 : memref<1x32xi32, #tpu.memory_space<vmem>> -> memref<32xi32, #tpu.memory_space<vmem>>
        %dma_start3A_326 = arith.constant 0 : i32
        %dma_start3A_327 = arith.constant 0 : i32
        %dma_start3A_328 = tpu.memref_slice %arg18[%dma_start3A_326, %dma_start3A_327] : memref<10240x128xf32, #tpu.memory_space<vmem_shared>> -> memref<10240x128xf32, #tpu.memory_space<vmem_shared>>
        tpu.enqueue_indirect_dma source(%arg15 : memref<32x128xf32, #tpu.memory_space<vmem>>) target(%dma_start3A_328 : memref<10240x128xf32, #tpu.memory_space<vmem_shared>>) offsets(%dma_start3A_325 : memref<32xi32, #tpu.memory_space<vmem>>) semaphore(%arg26 : memref<!tpu.dma_semaphore, #tpu.memory_space<semaphore_mem>>) {add = true}
        %add3A_329 = arith.constant 3 : i32
        %add3A_330 = arith.addi %mul3A_197, %add3A_329 : i32
        %dma_wait3A_331 = arith.constant 0 : i32
        %dma_wait3A_332 = tpu.memref_slice %arg11[%add3A_330, %dma_wait3A_331] : memref<160x32xi32, #tpu.memory_space<vmem>> -> memref<1x32xi32, #tpu.memory_space<vmem>>
        %dma_wait3A_333 = tpu.memref_squeeze %dma_wait3A_332 : memref<1x32xi32, #tpu.memory_space<vmem>> -> memref<32xi32, #tpu.memory_space<vmem>>
        %dma_wait3A_334 = arith.constant 0 : i32
        %dma_wait3A_335 = arith.constant 0 : i32
        %dma_wait3A_336 = tpu.memref_slice %arg18[%dma_wait3A_334, %dma_wait3A_335] : memref<10240x128xf32, #tpu.memory_space<vmem_shared>> -> memref<10240x128xf32, #tpu.memory_space<vmem_shared>>
        tpu.wait_indirect_dma semaphore(%arg26 : memref<!tpu.dma_semaphore, #tpu.memory_space<semaphore_mem>>) src(%arg15 : memref<32x128xf32, #tpu.memory_space<vmem>>) dst(%dma_wait3A_336 : memref<10240x128xf32, #tpu.memory_space<vmem_shared>>)
        %lt3A_337 = arith.constant 39 : i32
        %lt3A_338 = arith.cmpi slt, %scan3A_195, %lt3A_337 : i32
        %convert_element_type3A_339 = arith.extui %lt3A_338 : i1 to i32
        %cond3A_340 = arith.constant 0 : i32
        %cond3A_341 = arith.cmpi ne, %convert_element_type3A_339, %cond3A_340 : i32
        scf.if %cond3A_341 {
          %add3A_342 = arith.constant 3 : i32
          %add3A_343 = arith.addi %mul3A_197, %add3A_342 : i32
          %add3A_344 = arith.constant 4 : i32
          %add3A_345 = arith.addi %add3A_343, %add3A_344 : i32
          %dma_start3A_346 = arith.constant 0 : i32
          %dma_start3A_347 = tpu.memref_slice %arg10[%add3A_345, %dma_start3A_346] : memref<160x32xi32, #tpu.memory_space<vmem>> -> memref<1x32xi32, #tpu.memory_space<vmem>>
          %dma_start3A_348 = tpu.memref_squeeze %dma_start3A_347 : memref<1x32xi32, #tpu.memory_space<vmem>> -> memref<32xi32, #tpu.memory_space<vmem>>
          %dma_start3A_349 = arith.constant 0 : i32
          %dma_start3A_350 = arith.constant 0 : i32
          %dma_start3A_351 = tpu.memref_slice %arg4[%dma_start3A_349, %dma_start3A_350] : memref<10240x128xf32, #tpu.memory_space<hbm>> -> memref<10240x128xf32, #tpu.memory_space<hbm>>
          tpu.enqueue_indirect_dma source(%dma_start3A_351 : memref<10240x128xf32, #tpu.memory_space<hbm>>) target(%arg15 : memref<32x128xf32, #tpu.memory_space<vmem>>) offsets(%dma_start3A_348 : memref<32xi32, #tpu.memory_space<vmem>>) semaphore(%arg22 : memref<!tpu.dma_semaphore, #tpu.memory_space<semaphore_mem>>)
        } else {
        }
      }
      %scan3A_152 = arith.constant 40 : i32
      %mul3A_153 = arith.constant 320 : i32
      %mul3A_154 = arith.muli %arg1, %mul3A_153 : i32
      %add3A_155 = arith.constant 160 : i32
      %add3A_156 = arith.addi %mul3A_154, %add3A_155 : i32
      "tpu.region"() ({
        %run_scoped3A = tpu.sem_alloc : memref<!tpu.dma_semaphore, #tpu.memory_space<semaphore_mem>>
        %dma_start3A_195 = arith.constant 0 : i32
        %dma_start3A_196 = tpu.memref_slice %arg2[%add3A_156, %dma_start3A_195] : memref<5120x32xi32, #tpu.memory_space<hbm>> -> memref<160x32xi32, #tpu.memory_space<hbm>>
        %dma_start3A_197 = arith.constant 0 : i32
        %dma_start3A_198 = tpu.memref_slice %arg2[%add3A_156, %dma_start3A_197] : memref<5120x32xi32, #tpu.memory_space<hbm>> -> memref<160x32xi32, #tpu.memory_space<hbm>>
        tpu.enqueue_dma source(%dma_start3A_198 : memref<160x32xi32, #tpu.memory_space<hbm>>) target(%arg10 : memref<160x32xi32, #tpu.memory_space<vmem>>) target_semaphore(%run_scoped3A : memref<!tpu.dma_semaphore, #tpu.memory_space<semaphore_mem>>)
        %dma_wait3A = arith.constant 0 : i32
        %dma_wait3A_199 = tpu.memref_slice %arg2[%add3A_156, %dma_wait3A] : memref<5120x32xi32, #tpu.memory_space<hbm>> -> memref<160x32xi32, #tpu.memory_space<hbm>>
        %dma_wait3A_200 = arith.constant 0 : i32
        %dma_wait3A_201 = tpu.memref_slice %arg2[%add3A_156, %dma_wait3A_200] : memref<5120x32xi32, #tpu.memory_space<hbm>> -> memref<160x32xi32, #tpu.memory_space<hbm>>
        tpu.wait_dma2 semaphore(%run_scoped3A : memref<!tpu.dma_semaphore, #tpu.memory_space<semaphore_mem>>) src(%dma_wait3A_201 : memref<160x32xi32, #tpu.memory_space<hbm>>) dst(%arg10 : memref<160x32xi32, #tpu.memory_space<vmem>>)
        tpu.yield
      }) : () -> ()
      %mul3A_157 = arith.constant 320 : i32
      %mul3A_158 = arith.muli %arg1, %mul3A_157 : i32
      %add3A_159 = arith.constant 160 : i32
      %add3A_160 = arith.addi %mul3A_158, %add3A_159 : i32
      "tpu.region"() ({
        %run_scoped3A = tpu.sem_alloc : memref<!tpu.dma_semaphore, #tpu.memory_space<semaphore_mem>>
        %dma_start3A_195 = arith.constant 0 : i32
        %dma_start3A_196 = tpu.memref_slice %arg3[%add3A_160, %dma_start3A_195] : memref<5120x32xi32, #tpu.memory_space<hbm>> -> memref<160x32xi32, #tpu.memory_space<hbm>>
        %dma_start3A_197 = arith.constant 0 : i32
        %dma_start3A_198 = tpu.memref_slice %arg3[%add3A_160, %dma_start3A_197] : memref<5120x32xi32, #tpu.memory_space<hbm>> -> memref<160x32xi32, #tpu.memory_space<hbm>>
        tpu.enqueue_dma source(%dma_start3A_198 : memref<160x32xi32, #tpu.memory_space<hbm>>) target(%arg11 : memref<160x32xi32, #tpu.memory_space<vmem>>) target_semaphore(%run_scoped3A : memref<!tpu.dma_semaphore, #tpu.memory_space<semaphore_mem>>)
        %dma_wait3A = arith.constant 0 : i32
        %dma_wait3A_199 = tpu.memref_slice %arg3[%add3A_160, %dma_wait3A] : memref<5120x32xi32, #tpu.memory_space<hbm>> -> memref<160x32xi32, #tpu.memory_space<hbm>>
        %dma_wait3A_200 = arith.constant 0 : i32
        %dma_wait3A_201 = tpu.memref_slice %arg3[%add3A_160, %dma_wait3A_200] : memref<5120x32xi32, #tpu.memory_space<hbm>> -> memref<160x32xi32, #tpu.memory_space<hbm>>
        tpu.wait_dma2 semaphore(%run_scoped3A : memref<!tpu.dma_semaphore, #tpu.memory_space<semaphore_mem>>) src(%dma_wait3A_201 : memref<160x32xi32, #tpu.memory_space<hbm>>) dst(%arg11 : memref<160x32xi32, #tpu.memory_space<vmem>>)
        tpu.yield
      }) : () -> ()
      %dma_start3A_161 = arith.constant 0 : i32
      %dma_start3A_162 = arith.constant 0 : i32
      %dma_start3A_163 = tpu.memref_slice %arg10[%dma_start3A_161, %dma_start3A_162] : memref<160x32xi32, #tpu.memory_space<vmem>> -> memref<1x32xi32, #tpu.memory_space<vmem>>
      %dma_start3A_164 = tpu.memref_squeeze %dma_start3A_163 : memref<1x32xi32, #tpu.memory_space<vmem>> -> memref<32xi32, #tpu.memory_space<vmem>>
      %dma_start3A_165 = arith.constant 0 : i32
      %dma_start3A_166 = arith.constant 0 : i32
      %dma_start3A_167 = tpu.memref_slice %arg4[%dma_start3A_165, %dma_start3A_166] : memref<10240x128xf32, #tpu.memory_space<hbm>> -> memref<10240x128xf32, #tpu.memory_space<hbm>>
      tpu.enqueue_indirect_dma source(%dma_start3A_167 : memref<10240x128xf32, #tpu.memory_space<hbm>>) target(%arg12 : memref<32x128xf32, #tpu.memory_space<vmem>>) offsets(%dma_start3A_164 : memref<32xi32, #tpu.memory_space<vmem>>) semaphore(%arg19 : memref<!tpu.dma_semaphore, #tpu.memory_space<semaphore_mem>>)
      %dma_start3A_168 = arith.constant 1 : i32
      %dma_start3A_169 = arith.constant 0 : i32
      %dma_start3A_170 = tpu.memref_slice %arg10[%dma_start3A_168, %dma_start3A_169] : memref<160x32xi32, #tpu.memory_space<vmem>> -> memref<1x32xi32, #tpu.memory_space<vmem>>
      %dma_start3A_171 = tpu.memref_squeeze %dma_start3A_170 : memref<1x32xi32, #tpu.memory_space<vmem>> -> memref<32xi32, #tpu.memory_space<vmem>>
      %dma_start3A_172 = arith.constant 0 : i32
      %dma_start3A_173 = arith.constant 0 : i32
      %dma_start3A_174 = tpu.memref_slice %arg4[%dma_start3A_172, %dma_start3A_173] : memref<10240x128xf32, #tpu.memory_space<hbm>> -> memref<10240x128xf32, #tpu.memory_space<hbm>>
      tpu.enqueue_indirect_dma source(%dma_start3A_174 : memref<10240x128xf32, #tpu.memory_space<hbm>>) target(%arg13 : memref<32x128xf32, #tpu.memory_space<vmem>>) offsets(%dma_start3A_171 : memref<32xi32, #tpu.memory_space<vmem>>) semaphore(%arg20 : memref<!tpu.dma_semaphore, #tpu.memory_space<semaphore_mem>>)
      %dma_start3A_175 = arith.constant 2 : i32
      %dma_start3A_176 = arith.constant 0 : i32
      %dma_start3A_177 = tpu.memref_slice %arg10[%dma_start3A_175, %dma_start3A_176] : memref<160x32xi32, #tpu.memory_space<vmem>> -> memref<1x32xi32, #tpu.memory_space<vmem>>
      %dma_start3A_178 = tpu.memref_squeeze %dma_start3A_177 : memref<1x32xi32, #tpu.memory_space<vmem>> -> memref<32xi32, #tpu.memory_space<vmem>>
      %dma_start3A_179 = arith.constant 0 : i32
      %dma_start3A_180 = arith.constant 0 : i32
      %dma_start3A_181 = tpu.memref_slice %arg4[%dma_start3A_179, %dma_start3A_180] : memref<10240x128xf32, #tpu.memory_space<hbm>> -> memref<10240x128xf32, #tpu.memory_space<hbm>>
      tpu.enqueue_indirect_dma source(%dma_start3A_181 : memref<10240x128xf32, #tpu.memory_space<hbm>>) target(%arg14 : memref<32x128xf32, #tpu.memory_space<vmem>>) offsets(%dma_start3A_178 : memref<32xi32, #tpu.memory_space<vmem>>) semaphore(%arg21 : memref<!tpu.dma_semaphore, #tpu.memory_space<semaphore_mem>>)
      %dma_start3A_182 = arith.constant 3 : i32
      %dma_start3A_183 = arith.constant 0 : i32
      %dma_start3A_184 = tpu.memref_slice %arg10[%dma_start3A_182, %dma_start3A_183] : memref<160x32xi32, #tpu.memory_space<vmem>> -> memref<1x32xi32, #tpu.memory_space<vmem>>
      %dma_start3A_185 = tpu.memref_squeeze %dma_start3A_184 : memref<1x32xi32, #tpu.memory_space<vmem>> -> memref<32xi32, #tpu.memory_space<vmem>>
      %dma_start3A_186 = arith.constant 0 : i32
      %dma_start3A_187 = arith.constant 0 : i32
      %dma_start3A_188 = tpu.memref_slice %arg4[%dma_start3A_186, %dma_start3A_187] : memref<10240x128xf32, #tpu.memory_space<hbm>> -> memref<10240x128xf32, #tpu.memory_space<hbm>>
      tpu.enqueue_indirect_dma source(%dma_start3A_188 : memref<10240x128xf32, #tpu.memory_space<hbm>>) target(%arg15 : memref<32x128xf32, #tpu.memory_space<vmem>>) offsets(%dma_start3A_185 : memref<32xi32, #tpu.memory_space<vmem>>) semaphore(%arg22 : memref<!tpu.dma_semaphore, #tpu.memory_space<semaphore_mem>>)
      %scan3A_189 = arith.constant 0 : i32
      %scan3A_190 = arith.constant 0 : i32
      %scan3A_191 = arith.constant 40 : i32
      %scan3A_192 = arith.addi %scan3A_190, %scan3A_191 : i32
      %scan3A_193 = arith.constant 1 : i32
      scf.for %scan3A_195 = %scan3A_190 to %scan3A_192 step %scan3A_193  : i32 {
        %mul3A_196 = arith.constant 4 : i32
        %mul3A_197 = arith.muli %mul3A_196, %scan3A_195 : i32
        %add3A_198 = arith.constant 0 : i32
        %add3A_199 = arith.addi %mul3A_197, %add3A_198 : i32
        %dma_wait3A = arith.constant 0 : i32
        %dma_wait3A_200 = tpu.memref_slice %arg10[%add3A_199, %dma_wait3A] : memref<160x32xi32, #tpu.memory_space<vmem>> -> memref<1x32xi32, #tpu.memory_space<vmem>>
        %dma_wait3A_201 = tpu.memref_squeeze %dma_wait3A_200 : memref<1x32xi32, #tpu.memory_space<vmem>> -> memref<32xi32, #tpu.memory_space<vmem>>
        %dma_wait3A_202 = arith.constant 0 : i32
        %dma_wait3A_203 = arith.constant 0 : i32
        %dma_wait3A_204 = tpu.memref_slice %arg4[%dma_wait3A_202, %dma_wait3A_203] : memref<10240x128xf32, #tpu.memory_space<hbm>> -> memref<10240x128xf32, #tpu.memory_space<hbm>>
        tpu.wait_indirect_dma semaphore(%arg19 : memref<!tpu.dma_semaphore, #tpu.memory_space<semaphore_mem>>) src(%dma_wait3A_204 : memref<10240x128xf32, #tpu.memory_space<hbm>>) dst(%arg12 : memref<32x128xf32, #tpu.memory_space<vmem>>)
        %add3A_205 = arith.constant 0 : i32
        %add3A_206 = arith.addi %mul3A_197, %add3A_205 : i32
        %dma_start3A_207 = arith.constant 0 : i32
        %dma_start3A_208 = tpu.memref_slice %arg11[%add3A_206, %dma_start3A_207] : memref<160x32xi32, #tpu.memory_space<vmem>> -> memref<1x32xi32, #tpu.memory_space<vmem>>
        %dma_start3A_209 = tpu.memref_squeeze %dma_start3A_208 : memref<1x32xi32, #tpu.memory_space<vmem>> -> memref<32xi32, #tpu.memory_space<vmem>>
        %dma_start3A_210 = arith.constant 0 : i32
        %dma_start3A_211 = arith.constant 0 : i32
        %dma_start3A_212 = tpu.memref_slice %arg18[%dma_start3A_210, %dma_start3A_211] : memref<10240x128xf32, #tpu.memory_space<vmem_shared>> -> memref<10240x128xf32, #tpu.memory_space<vmem_shared>>
        tpu.enqueue_indirect_dma source(%arg12 : memref<32x128xf32, #tpu.memory_space<vmem>>) target(%dma_start3A_212 : memref<10240x128xf32, #tpu.memory_space<vmem_shared>>) offsets(%dma_start3A_209 : memref<32xi32, #tpu.memory_space<vmem>>) semaphore(%arg23 : memref<!tpu.dma_semaphore, #tpu.memory_space<semaphore_mem>>) {add = true}
        %add3A_213 = arith.constant 0 : i32
        %add3A_214 = arith.addi %mul3A_197, %add3A_213 : i32
        %get3A = arith.index_cast %add3A_214 : i32 to index
        %get3A_215 = arith.constant 0 : index
        %get3A_216 = tpu.vector_load %arg11[%get3A, %get3A_215] {strides = array<i32>} : memref<160x32xi32, #tpu.memory_space<vmem>>, vector<16xi32>,
        %get3A_217 = arith.index_cast %add3A_214 : i32 to index
        %get3A_218 = arith.constant 0 : index
        %get3A_219 = tpu.vector_load %arg10[%get3A_217, %get3A_218] {strides = array<i32>} : memref<160x32xi32, #tpu.memory_space<vmem>>, vector<16xi32>,
        %gather3A = tpu.vector_load_idx %arg16[%get3A_216] : memref<10240xf32, #tpu.memory_space<vmem>>[vector<16xi32>], vector<16xf32>,
        tpu.vector_store_idx %arg17[%get3A_219], %gather3A {add = true} : memref<10240xf32, #tpu.memory_space<vmem>>[vector<16xi32>], vector<16xf32>,
        %get3A_220 = arith.index_cast %add3A_214 : i32 to index
        %get3A_221 = arith.constant 16 : index
        %get3A_222 = tpu.vector_load %arg11[%get3A_220, %get3A_221] {strides = array<i32>} : memref<160x32xi32, #tpu.memory_space<vmem>>, vector<16xi32>,
        %get3A_223 = arith.index_cast %add3A_214 : i32 to index
        %get3A_224 = arith.constant 16 : index
        %get3A_225 = tpu.vector_load %arg10[%get3A_223, %get3A_224] {strides = array<i32>} : memref<160x32xi32, #tpu.memory_space<vmem>>, vector<16xi32>,
        %gather3A_226 = tpu.vector_load_idx %arg16[%get3A_222] : memref<10240xf32, #tpu.memory_space<vmem>>[vector<16xi32>], vector<16xf32>,
        tpu.vector_store_idx %arg17[%get3A_225], %gather3A_226 {add = true} : memref<10240xf32, #tpu.memory_space<vmem>>[vector<16xi32>], vector<16xf32>,
        %add3A_227 = arith.constant 0 : i32
        %add3A_228 = arith.addi %mul3A_197, %add3A_227 : i32
        %dma_wait3A_229 = arith.constant 0 : i32
        %dma_wait3A_230 = tpu.memref_slice %arg11[%add3A_228, %dma_wait3A_229] : memref<160x32xi32, #tpu.memory_space<vmem>> -> memref<1x32xi32, #tpu.memory_space<vmem>>
        %dma_wait3A_231 = tpu.memref_squeeze %dma_wait3A_230 : memref<1x32xi32, #tpu.memory_space<vmem>> -> memref<32xi32, #tpu.memory_space<vmem>>
        %dma_wait3A_232 = arith.constant 0 : i32
        %dma_wait3A_233 = arith.constant 0 : i32
        %dma_wait3A_234 = tpu.memref_slice %arg18[%dma_wait3A_232, %dma_wait3A_233] : memref<10240x128xf32, #tpu.memory_space<vmem_shared>> -> memref<10240x128xf32, #tpu.memory_space<vmem_shared>>
        tpu.wait_indirect_dma semaphore(%arg23 : memref<!tpu.dma_semaphore, #tpu.memory_space<semaphore_mem>>) src(%arg12 : memref<32x128xf32, #tpu.memory_space<vmem>>) dst(%dma_wait3A_234 : memref<10240x128xf32, #tpu.memory_space<vmem_shared>>)
        %lt3A = arith.constant 39 : i32
        %lt3A_235 = arith.cmpi slt, %scan3A_195, %lt3A : i32
        %convert_element_type3A_236 = arith.extui %lt3A_235 : i1 to i32
        %cond3A_237 = arith.constant 0 : i32
        %cond3A_238 = arith.cmpi ne, %convert_element_type3A_236, %cond3A_237 : i32
        scf.if %cond3A_238 {
          %add3A_342 = arith.constant 0 : i32
          %add3A_343 = arith.addi %mul3A_197, %add3A_342 : i32
          %add3A_344 = arith.constant 4 : i32
          %add3A_345 = arith.addi %add3A_343, %add3A_344 : i32
          %dma_start3A_346 = arith.constant 0 : i32
          %dma_start3A_347 = tpu.memref_slice %arg10[%add3A_345, %dma_start3A_346] : memref<160x32xi32, #tpu.memory_space<vmem>> -> memref<1x32xi32, #tpu.memory_space<vmem>>
          %dma_start3A_348 = tpu.memref_squeeze %dma_start3A_347 : memref<1x32xi32, #tpu.memory_space<vmem>> -> memref<32xi32, #tpu.memory_space<vmem>>
          %dma_start3A_349 = arith.constant 0 : i32
          %dma_start3A_350 = arith.constant 0 : i32
          %dma_start3A_351 = tpu.memref_slice %arg4[%dma_start3A_349, %dma_start3A_350] : memref<10240x128xf32, #tpu.memory_space<hbm>> -> memref<10240x128xf32, #tpu.memory_space<hbm>>
          tpu.enqueue_indirect_dma source(%dma_start3A_351 : memref<10240x128xf32, #tpu.memory_space<hbm>>) target(%arg12 : memref<32x128xf32, #tpu.memory_space<vmem>>) offsets(%dma_start3A_348 : memref<32xi32, #tpu.memory_space<vmem>>) semaphore(%arg19 : memref<!tpu.dma_semaphore, #tpu.memory_space<semaphore_mem>>)
        } else {
        }
        %add3A_239 = arith.constant 1 : i32
        %add3A_240 = arith.addi %mul3A_197, %add3A_239 : i32
        %dma_wait3A_241 = arith.constant 0 : i32
        %dma_wait3A_242 = tpu.memref_slice %arg10[%add3A_240, %dma_wait3A_241] : memref<160x32xi32, #tpu.memory_space<vmem>> -> memref<1x32xi32, #tpu.memory_space<vmem>>
        %dma_wait3A_243 = tpu.memref_squeeze %dma_wait3A_242 : memref<1x32xi32, #tpu.memory_space<vmem>> -> memref<32xi32, #tpu.memory_space<vmem>>
        %dma_wait3A_244 = arith.constant 0 : i32
        %dma_wait3A_245 = arith.constant 0 : i32
        %dma_wait3A_246 = tpu.memref_slice %arg4[%dma_wait3A_244, %dma_wait3A_245] : memref<10240x128xf32, #tpu.memory_space<hbm>> -> memref<10240x128xf32, #tpu.memory_space<hbm>>
        tpu.wait_indirect_dma semaphore(%arg20 : memref<!tpu.dma_semaphore, #tpu.memory_space<semaphore_mem>>) src(%dma_wait3A_246 : memref<10240x128xf32, #tpu.memory_space<hbm>>) dst(%arg13 : memref<32x128xf32, #tpu.memory_space<vmem>>)
        %add3A_247 = arith.constant 1 : i32
        %add3A_248 = arith.addi %mul3A_197, %add3A_247 : i32
        %dma_start3A_249 = arith.constant 0 : i32
        %dma_start3A_250 = tpu.memref_slice %arg11[%add3A_248, %dma_start3A_249] : memref<160x32xi32, #tpu.memory_space<vmem>> -> memref<1x32xi32, #tpu.memory_space<vmem>>
        %dma_start3A_251 = tpu.memref_squeeze %dma_start3A_250 : memref<1x32xi32, #tpu.memory_space<vmem>> -> memref<32xi32, #tpu.memory_space<vmem>>
        %dma_start3A_252 = arith.constant 0 : i32
        %dma_start3A_253 = arith.constant 0 : i32
        %dma_start3A_254 = tpu.memref_slice %arg18[%dma_start3A_252, %dma_start3A_253] : memref<10240x128xf32, #tpu.memory_space<vmem_shared>> -> memref<10240x128xf32, #tpu.memory_space<vmem_shared>>
        tpu.enqueue_indirect_dma source(%arg13 : memref<32x128xf32, #tpu.memory_space<vmem>>) target(%dma_start3A_254 : memref<10240x128xf32, #tpu.memory_space<vmem_shared>>) offsets(%dma_start3A_251 : memref<32xi32, #tpu.memory_space<vmem>>) semaphore(%arg24 : memref<!tpu.dma_semaphore, #tpu.memory_space<semaphore_mem>>) {add = true}
        %add3A_255 = arith.constant 1 : i32
        %add3A_256 = arith.addi %mul3A_197, %add3A_255 : i32
        %dma_wait3A_257 = arith.constant 0 : i32
        %dma_wait3A_258 = tpu.memref_slice %arg11[%add3A_256, %dma_wait3A_257] : memref<160x32xi32, #tpu.memory_space<vmem>> -> memref<1x32xi32, #tpu.memory_space<vmem>>
        %dma_wait3A_259 = tpu.memref_squeeze %dma_wait3A_258 : memref<1x32xi32, #tpu.memory_space<vmem>> -> memref<32xi32, #tpu.memory_space<vmem>>
        %dma_wait3A_260 = arith.constant 0 : i32
        %dma_wait3A_261 = arith.constant 0 : i32
        %dma_wait3A_262 = tpu.memref_slice %arg18[%dma_wait3A_260, %dma_wait3A_261] : memref<10240x128xf32, #tpu.memory_space<vmem_shared>> -> memref<10240x128xf32, #tpu.memory_space<vmem_shared>>
        tpu.wait_indirect_dma semaphore(%arg24 : memref<!tpu.dma_semaphore, #tpu.memory_space<semaphore_mem>>) src(%arg13 : memref<32x128xf32, #tpu.memory_space<vmem>>) dst(%dma_wait3A_262 : memref<10240x128xf32, #tpu.memory_space<vmem_shared>>)
        %lt3A_263 = arith.constant 39 : i32
        %lt3A_264 = arith.cmpi slt, %scan3A_195, %lt3A_263 : i32
        %convert_element_type3A_265 = arith.extui %lt3A_264 : i1 to i32
        %cond3A_266 = arith.constant 0 : i32
        %cond3A_267 = arith.cmpi ne, %convert_element_type3A_265, %cond3A_266 : i32
        scf.if %cond3A_267 {
          %add3A_342 = arith.constant 1 : i32
          %add3A_343 = arith.addi %mul3A_197, %add3A_342 : i32
          %add3A_344 = arith.constant 4 : i32
          %add3A_345 = arith.addi %add3A_343, %add3A_344 : i32
          %dma_start3A_346 = arith.constant 0 : i32
          %dma_start3A_347 = tpu.memref_slice %arg10[%add3A_345, %dma_start3A_346] : memref<160x32xi32, #tpu.memory_space<vmem>> -> memref<1x32xi32, #tpu.memory_space<vmem>>
          %dma_start3A_348 = tpu.memref_squeeze %dma_start3A_347 : memref<1x32xi32, #tpu.memory_space<vmem>> -> memref<32xi32, #tpu.memory_space<vmem>>
          %dma_start3A_349 = arith.constant 0 : i32
          %dma_start3A_350 = arith.constant 0 : i32
          %dma_start3A_351 = tpu.memref_slice %arg4[%dma_start3A_349, %dma_start3A_350] : memref<10240x128xf32, #tpu.memory_space<hbm>> -> memref<10240x128xf32, #tpu.memory_space<hbm>>
          tpu.enqueue_indirect_dma source(%dma_start3A_351 : memref<10240x128xf32, #tpu.memory_space<hbm>>) target(%arg13 : memref<32x128xf32, #tpu.memory_space<vmem>>) offsets(%dma_start3A_348 : memref<32xi32, #tpu.memory_space<vmem>>) semaphore(%arg20 : memref<!tpu.dma_semaphore, #tpu.memory_space<semaphore_mem>>)
        } else {
        }
        %add3A_268 = arith.constant 2 : i32
        %add3A_269 = arith.addi %mul3A_197, %add3A_268 : i32
        %dma_wait3A_270 = arith.constant 0 : i32
        %dma_wait3A_271 = tpu.memref_slice %arg10[%add3A_269, %dma_wait3A_270] : memref<160x32xi32, #tpu.memory_space<vmem>> -> memref<1x32xi32, #tpu.memory_space<vmem>>
        %dma_wait3A_272 = tpu.memref_squeeze %dma_wait3A_271 : memref<1x32xi32, #tpu.memory_space<vmem>> -> memref<32xi32, #tpu.memory_space<vmem>>
        %dma_wait3A_273 = arith.constant 0 : i32
        %dma_wait3A_274 = arith.constant 0 : i32
        %dma_wait3A_275 = tpu.memref_slice %arg4[%dma_wait3A_273, %dma_wait3A_274] : memref<10240x128xf32, #tpu.memory_space<hbm>> -> memref<10240x128xf32, #tpu.memory_space<hbm>>
        tpu.wait_indirect_dma semaphore(%arg21 : memref<!tpu.dma_semaphore, #tpu.memory_space<semaphore_mem>>) src(%dma_wait3A_275 : memref<10240x128xf32, #tpu.memory_space<hbm>>) dst(%arg14 : memref<32x128xf32, #tpu.memory_space<vmem>>)
        %add3A_276 = arith.constant 2 : i32
        %add3A_277 = arith.addi %mul3A_197, %add3A_276 : i32
        %dma_start3A_278 = arith.constant 0 : i32
        %dma_start3A_279 = tpu.memref_slice %arg11[%add3A_277, %dma_start3A_278] : memref<160x32xi32, #tpu.memory_space<vmem>> -> memref<1x32xi32, #tpu.memory_space<vmem>>
        %dma_start3A_280 = tpu.memref_squeeze %dma_start3A_279 : memref<1x32xi32, #tpu.memory_space<vmem>> -> memref<32xi32, #tpu.memory_space<vmem>>
        %dma_start3A_281 = arith.constant 0 : i32
        %dma_start3A_282 = arith.constant 0 : i32
        %dma_start3A_283 = tpu.memref_slice %arg18[%dma_start3A_281, %dma_start3A_282] : memref<10240x128xf32, #tpu.memory_space<vmem_shared>> -> memref<10240x128xf32, #tpu.memory_space<vmem_shared>>
        tpu.enqueue_indirect_dma source(%arg14 : memref<32x128xf32, #tpu.memory_space<vmem>>) target(%dma_start3A_283 : memref<10240x128xf32, #tpu.memory_space<vmem_shared>>) offsets(%dma_start3A_280 : memref<32xi32, #tpu.memory_space<vmem>>) semaphore(%arg25 : memref<!tpu.dma_semaphore, #tpu.memory_space<semaphore_mem>>) {add = true}
        %add3A_284 = arith.constant 2 : i32
        %add3A_285 = arith.addi %mul3A_197, %add3A_284 : i32
        %get3A_286 = arith.index_cast %add3A_285 : i32 to index
        %get3A_287 = arith.constant 0 : index
        %get3A_288 = tpu.vector_load %arg11[%get3A_286, %get3A_287] {strides = array<i32>} : memref<160x32xi32, #tpu.memory_space<vmem>>, vector<16xi32>,
        %get3A_289 = arith.index_cast %add3A_285 : i32 to index
        %get3A_290 = arith.constant 0 : index
        %get3A_291 = tpu.vector_load %arg10[%get3A_289, %get3A_290] {strides = array<i32>} : memref<160x32xi32, #tpu.memory_space<vmem>>, vector<16xi32>,
        %gather3A_292 = tpu.vector_load_idx %arg16[%get3A_288] : memref<10240xf32, #tpu.memory_space<vmem>>[vector<16xi32>], vector<16xf32>,
        tpu.vector_store_idx %arg17[%get3A_291], %gather3A_292 {add = true} : memref<10240xf32, #tpu.memory_space<vmem>>[vector<16xi32>], vector<16xf32>,
        %get3A_293 = arith.index_cast %add3A_285 : i32 to index
        %get3A_294 = arith.constant 16 : index
        %get3A_295 = tpu.vector_load %arg11[%get3A_293, %get3A_294] {strides = array<i32>} : memref<160x32xi32, #tpu.memory_space<vmem>>, vector<16xi32>,
        %get3A_296 = arith.index_cast %add3A_285 : i32 to index
        %get3A_297 = arith.constant 16 : index
        %get3A_298 = tpu.vector_load %arg10[%get3A_296, %get3A_297] {strides = array<i32>} : memref<160x32xi32, #tpu.memory_space<vmem>>, vector<16xi32>,
        %gather3A_299 = tpu.vector_load_idx %arg16[%get3A_295] : memref<10240xf32, #tpu.memory_space<vmem>>[vector<16xi32>], vector<16xf32>,
        tpu.vector_store_idx %arg17[%get3A_298], %gather3A_299 {add = true} : memref<10240xf32, #tpu.memory_space<vmem>>[vector<16xi32>], vector<16xf32>,
        %add3A_300 = arith.constant 2 : i32
        %add3A_301 = arith.addi %mul3A_197, %add3A_300 : i32
        %dma_wait3A_302 = arith.constant 0 : i32
        %dma_wait3A_303 = tpu.memref_slice %arg11[%add3A_301, %dma_wait3A_302] : memref<160x32xi32, #tpu.memory_space<vmem>> -> memref<1x32xi32, #tpu.memory_space<vmem>>
        %dma_wait3A_304 = tpu.memref_squeeze %dma_wait3A_303 : memref<1x32xi32, #tpu.memory_space<vmem>> -> memref<32xi32, #tpu.memory_space<vmem>>
        %dma_wait3A_305 = arith.constant 0 : i32
        %dma_wait3A_306 = arith.constant 0 : i32
        %dma_wait3A_307 = tpu.memref_slice %arg18[%dma_wait3A_305, %dma_wait3A_306] : memref<10240x128xf32, #tpu.memory_space<vmem_shared>> -> memref<10240x128xf32, #tpu.memory_space<vmem_shared>>
        tpu.wait_indirect_dma semaphore(%arg25 : memref<!tpu.dma_semaphore, #tpu.memory_space<semaphore_mem>>) src(%arg14 : memref<32x128xf32, #tpu.memory_space<vmem>>) dst(%dma_wait3A_307 : memref<10240x128xf32, #tpu.memory_space<vmem_shared>>)
        %lt3A_308 = arith.constant 39 : i32
        %lt3A_309 = arith.cmpi slt, %scan3A_195, %lt3A_308 : i32
        %convert_element_type3A_310 = arith.extui %lt3A_309 : i1 to i32
        %cond3A_311 = arith.constant 0 : i32
        %cond3A_312 = arith.cmpi ne, %convert_element_type3A_310, %cond3A_311 : i32
        scf.if %cond3A_312 {
          %add3A_342 = arith.constant 2 : i32
          %add3A_343 = arith.addi %mul3A_197, %add3A_342 : i32
          %add3A_344 = arith.constant 4 : i32
          %add3A_345 = arith.addi %add3A_343, %add3A_344 : i32
          %dma_start3A_346 = arith.constant 0 : i32
          %dma_start3A_347 = tpu.memref_slice %arg10[%add3A_345, %dma_start3A_346] : memref<160x32xi32, #tpu.memory_space<vmem>> -> memref<1x32xi32, #tpu.memory_space<vmem>>
          %dma_start3A_348 = tpu.memref_squeeze %dma_start3A_347 : memref<1x32xi32, #tpu.memory_space<vmem>> -> memref<32xi32, #tpu.memory_space<vmem>>
          %dma_start3A_349 = arith.constant 0 : i32
          %dma_start3A_350 = arith.constant 0 : i32
          %dma_start3A_351 = tpu.memref_slice %arg4[%dma_start3A_349, %dma_start3A_350] : memref<10240x128xf32, #tpu.memory_space<hbm>> -> memref<10240x128xf32, #tpu.memory_space<hbm>>
          tpu.enqueue_indirect_dma source(%dma_start3A_351 : memref<10240x128xf32, #tpu.memory_space<hbm>>) target(%arg14 : memref<32x128xf32, #tpu.memory_space<vmem>>) offsets(%dma_start3A_348 : memref<32xi32, #tpu.memory_space<vmem>>) semaphore(%arg21 : memref<!tpu.dma_semaphore, #tpu.memory_space<semaphore_mem>>)
        } else {
        }
        %add3A_313 = arith.constant 3 : i32
        %add3A_314 = arith.addi %mul3A_197, %add3A_313 : i32
        %dma_wait3A_315 = arith.constant 0 : i32
        %dma_wait3A_316 = tpu.memref_slice %arg10[%add3A_314, %dma_wait3A_315] : memref<160x32xi32, #tpu.memory_space<vmem>> -> memref<1x32xi32, #tpu.memory_space<vmem>>
        %dma_wait3A_317 = tpu.memref_squeeze %dma_wait3A_316 : memref<1x32xi32, #tpu.memory_space<vmem>> -> memref<32xi32, #tpu.memory_space<vmem>>
        %dma_wait3A_318 = arith.constant 0 : i32
        %dma_wait3A_319 = arith.constant 0 : i32
        %dma_wait3A_320 = tpu.memref_slice %arg4[%dma_wait3A_318, %dma_wait3A_319] : memref<10240x128xf32, #tpu.memory_space<hbm>> -> memref<10240x128xf32, #tpu.memory_space<hbm>>
        tpu.wait_indirect_dma semaphore(%arg22 : memref<!tpu.dma_semaphore, #tpu.memory_space<semaphore_mem>>) src(%dma_wait3A_320 : memref<10240x128xf32, #tpu.memory_space<hbm>>) dst(%arg15 : memref<32x128xf32, #tpu.memory_space<vmem>>)
        %add3A_321 = arith.constant 3 : i32
        %add3A_322 = arith.addi %mul3A_197, %add3A_321 : i32
        %dma_start3A_323 = arith.constant 0 : i32
        %dma_start3A_324 = tpu.memref_slice %arg11[%add3A_322, %dma_start3A_323] : memref<160x32xi32, #tpu.memory_space<vmem>> -> memref<1x32xi32, #tpu.memory_space<vmem>>
        %dma_start3A_325 = tpu.memref_squeeze %dma_start3A_324 : memref<1x32xi32, #tpu.memory_space<vmem>> -> memref<32xi32, #tpu.memory_space<vmem>>
        %dma_start3A_326 = arith.constant 0 : i32
        %dma_start3A_327 = arith.constant 0 : i32
        %dma_start3A_328 = tpu.memref_slice %arg18[%dma_start3A_326, %dma_start3A_327] : memref<10240x128xf32, #tpu.memory_space<vmem_shared>> -> memref<10240x128xf32, #tpu.memory_space<vmem_shared>>
        tpu.enqueue_indirect_dma source(%arg15 : memref<32x128xf32, #tpu.memory_space<vmem>>) target(%dma_start3A_328 : memref<10240x128xf32, #tpu.memory_space<vmem_shared>>) offsets(%dma_start3A_325 : memref<32xi32, #tpu.memory_space<vmem>>) semaphore(%arg26 : memref<!tpu.dma_semaphore, #tpu.memory_space<semaphore_mem>>) {add = true}
        %add3A_329 = arith.constant 3 : i32
        %add3A_330 = arith.addi %mul3A_197, %add3A_329 : i32
        %dma_wait3A_331 = arith.constant 0 : i32
        %dma_wait3A_332 = tpu.memref_slice %arg11[%add3A_330, %dma_wait3A_331] : memref<160x32xi32, #tpu.memory_space<vmem>> -> memref<1x32xi32, #tpu.memory_space<vmem>>
        %dma_wait3A_333 = tpu.memref_squeeze %dma_wait3A_332 : memref<1x32xi32, #tpu.memory_space<vmem>> -> memref<32xi32, #tpu.memory_space<vmem>>
        %dma_wait3A_334 = arith.constant 0 : i32
        %dma_wait3A_335 = arith.constant 0 : i32
        %dma_wait3A_336 = tpu.memref_slice %arg18[%dma_wait3A_334, %dma_wait3A_335] : memref<10240x128xf32, #tpu.memory_space<vmem_shared>> -> memref<10240x128xf32, #tpu.memory_space<vmem_shared>>
        tpu.wait_indirect_dma semaphore(%arg26 : memref<!tpu.dma_semaphore, #tpu.memory_space<semaphore_mem>>) src(%arg15 : memref<32x128xf32, #tpu.memory_space<vmem>>) dst(%dma_wait3A_336 : memref<10240x128xf32, #tpu.memory_space<vmem_shared>>)
        %lt3A_337 = arith.constant 39 : i32
        %lt3A_338 = arith.cmpi slt, %scan3A_195, %lt3A_337 : i32
        %convert_element_type3A_339 = arith.extui %lt3A_338 : i1 to i32
        %cond3A_340 = arith.constant 0 : i32
        %cond3A_341 = arith.cmpi ne, %convert_element_type3A_339, %cond3A_340 : i32
        scf.if %cond3A_341 {
          %add3A_342 = arith.constant 3 : i32
          %add3A_343 = arith.addi %mul3A_197, %add3A_342 : i32
          %add3A_344 = arith.constant 4 : i32
          %add3A_345 = arith.addi %add3A_343, %add3A_344 : i32
          %dma_start3A_346 = arith.constant 0 : i32
          %dma_start3A_347 = tpu.memref_slice %arg10[%add3A_345, %dma_start3A_346] : memref<160x32xi32, #tpu.memory_space<vmem>> -> memref<1x32xi32, #tpu.memory_space<vmem>>
          %dma_start3A_348 = tpu.memref_squeeze %dma_start3A_347 : memref<1x32xi32, #tpu.memory_space<vmem>> -> memref<32xi32, #tpu.memory_space<vmem>>
          %dma_start3A_349 = arith.constant 0 : i32
          %dma_start3A_350 = arith.constant 0 : i32
          %dma_start3A_351 = tpu.memref_slice %arg4[%dma_start3A_349, %dma_start3A_350] : memref<10240x128xf32, #tpu.memory_space<hbm>> -> memref<10240x128xf32, #tpu.memory_space<hbm>>
          tpu.enqueue_indirect_dma source(%dma_start3A_351 : memref<10240x128xf32, #tpu.memory_space<hbm>>) target(%arg15 : memref<32x128xf32, #tpu.memory_space<vmem>>) offsets(%dma_start3A_348 : memref<32xi32, #tpu.memory_space<vmem>>) semaphore(%arg22 : memref<!tpu.dma_semaphore, #tpu.memory_space<semaphore_mem>>)
        } else {
        }
      }
      %scan3A_194 = arith.constant 40 : i32
    } else {
    }
    %eq3A_91 = arith.constant 1 : i32
    %eq3A_92 = arith.cmpi eq, %arg0, %eq3A_91 : i32
    %convert_element_type3A_93 = arith.extui %eq3A_92 : i1 to i32
    %cond3A_94 = arith.constant 0 : i32
    %cond3A_95 = arith.cmpi ne, %convert_element_type3A_93, %cond3A_94 : i32
    scf.if %cond3A_95 {
      %mul3A_112 = arith.constant 320 : i32
      %mul3A_113 = arith.muli %arg1, %mul3A_112 : i32
      %add3A_114 = arith.constant 0 : i32
      %add3A_115 = arith.addi %mul3A_113, %add3A_114 : i32
      "tpu.region"() ({
        %run_scoped3A = tpu.sem_alloc : memref<!tpu.dma_semaphore, #tpu.memory_space<semaphore_mem>>
        %dma_start3A_195 = arith.constant 0 : i32
        %dma_start3A_196 = tpu.memref_slice %arg2[%add3A_115, %dma_start3A_195] : memref<5120x32xi32, #tpu.memory_space<hbm>> -> memref<160x32xi32, #tpu.memory_space<hbm>>
        %dma_start3A_197 = arith.constant 0 : i32
        %dma_start3A_198 = tpu.memref_slice %arg2[%add3A_115, %dma_start3A_197] : memref<5120x32xi32, #tpu.memory_space<hbm>> -> memref<160x32xi32, #tpu.memory_space<hbm>>
        tpu.enqueue_dma source(%dma_start3A_198 : memref<160x32xi32, #tpu.memory_space<hbm>>) target(%arg10 : memref<160x32xi32, #tpu.memory_space<vmem>>) target_semaphore(%run_scoped3A : memref<!tpu.dma_semaphore, #tpu.memory_space<semaphore_mem>>)
        %dma_wait3A = arith.constant 0 : i32
        %dma_wait3A_199 = tpu.memref_slice %arg2[%add3A_115, %dma_wait3A] : memref<5120x32xi32, #tpu.memory_space<hbm>> -> memref<160x32xi32, #tpu.memory_space<hbm>>
        %dma_wait3A_200 = arith.constant 0 : i32
        %dma_wait3A_201 = tpu.memref_slice %arg2[%add3A_115, %dma_wait3A_200] : memref<5120x32xi32, #tpu.memory_space<hbm>> -> memref<160x32xi32, #tpu.memory_space<hbm>>
        tpu.wait_dma2 semaphore(%run_scoped3A : memref<!tpu.dma_semaphore, #tpu.memory_space<semaphore_mem>>) src(%dma_wait3A_201 : memref<160x32xi32, #tpu.memory_space<hbm>>) dst(%arg10 : memref<160x32xi32, #tpu.memory_space<vmem>>)
        tpu.yield
      }) : () -> ()
      %mul3A_116 = arith.constant 320 : i32
      %mul3A_117 = arith.muli %arg1, %mul3A_116 : i32
      %add3A_118 = arith.constant 0 : i32
      %add3A_119 = arith.addi %mul3A_117, %add3A_118 : i32
      "tpu.region"() ({
        %run_scoped3A = tpu.sem_alloc : memref<!tpu.dma_semaphore, #tpu.memory_space<semaphore_mem>>
        %dma_start3A_195 = arith.constant 0 : i32
        %dma_start3A_196 = tpu.memref_slice %arg3[%add3A_119, %dma_start3A_195] : memref<5120x32xi32, #tpu.memory_space<hbm>> -> memref<160x32xi32, #tpu.memory_space<hbm>>
        %dma_start3A_197 = arith.constant 0 : i32
        %dma_start3A_198 = tpu.memref_slice %arg3[%add3A_119, %dma_start3A_197] : memref<5120x32xi32, #tpu.memory_space<hbm>> -> memref<160x32xi32, #tpu.memory_space<hbm>>
        tpu.enqueue_dma source(%dma_start3A_198 : memref<160x32xi32, #tpu.memory_space<hbm>>) target(%arg11 : memref<160x32xi32, #tpu.memory_space<vmem>>) target_semaphore(%run_scoped3A : memref<!tpu.dma_semaphore, #tpu.memory_space<semaphore_mem>>)
        %dma_wait3A = arith.constant 0 : i32
        %dma_wait3A_199 = tpu.memref_slice %arg3[%add3A_119, %dma_wait3A] : memref<5120x32xi32, #tpu.memory_space<hbm>> -> memref<160x32xi32, #tpu.memory_space<hbm>>
        %dma_wait3A_200 = arith.constant 0 : i32
        %dma_wait3A_201 = tpu.memref_slice %arg3[%add3A_119, %dma_wait3A_200] : memref<5120x32xi32, #tpu.memory_space<hbm>> -> memref<160x32xi32, #tpu.memory_space<hbm>>
        tpu.wait_dma2 semaphore(%run_scoped3A : memref<!tpu.dma_semaphore, #tpu.memory_space<semaphore_mem>>) src(%dma_wait3A_201 : memref<160x32xi32, #tpu.memory_space<hbm>>) dst(%arg11 : memref<160x32xi32, #tpu.memory_space<vmem>>)
        tpu.yield
      }) : () -> ()
      %dma_start3A = arith.constant 0 : i32
      %dma_start3A_120 = arith.constant 0 : i32
      %dma_start3A_121 = tpu.memref_slice %arg10[%dma_start3A, %dma_start3A_120] : memref<160x32xi32, #tpu.memory_space<vmem>> -> memref<1x32xi32, #tpu.memory_space<vmem>>
      %dma_start3A_122 = tpu.memref_squeeze %dma_start3A_121 : memref<1x32xi32, #tpu.memory_space<vmem>> -> memref<32xi32, #tpu.memory_space<vmem>>
      %dma_start3A_123 = arith.constant 0 : i32
      %dma_start3A_124 = arith.constant 0 : i32
      %dma_start3A_125 = tpu.memref_slice %arg5[%dma_start3A_123, %dma_start3A_124] : memref<10240x128xf32, #tpu.memory_space<hbm>> -> memref<10240x128xf32, #tpu.memory_space<hbm>>
      tpu.enqueue_indirect_dma source(%dma_start3A_125 : memref<10240x128xf32, #tpu.memory_space<hbm>>) target(%arg12 : memref<32x128xf32, #tpu.memory_space<vmem>>) offsets(%dma_start3A_122 : memref<32xi32, #tpu.memory_space<vmem>>) semaphore(%arg19 : memref<!tpu.dma_semaphore, #tpu.memory_space<semaphore_mem>>)
      %dma_start3A_126 = arith.constant 1 : i32
      %dma_start3A_127 = arith.constant 0 : i32
      %dma_start3A_128 = tpu.memref_slice %arg10[%dma_start3A_126, %dma_start3A_127] : memref<160x32xi32, #tpu.memory_space<vmem>> -> memref<1x32xi32, #tpu.memory_space<vmem>>
      %dma_start3A_129 = tpu.memref_squeeze %dma_start3A_128 : memref<1x32xi32, #tpu.memory_space<vmem>> -> memref<32xi32, #tpu.memory_space<vmem>>
      %dma_start3A_130 = arith.constant 0 : i32
      %dma_start3A_131 = arith.constant 0 : i32
      %dma_start3A_132 = tpu.memref_slice %arg5[%dma_start3A_130, %dma_start3A_131] : memref<10240x128xf32, #tpu.memory_space<hbm>> -> memref<10240x128xf32, #tpu.memory_space<hbm>>
      tpu.enqueue_indirect_dma source(%dma_start3A_132 : memref<10240x128xf32, #tpu.memory_space<hbm>>) target(%arg13 : memref<32x128xf32, #tpu.memory_space<vmem>>) offsets(%dma_start3A_129 : memref<32xi32, #tpu.memory_space<vmem>>) semaphore(%arg20 : memref<!tpu.dma_semaphore, #tpu.memory_space<semaphore_mem>>)
      %dma_start3A_133 = arith.constant 2 : i32
      %dma_start3A_134 = arith.constant 0 : i32
      %dma_start3A_135 = tpu.memref_slice %arg10[%dma_start3A_133, %dma_start3A_134] : memref<160x32xi32, #tpu.memory_space<vmem>> -> memref<1x32xi32, #tpu.memory_space<vmem>>
      %dma_start3A_136 = tpu.memref_squeeze %dma_start3A_135 : memref<1x32xi32, #tpu.memory_space<vmem>> -> memref<32xi32, #tpu.memory_space<vmem>>
      %dma_start3A_137 = arith.constant 0 : i32
      %dma_start3A_138 = arith.constant 0 : i32
      %dma_start3A_139 = tpu.memref_slice %arg5[%dma_start3A_137, %dma_start3A_138] : memref<10240x128xf32, #tpu.memory_space<hbm>> -> memref<10240x128xf32, #tpu.memory_space<hbm>>
      tpu.enqueue_indirect_dma source(%dma_start3A_139 : memref<10240x128xf32, #tpu.memory_space<hbm>>) target(%arg14 : memref<32x128xf32, #tpu.memory_space<vmem>>) offsets(%dma_start3A_136 : memref<32xi32, #tpu.memory_space<vmem>>) semaphore(%arg21 : memref<!tpu.dma_semaphore, #tpu.memory_space<semaphore_mem>>)
      %dma_start3A_140 = arith.constant 3 : i32
      %dma_start3A_141 = arith.constant 0 : i32
      %dma_start3A_142 = tpu.memref_slice %arg10[%dma_start3A_140, %dma_start3A_141] : memref<160x32xi32, #tpu.memory_space<vmem>> -> memref<1x32xi32, #tpu.memory_space<vmem>>
      %dma_start3A_143 = tpu.memref_squeeze %dma_start3A_142 : memref<1x32xi32, #tpu.memory_space<vmem>> -> memref<32xi32, #tpu.memory_space<vmem>>
      %dma_start3A_144 = arith.constant 0 : i32
      %dma_start3A_145 = arith.constant 0 : i32
      %dma_start3A_146 = tpu.memref_slice %arg5[%dma_start3A_144, %dma_start3A_145] : memref<10240x128xf32, #tpu.memory_space<hbm>> -> memref<10240x128xf32, #tpu.memory_space<hbm>>
      tpu.enqueue_indirect_dma source(%dma_start3A_146 : memref<10240x128xf32, #tpu.memory_space<hbm>>) target(%arg15 : memref<32x128xf32, #tpu.memory_space<vmem>>) offsets(%dma_start3A_143 : memref<32xi32, #tpu.memory_space<vmem>>) semaphore(%arg22 : memref<!tpu.dma_semaphore, #tpu.memory_space<semaphore_mem>>)
      %scan3A_147 = arith.constant 0 : i32
      %scan3A_148 = arith.constant 0 : i32
      %scan3A_149 = arith.constant 40 : i32
      %scan3A_150 = arith.addi %scan3A_148, %scan3A_149 : i32
      %scan3A_151 = arith.constant 1 : i32
      scf.for %scan3A_195 = %scan3A_148 to %scan3A_150 step %scan3A_151  : i32 {
        %mul3A_196 = arith.constant 4 : i32
        %mul3A_197 = arith.muli %mul3A_196, %scan3A_195 : i32
        %add3A_198 = arith.constant 0 : i32
        %add3A_199 = arith.addi %mul3A_197, %add3A_198 : i32
        %dma_wait3A = arith.constant 0 : i32
        %dma_wait3A_200 = tpu.memref_slice %arg10[%add3A_199, %dma_wait3A] : memref<160x32xi32, #tpu.memory_space<vmem>> -> memref<1x32xi32, #tpu.memory_space<vmem>>
        %dma_wait3A_201 = tpu.memref_squeeze %dma_wait3A_200 : memref<1x32xi32, #tpu.memory_space<vmem>> -> memref<32xi32, #tpu.memory_space<vmem>>
        %dma_wait3A_202 = arith.constant 0 : i32
        %dma_wait3A_203 = arith.constant 0 : i32
        %dma_wait3A_204 = tpu.memref_slice %arg5[%dma_wait3A_202, %dma_wait3A_203] : memref<10240x128xf32, #tpu.memory_space<hbm>> -> memref<10240x128xf32, #tpu.memory_space<hbm>>
        tpu.wait_indirect_dma semaphore(%arg19 : memref<!tpu.dma_semaphore, #tpu.memory_space<semaphore_mem>>) src(%dma_wait3A_204 : memref<10240x128xf32, #tpu.memory_space<hbm>>) dst(%arg12 : memref<32x128xf32, #tpu.memory_space<vmem>>)
        %add3A_205 = arith.constant 0 : i32
        %add3A_206 = arith.addi %mul3A_197, %add3A_205 : i32
        %dma_start3A_207 = arith.constant 0 : i32
        %dma_start3A_208 = tpu.memref_slice %arg11[%add3A_206, %dma_start3A_207] : memref<160x32xi32, #tpu.memory_space<vmem>> -> memref<1x32xi32, #tpu.memory_space<vmem>>
        %dma_start3A_209 = tpu.memref_squeeze %dma_start3A_208 : memref<1x32xi32, #tpu.memory_space<vmem>> -> memref<32xi32, #tpu.memory_space<vmem>>
        %dma_start3A_210 = arith.constant 0 : i32
        %dma_start3A_211 = arith.constant 0 : i32
        %dma_start3A_212 = tpu.memref_slice %arg18[%dma_start3A_210, %dma_start3A_211] : memref<10240x128xf32, #tpu.memory_space<vmem_shared>> -> memref<10240x128xf32, #tpu.memory_space<vmem_shared>>
        tpu.enqueue_indirect_dma source(%arg12 : memref<32x128xf32, #tpu.memory_space<vmem>>) target(%dma_start3A_212 : memref<10240x128xf32, #tpu.memory_space<vmem_shared>>) offsets(%dma_start3A_209 : memref<32xi32, #tpu.memory_space<vmem>>) semaphore(%arg23 : memref<!tpu.dma_semaphore, #tpu.memory_space<semaphore_mem>>) {add = true}
        %add3A_213 = arith.constant 0 : i32
        %add3A_214 = arith.addi %mul3A_197, %add3A_213 : i32
        %dma_wait3A_215 = arith.constant 0 : i32
        %dma_wait3A_216 = tpu.memref_slice %arg11[%add3A_214, %dma_wait3A_215] : memref<160x32xi32, #tpu.memory_space<vmem>> -> memref<1x32xi32, #tpu.memory_space<vmem>>
        %dma_wait3A_217 = tpu.memref_squeeze %dma_wait3A_216 : memref<1x32xi32, #tpu.memory_space<vmem>> -> memref<32xi32, #tpu.memory_space<vmem>>
        %dma_wait3A_218 = arith.constant 0 : i32
        %dma_wait3A_219 = arith.constant 0 : i32
        %dma_wait3A_220 = tpu.memref_slice %arg18[%dma_wait3A_218, %dma_wait3A_219] : memref<10240x128xf32, #tpu.memory_space<vmem_shared>> -> memref<10240x128xf32, #tpu.memory_space<vmem_shared>>
        tpu.wait_indirect_dma semaphore(%arg23 : memref<!tpu.dma_semaphore, #tpu.memory_space<semaphore_mem>>) src(%arg12 : memref<32x128xf32, #tpu.memory_space<vmem>>) dst(%dma_wait3A_220 : memref<10240x128xf32, #tpu.memory_space<vmem_shared>>)
        %lt3A = arith.constant 39 : i32
        %lt3A_221 = arith.cmpi slt, %scan3A_195, %lt3A : i32
        %convert_element_type3A_222 = arith.extui %lt3A_221 : i1 to i32
        %cond3A_223 = arith.constant 0 : i32
        %cond3A_224 = arith.cmpi ne, %convert_element_type3A_222, %cond3A_223 : i32
        scf.if %cond3A_224 {
          %add3A_342 = arith.constant 0 : i32
          %add3A_343 = arith.addi %mul3A_197, %add3A_342 : i32
          %add3A_344 = arith.constant 4 : i32
          %add3A_345 = arith.addi %add3A_343, %add3A_344 : i32
          %dma_start3A_346 = arith.constant 0 : i32
          %dma_start3A_347 = tpu.memref_slice %arg10[%add3A_345, %dma_start3A_346] : memref<160x32xi32, #tpu.memory_space<vmem>> -> memref<1x32xi32, #tpu.memory_space<vmem>>
          %dma_start3A_348 = tpu.memref_squeeze %dma_start3A_347 : memref<1x32xi32, #tpu.memory_space<vmem>> -> memref<32xi32, #tpu.memory_space<vmem>>
          %dma_start3A_349 = arith.constant 0 : i32
          %dma_start3A_350 = arith.constant 0 : i32
          %dma_start3A_351 = tpu.memref_slice %arg5[%dma_start3A_349, %dma_start3A_350] : memref<10240x128xf32, #tpu.memory_space<hbm>> -> memref<10240x128xf32, #tpu.memory_space<hbm>>
          tpu.enqueue_indirect_dma source(%dma_start3A_351 : memref<10240x128xf32, #tpu.memory_space<hbm>>) target(%arg12 : memref<32x128xf32, #tpu.memory_space<vmem>>) offsets(%dma_start3A_348 : memref<32xi32, #tpu.memory_space<vmem>>) semaphore(%arg19 : memref<!tpu.dma_semaphore, #tpu.memory_space<semaphore_mem>>)
        } else {
        }
        %add3A_225 = arith.constant 1 : i32
        %add3A_226 = arith.addi %mul3A_197, %add3A_225 : i32
        %dma_wait3A_227 = arith.constant 0 : i32
        %dma_wait3A_228 = tpu.memref_slice %arg10[%add3A_226, %dma_wait3A_227] : memref<160x32xi32, #tpu.memory_space<vmem>> -> memref<1x32xi32, #tpu.memory_space<vmem>>
        %dma_wait3A_229 = tpu.memref_squeeze %dma_wait3A_228 : memref<1x32xi32, #tpu.memory_space<vmem>> -> memref<32xi32, #tpu.memory_space<vmem>>
        %dma_wait3A_230 = arith.constant 0 : i32
        %dma_wait3A_231 = arith.constant 0 : i32
        %dma_wait3A_232 = tpu.memref_slice %arg5[%dma_wait3A_230, %dma_wait3A_231] : memref<10240x128xf32, #tpu.memory_space<hbm>> -> memref<10240x128xf32, #tpu.memory_space<hbm>>
        tpu.wait_indirect_dma semaphore(%arg20 : memref<!tpu.dma_semaphore, #tpu.memory_space<semaphore_mem>>) src(%dma_wait3A_232 : memref<10240x128xf32, #tpu.memory_space<hbm>>) dst(%arg13 : memref<32x128xf32, #tpu.memory_space<vmem>>)
        %add3A_233 = arith.constant 1 : i32
        %add3A_234 = arith.addi %mul3A_197, %add3A_233 : i32
        %dma_start3A_235 = arith.constant 0 : i32
        %dma_start3A_236 = tpu.memref_slice %arg11[%add3A_234, %dma_start3A_235] : memref<160x32xi32, #tpu.memory_space<vmem>> -> memref<1x32xi32, #tpu.memory_space<vmem>>
        %dma_start3A_237 = tpu.memref_squeeze %dma_start3A_236 : memref<1x32xi32, #tpu.memory_space<vmem>> -> memref<32xi32, #tpu.memory_space<vmem>>
        %dma_start3A_238 = arith.constant 0 : i32
        %dma_start3A_239 = arith.constant 0 : i32
        %dma_start3A_240 = tpu.memref_slice %arg18[%dma_start3A_238, %dma_start3A_239] : memref<10240x128xf32, #tpu.memory_space<vmem_shared>> -> memref<10240x128xf32, #tpu.memory_space<vmem_shared>>
        tpu.enqueue_indirect_dma source(%arg13 : memref<32x128xf32, #tpu.memory_space<vmem>>) target(%dma_start3A_240 : memref<10240x128xf32, #tpu.memory_space<vmem_shared>>) offsets(%dma_start3A_237 : memref<32xi32, #tpu.memory_space<vmem>>) semaphore(%arg24 : memref<!tpu.dma_semaphore, #tpu.memory_space<semaphore_mem>>) {add = true}
        %add3A_241 = arith.constant 1 : i32
        %add3A_242 = arith.addi %mul3A_197, %add3A_241 : i32
        %get3A = arith.index_cast %add3A_242 : i32 to index
        %get3A_243 = arith.constant 0 : index
        %get3A_244 = tpu.vector_load %arg11[%get3A, %get3A_243] {strides = array<i32>} : memref<160x32xi32, #tpu.memory_space<vmem>>, vector<16xi32>,
        %get3A_245 = arith.index_cast %add3A_242 : i32 to index
        %get3A_246 = arith.constant 0 : index
        %get3A_247 = tpu.vector_load %arg10[%get3A_245, %get3A_246] {strides = array<i32>} : memref<160x32xi32, #tpu.memory_space<vmem>>, vector<16xi32>,
        %gather3A = tpu.vector_load_idx %arg16[%get3A_244] : memref<10240xf32, #tpu.memory_space<vmem>>[vector<16xi32>], vector<16xf32>,
        tpu.vector_store_idx %arg17[%get3A_247], %gather3A {add = true} : memref<10240xf32, #tpu.memory_space<vmem>>[vector<16xi32>], vector<16xf32>,
        %get3A_248 = arith.index_cast %add3A_242 : i32 to index
        %get3A_249 = arith.constant 16 : index
        %get3A_250 = tpu.vector_load %arg11[%get3A_248, %get3A_249] {strides = array<i32>} : memref<160x32xi32, #tpu.memory_space<vmem>>, vector<16xi32>,
        %get3A_251 = arith.index_cast %add3A_242 : i32 to index
        %get3A_252 = arith.constant 16 : index
        %get3A_253 = tpu.vector_load %arg10[%get3A_251, %get3A_252] {strides = array<i32>} : memref<160x32xi32, #tpu.memory_space<vmem>>, vector<16xi32>,
        %gather3A_254 = tpu.vector_load_idx %arg16[%get3A_250] : memref<10240xf32, #tpu.memory_space<vmem>>[vector<16xi32>], vector<16xf32>,
        tpu.vector_store_idx %arg17[%get3A_253], %gather3A_254 {add = true} : memref<10240xf32, #tpu.memory_space<vmem>>[vector<16xi32>], vector<16xf32>,
        %add3A_255 = arith.constant 1 : i32
        %add3A_256 = arith.addi %mul3A_197, %add3A_255 : i32
        %dma_wait3A_257 = arith.constant 0 : i32
        %dma_wait3A_258 = tpu.memref_slice %arg11[%add3A_256, %dma_wait3A_257] : memref<160x32xi32, #tpu.memory_space<vmem>> -> memref<1x32xi32, #tpu.memory_space<vmem>>
        %dma_wait3A_259 = tpu.memref_squeeze %dma_wait3A_258 : memref<1x32xi32, #tpu.memory_space<vmem>> -> memref<32xi32, #tpu.memory_space<vmem>>
        %dma_wait3A_260 = arith.constant 0 : i32
        %dma_wait3A_261 = arith.constant 0 : i32
        %dma_wait3A_262 = tpu.memref_slice %arg18[%dma_wait3A_260, %dma_wait3A_261] : memref<10240x128xf32, #tpu.memory_space<vmem_shared>> -> memref<10240x128xf32, #tpu.memory_space<vmem_shared>>
        tpu.wait_indirect_dma semaphore(%arg24 : memref<!tpu.dma_semaphore, #tpu.memory_space<semaphore_mem>>) src(%arg13 : memref<32x128xf32, #tpu.memory_space<vmem>>) dst(%dma_wait3A_262 : memref<10240x128xf32, #tpu.memory_space<vmem_shared>>)
        %lt3A_263 = arith.constant 39 : i32
        %lt3A_264 = arith.cmpi slt, %scan3A_195, %lt3A_263 : i32
        %convert_element_type3A_265 = arith.extui %lt3A_264 : i1 to i32
        %cond3A_266 = arith.constant 0 : i32
        %cond3A_267 = arith.cmpi ne, %convert_element_type3A_265, %cond3A_266 : i32
        scf.if %cond3A_267 {
          %add3A_342 = arith.constant 1 : i32
          %add3A_343 = arith.addi %mul3A_197, %add3A_342 : i32
          %add3A_344 = arith.constant 4 : i32
          %add3A_345 = arith.addi %add3A_343, %add3A_344 : i32
          %dma_start3A_346 = arith.constant 0 : i32
          %dma_start3A_347 = tpu.memref_slice %arg10[%add3A_345, %dma_start3A_346] : memref<160x32xi32, #tpu.memory_space<vmem>> -> memref<1x32xi32, #tpu.memory_space<vmem>>
          %dma_start3A_348 = tpu.memref_squeeze %dma_start3A_347 : memref<1x32xi32, #tpu.memory_space<vmem>> -> memref<32xi32, #tpu.memory_space<vmem>>
          %dma_start3A_349 = arith.constant 0 : i32
          %dma_start3A_350 = arith.constant 0 : i32
          %dma_start3A_351 = tpu.memref_slice %arg5[%dma_start3A_349, %dma_start3A_350] : memref<10240x128xf32, #tpu.memory_space<hbm>> -> memref<10240x128xf32, #tpu.memory_space<hbm>>
          tpu.enqueue_indirect_dma source(%dma_start3A_351 : memref<10240x128xf32, #tpu.memory_space<hbm>>) target(%arg13 : memref<32x128xf32, #tpu.memory_space<vmem>>) offsets(%dma_start3A_348 : memref<32xi32, #tpu.memory_space<vmem>>) semaphore(%arg20 : memref<!tpu.dma_semaphore, #tpu.memory_space<semaphore_mem>>)
        } else {
        }
        %add3A_268 = arith.constant 2 : i32
        %add3A_269 = arith.addi %mul3A_197, %add3A_268 : i32
        %dma_wait3A_270 = arith.constant 0 : i32
        %dma_wait3A_271 = tpu.memref_slice %arg10[%add3A_269, %dma_wait3A_270] : memref<160x32xi32, #tpu.memory_space<vmem>> -> memref<1x32xi32, #tpu.memory_space<vmem>>
        %dma_wait3A_272 = tpu.memref_squeeze %dma_wait3A_271 : memref<1x32xi32, #tpu.memory_space<vmem>> -> memref<32xi32, #tpu.memory_space<vmem>>
        %dma_wait3A_273 = arith.constant 0 : i32
        %dma_wait3A_274 = arith.constant 0 : i32
        %dma_wait3A_275 = tpu.memref_slice %arg5[%dma_wait3A_273, %dma_wait3A_274] : memref<10240x128xf32, #tpu.memory_space<hbm>> -> memref<10240x128xf32, #tpu.memory_space<hbm>>
        tpu.wait_indirect_dma semaphore(%arg21 : memref<!tpu.dma_semaphore, #tpu.memory_space<semaphore_mem>>) src(%dma_wait3A_275 : memref<10240x128xf32, #tpu.memory_space<hbm>>) dst(%arg14 : memref<32x128xf32, #tpu.memory_space<vmem>>)
        %add3A_276 = arith.constant 2 : i32
        %add3A_277 = arith.addi %mul3A_197, %add3A_276 : i32
        %dma_start3A_278 = arith.constant 0 : i32
        %dma_start3A_279 = tpu.memref_slice %arg11[%add3A_277, %dma_start3A_278] : memref<160x32xi32, #tpu.memory_space<vmem>> -> memref<1x32xi32, #tpu.memory_space<vmem>>
        %dma_start3A_280 = tpu.memref_squeeze %dma_start3A_279 : memref<1x32xi32, #tpu.memory_space<vmem>> -> memref<32xi32, #tpu.memory_space<vmem>>
        %dma_start3A_281 = arith.constant 0 : i32
        %dma_start3A_282 = arith.constant 0 : i32
        %dma_start3A_283 = tpu.memref_slice %arg18[%dma_start3A_281, %dma_start3A_282] : memref<10240x128xf32, #tpu.memory_space<vmem_shared>> -> memref<10240x128xf32, #tpu.memory_space<vmem_shared>>
        tpu.enqueue_indirect_dma source(%arg14 : memref<32x128xf32, #tpu.memory_space<vmem>>) target(%dma_start3A_283 : memref<10240x128xf32, #tpu.memory_space<vmem_shared>>) offsets(%dma_start3A_280 : memref<32xi32, #tpu.memory_space<vmem>>) semaphore(%arg25 : memref<!tpu.dma_semaphore, #tpu.memory_space<semaphore_mem>>) {add = true}
        %add3A_284 = arith.constant 2 : i32
        %add3A_285 = arith.addi %mul3A_197, %add3A_284 : i32
        %dma_wait3A_286 = arith.constant 0 : i32
        %dma_wait3A_287 = tpu.memref_slice %arg11[%add3A_285, %dma_wait3A_286] : memref<160x32xi32, #tpu.memory_space<vmem>> -> memref<1x32xi32, #tpu.memory_space<vmem>>
        %dma_wait3A_288 = tpu.memref_squeeze %dma_wait3A_287 : memref<1x32xi32, #tpu.memory_space<vmem>> -> memref<32xi32, #tpu.memory_space<vmem>>
        %dma_wait3A_289 = arith.constant 0 : i32
        %dma_wait3A_290 = arith.constant 0 : i32
        %dma_wait3A_291 = tpu.memref_slice %arg18[%dma_wait3A_289, %dma_wait3A_290] : memref<10240x128xf32, #tpu.memory_space<vmem_shared>> -> memref<10240x128xf32, #tpu.memory_space<vmem_shared>>
        tpu.wait_indirect_dma semaphore(%arg25 : memref<!tpu.dma_semaphore, #tpu.memory_space<semaphore_mem>>) src(%arg14 : memref<32x128xf32, #tpu.memory_space<vmem>>) dst(%dma_wait3A_291 : memref<10240x128xf32, #tpu.memory_space<vmem_shared>>)
        %lt3A_292 = arith.constant 39 : i32
        %lt3A_293 = arith.cmpi slt, %scan3A_195, %lt3A_292 : i32
        %convert_element_type3A_294 = arith.extui %lt3A_293 : i1 to i32
        %cond3A_295 = arith.constant 0 : i32
        %cond3A_296 = arith.cmpi ne, %convert_element_type3A_294, %cond3A_295 : i32
        scf.if %cond3A_296 {
          %add3A_342 = arith.constant 2 : i32
          %add3A_343 = arith.addi %mul3A_197, %add3A_342 : i32
          %add3A_344 = arith.constant 4 : i32
          %add3A_345 = arith.addi %add3A_343, %add3A_344 : i32
          %dma_start3A_346 = arith.constant 0 : i32
          %dma_start3A_347 = tpu.memref_slice %arg10[%add3A_345, %dma_start3A_346] : memref<160x32xi32, #tpu.memory_space<vmem>> -> memref<1x32xi32, #tpu.memory_space<vmem>>
          %dma_start3A_348 = tpu.memref_squeeze %dma_start3A_347 : memref<1x32xi32, #tpu.memory_space<vmem>> -> memref<32xi32, #tpu.memory_space<vmem>>
          %dma_start3A_349 = arith.constant 0 : i32
          %dma_start3A_350 = arith.constant 0 : i32
          %dma_start3A_351 = tpu.memref_slice %arg5[%dma_start3A_349, %dma_start3A_350] : memref<10240x128xf32, #tpu.memory_space<hbm>> -> memref<10240x128xf32, #tpu.memory_space<hbm>>
          tpu.enqueue_indirect_dma source(%dma_start3A_351 : memref<10240x128xf32, #tpu.memory_space<hbm>>) target(%arg14 : memref<32x128xf32, #tpu.memory_space<vmem>>) offsets(%dma_start3A_348 : memref<32xi32, #tpu.memory_space<vmem>>) semaphore(%arg21 : memref<!tpu.dma_semaphore, #tpu.memory_space<semaphore_mem>>)
        } else {
        }
        %add3A_297 = arith.constant 3 : i32
        %add3A_298 = arith.addi %mul3A_197, %add3A_297 : i32
        %dma_wait3A_299 = arith.constant 0 : i32
        %dma_wait3A_300 = tpu.memref_slice %arg10[%add3A_298, %dma_wait3A_299] : memref<160x32xi32, #tpu.memory_space<vmem>> -> memref<1x32xi32, #tpu.memory_space<vmem>>
        %dma_wait3A_301 = tpu.memref_squeeze %dma_wait3A_300 : memref<1x32xi32, #tpu.memory_space<vmem>> -> memref<32xi32, #tpu.memory_space<vmem>>
        %dma_wait3A_302 = arith.constant 0 : i32
        %dma_wait3A_303 = arith.constant 0 : i32
        %dma_wait3A_304 = tpu.memref_slice %arg5[%dma_wait3A_302, %dma_wait3A_303] : memref<10240x128xf32, #tpu.memory_space<hbm>> -> memref<10240x128xf32, #tpu.memory_space<hbm>>
        tpu.wait_indirect_dma semaphore(%arg22 : memref<!tpu.dma_semaphore, #tpu.memory_space<semaphore_mem>>) src(%dma_wait3A_304 : memref<10240x128xf32, #tpu.memory_space<hbm>>) dst(%arg15 : memref<32x128xf32, #tpu.memory_space<vmem>>)
        %add3A_305 = arith.constant 3 : i32
        %add3A_306 = arith.addi %mul3A_197, %add3A_305 : i32
        %dma_start3A_307 = arith.constant 0 : i32
        %dma_start3A_308 = tpu.memref_slice %arg11[%add3A_306, %dma_start3A_307] : memref<160x32xi32, #tpu.memory_space<vmem>> -> memref<1x32xi32, #tpu.memory_space<vmem>>
        %dma_start3A_309 = tpu.memref_squeeze %dma_start3A_308 : memref<1x32xi32, #tpu.memory_space<vmem>> -> memref<32xi32, #tpu.memory_space<vmem>>
        %dma_start3A_310 = arith.constant 0 : i32
        %dma_start3A_311 = arith.constant 0 : i32
        %dma_start3A_312 = tpu.memref_slice %arg18[%dma_start3A_310, %dma_start3A_311] : memref<10240x128xf32, #tpu.memory_space<vmem_shared>> -> memref<10240x128xf32, #tpu.memory_space<vmem_shared>>
        tpu.enqueue_indirect_dma source(%arg15 : memref<32x128xf32, #tpu.memory_space<vmem>>) target(%dma_start3A_312 : memref<10240x128xf32, #tpu.memory_space<vmem_shared>>) offsets(%dma_start3A_309 : memref<32xi32, #tpu.memory_space<vmem>>) semaphore(%arg26 : memref<!tpu.dma_semaphore, #tpu.memory_space<semaphore_mem>>) {add = true}
        %add3A_313 = arith.constant 3 : i32
        %add3A_314 = arith.addi %mul3A_197, %add3A_313 : i32
        %get3A_315 = arith.index_cast %add3A_314 : i32 to index
        %get3A_316 = arith.constant 0 : index
        %get3A_317 = tpu.vector_load %arg11[%get3A_315, %get3A_316] {strides = array<i32>} : memref<160x32xi32, #tpu.memory_space<vmem>>, vector<16xi32>,
        %get3A_318 = arith.index_cast %add3A_314 : i32 to index
        %get3A_319 = arith.constant 0 : index
        %get3A_320 = tpu.vector_load %arg10[%get3A_318, %get3A_319] {strides = array<i32>} : memref<160x32xi32, #tpu.memory_space<vmem>>, vector<16xi32>,
        %gather3A_321 = tpu.vector_load_idx %arg16[%get3A_317] : memref<10240xf32, #tpu.memory_space<vmem>>[vector<16xi32>], vector<16xf32>,
        tpu.vector_store_idx %arg17[%get3A_320], %gather3A_321 {add = true} : memref<10240xf32, #tpu.memory_space<vmem>>[vector<16xi32>], vector<16xf32>,
        %get3A_322 = arith.index_cast %add3A_314 : i32 to index
        %get3A_323 = arith.constant 16 : index
        %get3A_324 = tpu.vector_load %arg11[%get3A_322, %get3A_323] {strides = array<i32>} : memref<160x32xi32, #tpu.memory_space<vmem>>, vector<16xi32>,
        %get3A_325 = arith.index_cast %add3A_314 : i32 to index
        %get3A_326 = arith.constant 16 : index
        %get3A_327 = tpu.vector_load %arg10[%get3A_325, %get3A_326] {strides = array<i32>} : memref<160x32xi32, #tpu.memory_space<vmem>>, vector<16xi32>,
        %gather3A_328 = tpu.vector_load_idx %arg16[%get3A_324] : memref<10240xf32, #tpu.memory_space<vmem>>[vector<16xi32>], vector<16xf32>,
        tpu.vector_store_idx %arg17[%get3A_327], %gather3A_328 {add = true} : memref<10240xf32, #tpu.memory_space<vmem>>[vector<16xi32>], vector<16xf32>,
        %add3A_329 = arith.constant 3 : i32
        %add3A_330 = arith.addi %mul3A_197, %add3A_329 : i32
        %dma_wait3A_331 = arith.constant 0 : i32
        %dma_wait3A_332 = tpu.memref_slice %arg11[%add3A_330, %dma_wait3A_331] : memref<160x32xi32, #tpu.memory_space<vmem>> -> memref<1x32xi32, #tpu.memory_space<vmem>>
        %dma_wait3A_333 = tpu.memref_squeeze %dma_wait3A_332 : memref<1x32xi32, #tpu.memory_space<vmem>> -> memref<32xi32, #tpu.memory_space<vmem>>
        %dma_wait3A_334 = arith.constant 0 : i32
        %dma_wait3A_335 = arith.constant 0 : i32
        %dma_wait3A_336 = tpu.memref_slice %arg18[%dma_wait3A_334, %dma_wait3A_335] : memref<10240x128xf32, #tpu.memory_space<vmem_shared>> -> memref<10240x128xf32, #tpu.memory_space<vmem_shared>>
        tpu.wait_indirect_dma semaphore(%arg26 : memref<!tpu.dma_semaphore, #tpu.memory_space<semaphore_mem>>) src(%arg15 : memref<32x128xf32, #tpu.memory_space<vmem>>) dst(%dma_wait3A_336 : memref<10240x128xf32, #tpu.memory_space<vmem_shared>>)
        %lt3A_337 = arith.constant 39 : i32
        %lt3A_338 = arith.cmpi slt, %scan3A_195, %lt3A_337 : i32
        %convert_element_type3A_339 = arith.extui %lt3A_338 : i1 to i32
        %cond3A_340 = arith.constant 0 : i32
        %cond3A_341 = arith.cmpi ne, %convert_element_type3A_339, %cond3A_340 : i32
        scf.if %cond3A_341 {
          %add3A_342 = arith.constant 3 : i32
          %add3A_343 = arith.addi %mul3A_197, %add3A_342 : i32
          %add3A_344 = arith.constant 4 : i32
          %add3A_345 = arith.addi %add3A_343, %add3A_344 : i32
          %dma_start3A_346 = arith.constant 0 : i32
          %dma_start3A_347 = tpu.memref_slice %arg10[%add3A_345, %dma_start3A_346] : memref<160x32xi32, #tpu.memory_space<vmem>> -> memref<1x32xi32, #tpu.memory_space<vmem>>
          %dma_start3A_348 = tpu.memref_squeeze %dma_start3A_347 : memref<1x32xi32, #tpu.memory_space<vmem>> -> memref<32xi32, #tpu.memory_space<vmem>>
          %dma_start3A_349 = arith.constant 0 : i32
          %dma_start3A_350 = arith.constant 0 : i32
          %dma_start3A_351 = tpu.memref_slice %arg5[%dma_start3A_349, %dma_start3A_350] : memref<10240x128xf32, #tpu.memory_space<hbm>> -> memref<10240x128xf32, #tpu.memory_space<hbm>>
          tpu.enqueue_indirect_dma source(%dma_start3A_351 : memref<10240x128xf32, #tpu.memory_space<hbm>>) target(%arg15 : memref<32x128xf32, #tpu.memory_space<vmem>>) offsets(%dma_start3A_348 : memref<32xi32, #tpu.memory_space<vmem>>) semaphore(%arg22 : memref<!tpu.dma_semaphore, #tpu.memory_space<semaphore_mem>>)
        } else {
        }
      }
      %scan3A_152 = arith.constant 40 : i32
      %mul3A_153 = arith.constant 320 : i32
      %mul3A_154 = arith.muli %arg1, %mul3A_153 : i32
      %add3A_155 = arith.constant 160 : i32
      %add3A_156 = arith.addi %mul3A_154, %add3A_155 : i32
      "tpu.region"() ({
        %run_scoped3A = tpu.sem_alloc : memref<!tpu.dma_semaphore, #tpu.memory_space<semaphore_mem>>
        %dma_start3A_195 = arith.constant 0 : i32
        %dma_start3A_196 = tpu.memref_slice %arg2[%add3A_156, %dma_start3A_195] : memref<5120x32xi32, #tpu.memory_space<hbm>> -> memref<160x32xi32, #tpu.memory_space<hbm>>
        %dma_start3A_197 = arith.constant 0 : i32
        %dma_start3A_198 = tpu.memref_slice %arg2[%add3A_156, %dma_start3A_197] : memref<5120x32xi32, #tpu.memory_space<hbm>> -> memref<160x32xi32, #tpu.memory_space<hbm>>
        tpu.enqueue_dma source(%dma_start3A_198 : memref<160x32xi32, #tpu.memory_space<hbm>>) target(%arg10 : memref<160x32xi32, #tpu.memory_space<vmem>>) target_semaphore(%run_scoped3A : memref<!tpu.dma_semaphore, #tpu.memory_space<semaphore_mem>>)
        %dma_wait3A = arith.constant 0 : i32
        %dma_wait3A_199 = tpu.memref_slice %arg2[%add3A_156, %dma_wait3A] : memref<5120x32xi32, #tpu.memory_space<hbm>> -> memref<160x32xi32, #tpu.memory_space<hbm>>
        %dma_wait3A_200 = arith.constant 0 : i32
        %dma_wait3A_201 = tpu.memref_slice %arg2[%add3A_156, %dma_wait3A_200] : memref<5120x32xi32, #tpu.memory_space<hbm>> -> memref<160x32xi32, #tpu.memory_space<hbm>>
        tpu.wait_dma2 semaphore(%run_scoped3A : memref<!tpu.dma_semaphore, #tpu.memory_space<semaphore_mem>>) src(%dma_wait3A_201 : memref<160x32xi32, #tpu.memory_space<hbm>>) dst(%arg10 : memref<160x32xi32, #tpu.memory_space<vmem>>)
        tpu.yield
      }) : () -> ()
      %mul3A_157 = arith.constant 320 : i32
      %mul3A_158 = arith.muli %arg1, %mul3A_157 : i32
      %add3A_159 = arith.constant 160 : i32
      %add3A_160 = arith.addi %mul3A_158, %add3A_159 : i32
      "tpu.region"() ({
        %run_scoped3A = tpu.sem_alloc : memref<!tpu.dma_semaphore, #tpu.memory_space<semaphore_mem>>
        %dma_start3A_195 = arith.constant 0 : i32
        %dma_start3A_196 = tpu.memref_slice %arg3[%add3A_160, %dma_start3A_195] : memref<5120x32xi32, #tpu.memory_space<hbm>> -> memref<160x32xi32, #tpu.memory_space<hbm>>
        %dma_start3A_197 = arith.constant 0 : i32
        %dma_start3A_198 = tpu.memref_slice %arg3[%add3A_160, %dma_start3A_197] : memref<5120x32xi32, #tpu.memory_space<hbm>> -> memref<160x32xi32, #tpu.memory_space<hbm>>
        tpu.enqueue_dma source(%dma_start3A_198 : memref<160x32xi32, #tpu.memory_space<hbm>>) target(%arg11 : memref<160x32xi32, #tpu.memory_space<vmem>>) target_semaphore(%run_scoped3A : memref<!tpu.dma_semaphore, #tpu.memory_space<semaphore_mem>>)
        %dma_wait3A = arith.constant 0 : i32
        %dma_wait3A_199 = tpu.memref_slice %arg3[%add3A_160, %dma_wait3A] : memref<5120x32xi32, #tpu.memory_space<hbm>> -> memref<160x32xi32, #tpu.memory_space<hbm>>
        %dma_wait3A_200 = arith.constant 0 : i32
        %dma_wait3A_201 = tpu.memref_slice %arg3[%add3A_160, %dma_wait3A_200] : memref<5120x32xi32, #tpu.memory_space<hbm>> -> memref<160x32xi32, #tpu.memory_space<hbm>>
        tpu.wait_dma2 semaphore(%run_scoped3A : memref<!tpu.dma_semaphore, #tpu.memory_space<semaphore_mem>>) src(%dma_wait3A_201 : memref<160x32xi32, #tpu.memory_space<hbm>>) dst(%arg11 : memref<160x32xi32, #tpu.memory_space<vmem>>)
        tpu.yield
      }) : () -> ()
      %dma_start3A_161 = arith.constant 0 : i32
      %dma_start3A_162 = arith.constant 0 : i32
      %dma_start3A_163 = tpu.memref_slice %arg10[%dma_start3A_161, %dma_start3A_162] : memref<160x32xi32, #tpu.memory_space<vmem>> -> memref<1x32xi32, #tpu.memory_space<vmem>>
      %dma_start3A_164 = tpu.memref_squeeze %dma_start3A_163 : memref<1x32xi32, #tpu.memory_space<vmem>> -> memref<32xi32, #tpu.memory_space<vmem>>
      %dma_start3A_165 = arith.constant 0 : i32
      %dma_start3A_166 = arith.constant 0 : i32
      %dma_start3A_167 = tpu.memref_slice %arg5[%dma_start3A_165, %dma_start3A_166] : memref<10240x128xf32, #tpu.memory_space<hbm>> -> memref<10240x128xf32, #tpu.memory_space<hbm>>
      tpu.enqueue_indirect_dma source(%dma_start3A_167 : memref<10240x128xf32, #tpu.memory_space<hbm>>) target(%arg12 : memref<32x128xf32, #tpu.memory_space<vmem>>) offsets(%dma_start3A_164 : memref<32xi32, #tpu.memory_space<vmem>>) semaphore(%arg19 : memref<!tpu.dma_semaphore, #tpu.memory_space<semaphore_mem>>)
      %dma_start3A_168 = arith.constant 1 : i32
      %dma_start3A_169 = arith.constant 0 : i32
      %dma_start3A_170 = tpu.memref_slice %arg10[%dma_start3A_168, %dma_start3A_169] : memref<160x32xi32, #tpu.memory_space<vmem>> -> memref<1x32xi32, #tpu.memory_space<vmem>>
      %dma_start3A_171 = tpu.memref_squeeze %dma_start3A_170 : memref<1x32xi32, #tpu.memory_space<vmem>> -> memref<32xi32, #tpu.memory_space<vmem>>
      %dma_start3A_172 = arith.constant 0 : i32
      %dma_start3A_173 = arith.constant 0 : i32
      %dma_start3A_174 = tpu.memref_slice %arg5[%dma_start3A_172, %dma_start3A_173] : memref<10240x128xf32, #tpu.memory_space<hbm>> -> memref<10240x128xf32, #tpu.memory_space<hbm>>
      tpu.enqueue_indirect_dma source(%dma_start3A_174 : memref<10240x128xf32, #tpu.memory_space<hbm>>) target(%arg13 : memref<32x128xf32, #tpu.memory_space<vmem>>) offsets(%dma_start3A_171 : memref<32xi32, #tpu.memory_space<vmem>>) semaphore(%arg20 : memref<!tpu.dma_semaphore, #tpu.memory_space<semaphore_mem>>)
      %dma_start3A_175 = arith.constant 2 : i32
      %dma_start3A_176 = arith.constant 0 : i32
      %dma_start3A_177 = tpu.memref_slice %arg10[%dma_start3A_175, %dma_start3A_176] : memref<160x32xi32, #tpu.memory_space<vmem>> -> memref<1x32xi32, #tpu.memory_space<vmem>>
      %dma_start3A_178 = tpu.memref_squeeze %dma_start3A_177 : memref<1x32xi32, #tpu.memory_space<vmem>> -> memref<32xi32, #tpu.memory_space<vmem>>
      %dma_start3A_179 = arith.constant 0 : i32
      %dma_start3A_180 = arith.constant 0 : i32
      %dma_start3A_181 = tpu.memref_slice %arg5[%dma_start3A_179, %dma_start3A_180] : memref<10240x128xf32, #tpu.memory_space<hbm>> -> memref<10240x128xf32, #tpu.memory_space<hbm>>
      tpu.enqueue_indirect_dma source(%dma_start3A_181 : memref<10240x128xf32, #tpu.memory_space<hbm>>) target(%arg14 : memref<32x128xf32, #tpu.memory_space<vmem>>) offsets(%dma_start3A_178 : memref<32xi32, #tpu.memory_space<vmem>>) semaphore(%arg21 : memref<!tpu.dma_semaphore, #tpu.memory_space<semaphore_mem>>)
      %dma_start3A_182 = arith.constant 3 : i32
      %dma_start3A_183 = arith.constant 0 : i32
      %dma_start3A_184 = tpu.memref_slice %arg10[%dma_start3A_182, %dma_start3A_183] : memref<160x32xi32, #tpu.memory_space<vmem>> -> memref<1x32xi32, #tpu.memory_space<vmem>>
      %dma_start3A_185 = tpu.memref_squeeze %dma_start3A_184 : memref<1x32xi32, #tpu.memory_space<vmem>> -> memref<32xi32, #tpu.memory_space<vmem>>
      %dma_start3A_186 = arith.constant 0 : i32
      %dma_start3A_187 = arith.constant 0 : i32
      %dma_start3A_188 = tpu.memref_slice %arg5[%dma_start3A_186, %dma_start3A_187] : memref<10240x128xf32, #tpu.memory_space<hbm>> -> memref<10240x128xf32, #tpu.memory_space<hbm>>
      tpu.enqueue_indirect_dma source(%dma_start3A_188 : memref<10240x128xf32, #tpu.memory_space<hbm>>) target(%arg15 : memref<32x128xf32, #tpu.memory_space<vmem>>) offsets(%dma_start3A_185 : memref<32xi32, #tpu.memory_space<vmem>>) semaphore(%arg22 : memref<!tpu.dma_semaphore, #tpu.memory_space<semaphore_mem>>)
      %scan3A_189 = arith.constant 0 : i32
      %scan3A_190 = arith.constant 0 : i32
      %scan3A_191 = arith.constant 40 : i32
      %scan3A_192 = arith.addi %scan3A_190, %scan3A_191 : i32
      %scan3A_193 = arith.constant 1 : i32
      scf.for %scan3A_195 = %scan3A_190 to %scan3A_192 step %scan3A_193  : i32 {
        %mul3A_196 = arith.constant 4 : i32
        %mul3A_197 = arith.muli %mul3A_196, %scan3A_195 : i32
        %add3A_198 = arith.constant 0 : i32
        %add3A_199 = arith.addi %mul3A_197, %add3A_198 : i32
        %dma_wait3A = arith.constant 0 : i32
        %dma_wait3A_200 = tpu.memref_slice %arg10[%add3A_199, %dma_wait3A] : memref<160x32xi32, #tpu.memory_space<vmem>> -> memref<1x32xi32, #tpu.memory_space<vmem>>
        %dma_wait3A_201 = tpu.memref_squeeze %dma_wait3A_200 : memref<1x32xi32, #tpu.memory_space<vmem>> -> memref<32xi32, #tpu.memory_space<vmem>>
        %dma_wait3A_202 = arith.constant 0 : i32
        %dma_wait3A_203 = arith.constant 0 : i32
        %dma_wait3A_204 = tpu.memref_slice %arg5[%dma_wait3A_202, %dma_wait3A_203] : memref<10240x128xf32, #tpu.memory_space<hbm>> -> memref<10240x128xf32, #tpu.memory_space<hbm>>
        tpu.wait_indirect_dma semaphore(%arg19 : memref<!tpu.dma_semaphore, #tpu.memory_space<semaphore_mem>>) src(%dma_wait3A_204 : memref<10240x128xf32, #tpu.memory_space<hbm>>) dst(%arg12 : memref<32x128xf32, #tpu.memory_space<vmem>>)
        %add3A_205 = arith.constant 0 : i32
        %add3A_206 = arith.addi %mul3A_197, %add3A_205 : i32
        %dma_start3A_207 = arith.constant 0 : i32
        %dma_start3A_208 = tpu.memref_slice %arg11[%add3A_206, %dma_start3A_207] : memref<160x32xi32, #tpu.memory_space<vmem>> -> memref<1x32xi32, #tpu.memory_space<vmem>>
        %dma_start3A_209 = tpu.memref_squeeze %dma_start3A_208 : memref<1x32xi32, #tpu.memory_space<vmem>> -> memref<32xi32, #tpu.memory_space<vmem>>
        %dma_start3A_210 = arith.constant 0 : i32
        %dma_start3A_211 = arith.constant 0 : i32
        %dma_start3A_212 = tpu.memref_slice %arg18[%dma_start3A_210, %dma_start3A_211] : memref<10240x128xf32, #tpu.memory_space<vmem_shared>> -> memref<10240x128xf32, #tpu.memory_space<vmem_shared>>
        tpu.enqueue_indirect_dma source(%arg12 : memref<32x128xf32, #tpu.memory_space<vmem>>) target(%dma_start3A_212 : memref<10240x128xf32, #tpu.memory_space<vmem_shared>>) offsets(%dma_start3A_209 : memref<32xi32, #tpu.memory_space<vmem>>) semaphore(%arg23 : memref<!tpu.dma_semaphore, #tpu.memory_space<semaphore_mem>>) {add = true}
        %add3A_213 = arith.constant 0 : i32
        %add3A_214 = arith.addi %mul3A_197, %add3A_213 : i32
        %dma_wait3A_215 = arith.constant 0 : i32
        %dma_wait3A_216 = tpu.memref_slice %arg11[%add3A_214, %dma_wait3A_215] : memref<160x32xi32, #tpu.memory_space<vmem>> -> memref<1x32xi32, #tpu.memory_space<vmem>>
        %dma_wait3A_217 = tpu.memref_squeeze %dma_wait3A_216 : memref<1x32xi32, #tpu.memory_space<vmem>> -> memref<32xi32, #tpu.memory_space<vmem>>
        %dma_wait3A_218 = arith.constant 0 : i32
        %dma_wait3A_219 = arith.constant 0 : i32
        %dma_wait3A_220 = tpu.memref_slice %arg18[%dma_wait3A_218, %dma_wait3A_219] : memref<10240x128xf32, #tpu.memory_space<vmem_shared>> -> memref<10240x128xf32, #tpu.memory_space<vmem_shared>>
        tpu.wait_indirect_dma semaphore(%arg23 : memref<!tpu.dma_semaphore, #tpu.memory_space<semaphore_mem>>) src(%arg12 : memref<32x128xf32, #tpu.memory_space<vmem>>) dst(%dma_wait3A_220 : memref<10240x128xf32, #tpu.memory_space<vmem_shared>>)
        %lt3A = arith.constant 39 : i32
        %lt3A_221 = arith.cmpi slt, %scan3A_195, %lt3A : i32
        %convert_element_type3A_222 = arith.extui %lt3A_221 : i1 to i32
        %cond3A_223 = arith.constant 0 : i32
        %cond3A_224 = arith.cmpi ne, %convert_element_type3A_222, %cond3A_223 : i32
        scf.if %cond3A_224 {
          %add3A_342 = arith.constant 0 : i32
          %add3A_343 = arith.addi %mul3A_197, %add3A_342 : i32
          %add3A_344 = arith.constant 4 : i32
          %add3A_345 = arith.addi %add3A_343, %add3A_344 : i32
          %dma_start3A_346 = arith.constant 0 : i32
          %dma_start3A_347 = tpu.memref_slice %arg10[%add3A_345, %dma_start3A_346] : memref<160x32xi32, #tpu.memory_space<vmem>> -> memref<1x32xi32, #tpu.memory_space<vmem>>
          %dma_start3A_348 = tpu.memref_squeeze %dma_start3A_347 : memref<1x32xi32, #tpu.memory_space<vmem>> -> memref<32xi32, #tpu.memory_space<vmem>>
          %dma_start3A_349 = arith.constant 0 : i32
          %dma_start3A_350 = arith.constant 0 : i32
          %dma_start3A_351 = tpu.memref_slice %arg5[%dma_start3A_349, %dma_start3A_350] : memref<10240x128xf32, #tpu.memory_space<hbm>> -> memref<10240x128xf32, #tpu.memory_space<hbm>>
          tpu.enqueue_indirect_dma source(%dma_start3A_351 : memref<10240x128xf32, #tpu.memory_space<hbm>>) target(%arg12 : memref<32x128xf32, #tpu.memory_space<vmem>>) offsets(%dma_start3A_348 : memref<32xi32, #tpu.memory_space<vmem>>) semaphore(%arg19 : memref<!tpu.dma_semaphore, #tpu.memory_space<semaphore_mem>>)
        } else {
        }
        %add3A_225 = arith.constant 1 : i32
        %add3A_226 = arith.addi %mul3A_197, %add3A_225 : i32
        %dma_wait3A_227 = arith.constant 0 : i32
        %dma_wait3A_228 = tpu.memref_slice %arg10[%add3A_226, %dma_wait3A_227] : memref<160x32xi32, #tpu.memory_space<vmem>> -> memref<1x32xi32, #tpu.memory_space<vmem>>
        %dma_wait3A_229 = tpu.memref_squeeze %dma_wait3A_228 : memref<1x32xi32, #tpu.memory_space<vmem>> -> memref<32xi32, #tpu.memory_space<vmem>>
        %dma_wait3A_230 = arith.constant 0 : i32
        %dma_wait3A_231 = arith.constant 0 : i32
        %dma_wait3A_232 = tpu.memref_slice %arg5[%dma_wait3A_230, %dma_wait3A_231] : memref<10240x128xf32, #tpu.memory_space<hbm>> -> memref<10240x128xf32, #tpu.memory_space<hbm>>
        tpu.wait_indirect_dma semaphore(%arg20 : memref<!tpu.dma_semaphore, #tpu.memory_space<semaphore_mem>>) src(%dma_wait3A_232 : memref<10240x128xf32, #tpu.memory_space<hbm>>) dst(%arg13 : memref<32x128xf32, #tpu.memory_space<vmem>>)
        %add3A_233 = arith.constant 1 : i32
        %add3A_234 = arith.addi %mul3A_197, %add3A_233 : i32
        %dma_start3A_235 = arith.constant 0 : i32
        %dma_start3A_236 = tpu.memref_slice %arg11[%add3A_234, %dma_start3A_235] : memref<160x32xi32, #tpu.memory_space<vmem>> -> memref<1x32xi32, #tpu.memory_space<vmem>>
        %dma_start3A_237 = tpu.memref_squeeze %dma_start3A_236 : memref<1x32xi32, #tpu.memory_space<vmem>> -> memref<32xi32, #tpu.memory_space<vmem>>
        %dma_start3A_238 = arith.constant 0 : i32
        %dma_start3A_239 = arith.constant 0 : i32
        %dma_start3A_240 = tpu.memref_slice %arg18[%dma_start3A_238, %dma_start3A_239] : memref<10240x128xf32, #tpu.memory_space<vmem_shared>> -> memref<10240x128xf32, #tpu.memory_space<vmem_shared>>
        tpu.enqueue_indirect_dma source(%arg13 : memref<32x128xf32, #tpu.memory_space<vmem>>) target(%dma_start3A_240 : memref<10240x128xf32, #tpu.memory_space<vmem_shared>>) offsets(%dma_start3A_237 : memref<32xi32, #tpu.memory_space<vmem>>) semaphore(%arg24 : memref<!tpu.dma_semaphore, #tpu.memory_space<semaphore_mem>>) {add = true}
        %add3A_241 = arith.constant 1 : i32
        %add3A_242 = arith.addi %mul3A_197, %add3A_241 : i32
        %get3A = arith.index_cast %add3A_242 : i32 to index
        %get3A_243 = arith.constant 0 : index
        %get3A_244 = tpu.vector_load %arg11[%get3A, %get3A_243] {strides = array<i32>} : memref<160x32xi32, #tpu.memory_space<vmem>>, vector<16xi32>,
        %get3A_245 = arith.index_cast %add3A_242 : i32 to index
        %get3A_246 = arith.constant 0 : index
        %get3A_247 = tpu.vector_load %arg10[%get3A_245, %get3A_246] {strides = array<i32>} : memref<160x32xi32, #tpu.memory_space<vmem>>, vector<16xi32>,
        %gather3A = tpu.vector_load_idx %arg16[%get3A_244] : memref<10240xf32, #tpu.memory_space<vmem>>[vector<16xi32>], vector<16xf32>,
        tpu.vector_store_idx %arg17[%get3A_247], %gather3A {add = true} : memref<10240xf32, #tpu.memory_space<vmem>>[vector<16xi32>], vector<16xf32>,
        %get3A_248 = arith.index_cast %add3A_242 : i32 to index
        %get3A_249 = arith.constant 16 : index
        %get3A_250 = tpu.vector_load %arg11[%get3A_248, %get3A_249] {strides = array<i32>} : memref<160x32xi32, #tpu.memory_space<vmem>>, vector<16xi32>,
        %get3A_251 = arith.index_cast %add3A_242 : i32 to index
        %get3A_252 = arith.constant 16 : index
        %get3A_253 = tpu.vector_load %arg10[%get3A_251, %get3A_252] {strides = array<i32>} : memref<160x32xi32, #tpu.memory_space<vmem>>, vector<16xi32>,
        %gather3A_254 = tpu.vector_load_idx %arg16[%get3A_250] : memref<10240xf32, #tpu.memory_space<vmem>>[vector<16xi32>], vector<16xf32>,
        tpu.vector_store_idx %arg17[%get3A_253], %gather3A_254 {add = true} : memref<10240xf32, #tpu.memory_space<vmem>>[vector<16xi32>], vector<16xf32>,
        %add3A_255 = arith.constant 1 : i32
        %add3A_256 = arith.addi %mul3A_197, %add3A_255 : i32
        %dma_wait3A_257 = arith.constant 0 : i32
        %dma_wait3A_258 = tpu.memref_slice %arg11[%add3A_256, %dma_wait3A_257] : memref<160x32xi32, #tpu.memory_space<vmem>> -> memref<1x32xi32, #tpu.memory_space<vmem>>
        %dma_wait3A_259 = tpu.memref_squeeze %dma_wait3A_258 : memref<1x32xi32, #tpu.memory_space<vmem>> -> memref<32xi32, #tpu.memory_space<vmem>>
        %dma_wait3A_260 = arith.constant 0 : i32
        %dma_wait3A_261 = arith.constant 0 : i32
        %dma_wait3A_262 = tpu.memref_slice %arg18[%dma_wait3A_260, %dma_wait3A_261] : memref<10240x128xf32, #tpu.memory_space<vmem_shared>> -> memref<10240x128xf32, #tpu.memory_space<vmem_shared>>
        tpu.wait_indirect_dma semaphore(%arg24 : memref<!tpu.dma_semaphore, #tpu.memory_space<semaphore_mem>>) src(%arg13 : memref<32x128xf32, #tpu.memory_space<vmem>>) dst(%dma_wait3A_262 : memref<10240x128xf32, #tpu.memory_space<vmem_shared>>)
        %lt3A_263 = arith.constant 39 : i32
        %lt3A_264 = arith.cmpi slt, %scan3A_195, %lt3A_263 : i32
        %convert_element_type3A_265 = arith.extui %lt3A_264 : i1 to i32
        %cond3A_266 = arith.constant 0 : i32
        %cond3A_267 = arith.cmpi ne, %convert_element_type3A_265, %cond3A_266 : i32
        scf.if %cond3A_267 {
          %add3A_342 = arith.constant 1 : i32
          %add3A_343 = arith.addi %mul3A_197, %add3A_342 : i32
          %add3A_344 = arith.constant 4 : i32
          %add3A_345 = arith.addi %add3A_343, %add3A_344 : i32
          %dma_start3A_346 = arith.constant 0 : i32
          %dma_start3A_347 = tpu.memref_slice %arg10[%add3A_345, %dma_start3A_346] : memref<160x32xi32, #tpu.memory_space<vmem>> -> memref<1x32xi32, #tpu.memory_space<vmem>>
          %dma_start3A_348 = tpu.memref_squeeze %dma_start3A_347 : memref<1x32xi32, #tpu.memory_space<vmem>> -> memref<32xi32, #tpu.memory_space<vmem>>
          %dma_start3A_349 = arith.constant 0 : i32
          %dma_start3A_350 = arith.constant 0 : i32
          %dma_start3A_351 = tpu.memref_slice %arg5[%dma_start3A_349, %dma_start3A_350] : memref<10240x128xf32, #tpu.memory_space<hbm>> -> memref<10240x128xf32, #tpu.memory_space<hbm>>
          tpu.enqueue_indirect_dma source(%dma_start3A_351 : memref<10240x128xf32, #tpu.memory_space<hbm>>) target(%arg13 : memref<32x128xf32, #tpu.memory_space<vmem>>) offsets(%dma_start3A_348 : memref<32xi32, #tpu.memory_space<vmem>>) semaphore(%arg20 : memref<!tpu.dma_semaphore, #tpu.memory_space<semaphore_mem>>)
        } else {
        }
        %add3A_268 = arith.constant 2 : i32
        %add3A_269 = arith.addi %mul3A_197, %add3A_268 : i32
        %dma_wait3A_270 = arith.constant 0 : i32
        %dma_wait3A_271 = tpu.memref_slice %arg10[%add3A_269, %dma_wait3A_270] : memref<160x32xi32, #tpu.memory_space<vmem>> -> memref<1x32xi32, #tpu.memory_space<vmem>>
        %dma_wait3A_272 = tpu.memref_squeeze %dma_wait3A_271 : memref<1x32xi32, #tpu.memory_space<vmem>> -> memref<32xi32, #tpu.memory_space<vmem>>
        %dma_wait3A_273 = arith.constant 0 : i32
        %dma_wait3A_274 = arith.constant 0 : i32
        %dma_wait3A_275 = tpu.memref_slice %arg5[%dma_wait3A_273, %dma_wait3A_274] : memref<10240x128xf32, #tpu.memory_space<hbm>> -> memref<10240x128xf32, #tpu.memory_space<hbm>>
        tpu.wait_indirect_dma semaphore(%arg21 : memref<!tpu.dma_semaphore, #tpu.memory_space<semaphore_mem>>) src(%dma_wait3A_275 : memref<10240x128xf32, #tpu.memory_space<hbm>>) dst(%arg14 : memref<32x128xf32, #tpu.memory_space<vmem>>)
        %add3A_276 = arith.constant 2 : i32
        %add3A_277 = arith.addi %mul3A_197, %add3A_276 : i32
        %dma_start3A_278 = arith.constant 0 : i32
        %dma_start3A_279 = tpu.memref_slice %arg11[%add3A_277, %dma_start3A_278] : memref<160x32xi32, #tpu.memory_space<vmem>> -> memref<1x32xi32, #tpu.memory_space<vmem>>
        %dma_start3A_280 = tpu.memref_squeeze %dma_start3A_279 : memref<1x32xi32, #tpu.memory_space<vmem>> -> memref<32xi32, #tpu.memory_space<vmem>>
        %dma_start3A_281 = arith.constant 0 : i32
        %dma_start3A_282 = arith.constant 0 : i32
        %dma_start3A_283 = tpu.memref_slice %arg18[%dma_start3A_281, %dma_start3A_282] : memref<10240x128xf32, #tpu.memory_space<vmem_shared>> -> memref<10240x128xf32, #tpu.memory_space<vmem_shared>>
        tpu.enqueue_indirect_dma source(%arg14 : memref<32x128xf32, #tpu.memory_space<vmem>>) target(%dma_start3A_283 : memref<10240x128xf32, #tpu.memory_space<vmem_shared>>) offsets(%dma_start3A_280 : memref<32xi32, #tpu.memory_space<vmem>>) semaphore(%arg25 : memref<!tpu.dma_semaphore, #tpu.memory_space<semaphore_mem>>) {add = true}
        %add3A_284 = arith.constant 2 : i32
        %add3A_285 = arith.addi %mul3A_197, %add3A_284 : i32
        %dma_wait3A_286 = arith.constant 0 : i32
        %dma_wait3A_287 = tpu.memref_slice %arg11[%add3A_285, %dma_wait3A_286] : memref<160x32xi32, #tpu.memory_space<vmem>> -> memref<1x32xi32, #tpu.memory_space<vmem>>
        %dma_wait3A_288 = tpu.memref_squeeze %dma_wait3A_287 : memref<1x32xi32, #tpu.memory_space<vmem>> -> memref<32xi32, #tpu.memory_space<vmem>>
        %dma_wait3A_289 = arith.constant 0 : i32
        %dma_wait3A_290 = arith.constant 0 : i32
        %dma_wait3A_291 = tpu.memref_slice %arg18[%dma_wait3A_289, %dma_wait3A_290] : memref<10240x128xf32, #tpu.memory_space<vmem_shared>> -> memref<10240x128xf32, #tpu.memory_space<vmem_shared>>
        tpu.wait_indirect_dma semaphore(%arg25 : memref<!tpu.dma_semaphore, #tpu.memory_space<semaphore_mem>>) src(%arg14 : memref<32x128xf32, #tpu.memory_space<vmem>>) dst(%dma_wait3A_291 : memref<10240x128xf32, #tpu.memory_space<vmem_shared>>)
        %lt3A_292 = arith.constant 39 : i32
        %lt3A_293 = arith.cmpi slt, %scan3A_195, %lt3A_292 : i32
        %convert_element_type3A_294 = arith.extui %lt3A_293 : i1 to i32
        %cond3A_295 = arith.constant 0 : i32
        %cond3A_296 = arith.cmpi ne, %convert_element_type3A_294, %cond3A_295 : i32
        scf.if %cond3A_296 {
          %add3A_342 = arith.constant 2 : i32
          %add3A_343 = arith.addi %mul3A_197, %add3A_342 : i32
          %add3A_344 = arith.constant 4 : i32
          %add3A_345 = arith.addi %add3A_343, %add3A_344 : i32
          %dma_start3A_346 = arith.constant 0 : i32
          %dma_start3A_347 = tpu.memref_slice %arg10[%add3A_345, %dma_start3A_346] : memref<160x32xi32, #tpu.memory_space<vmem>> -> memref<1x32xi32, #tpu.memory_space<vmem>>
          %dma_start3A_348 = tpu.memref_squeeze %dma_start3A_347 : memref<1x32xi32, #tpu.memory_space<vmem>> -> memref<32xi32, #tpu.memory_space<vmem>>
          %dma_start3A_349 = arith.constant 0 : i32
          %dma_start3A_350 = arith.constant 0 : i32
          %dma_start3A_351 = tpu.memref_slice %arg5[%dma_start3A_349, %dma_start3A_350] : memref<10240x128xf32, #tpu.memory_space<hbm>> -> memref<10240x128xf32, #tpu.memory_space<hbm>>
          tpu.enqueue_indirect_dma source(%dma_start3A_351 : memref<10240x128xf32, #tpu.memory_space<hbm>>) target(%arg14 : memref<32x128xf32, #tpu.memory_space<vmem>>) offsets(%dma_start3A_348 : memref<32xi32, #tpu.memory_space<vmem>>) semaphore(%arg21 : memref<!tpu.dma_semaphore, #tpu.memory_space<semaphore_mem>>)
        } else {
        }
        %add3A_297 = arith.constant 3 : i32
        %add3A_298 = arith.addi %mul3A_197, %add3A_297 : i32
        %dma_wait3A_299 = arith.constant 0 : i32
        %dma_wait3A_300 = tpu.memref_slice %arg10[%add3A_298, %dma_wait3A_299] : memref<160x32xi32, #tpu.memory_space<vmem>> -> memref<1x32xi32, #tpu.memory_space<vmem>>
        %dma_wait3A_301 = tpu.memref_squeeze %dma_wait3A_300 : memref<1x32xi32, #tpu.memory_space<vmem>> -> memref<32xi32, #tpu.memory_space<vmem>>
        %dma_wait3A_302 = arith.constant 0 : i32
        %dma_wait3A_303 = arith.constant 0 : i32
        %dma_wait3A_304 = tpu.memref_slice %arg5[%dma_wait3A_302, %dma_wait3A_303] : memref<10240x128xf32, #tpu.memory_space<hbm>> -> memref<10240x128xf32, #tpu.memory_space<hbm>>
        tpu.wait_indirect_dma semaphore(%arg22 : memref<!tpu.dma_semaphore, #tpu.memory_space<semaphore_mem>>) src(%dma_wait3A_304 : memref<10240x128xf32, #tpu.memory_space<hbm>>) dst(%arg15 : memref<32x128xf32, #tpu.memory_space<vmem>>)
        %add3A_305 = arith.constant 3 : i32
        %add3A_306 = arith.addi %mul3A_197, %add3A_305 : i32
        %dma_start3A_307 = arith.constant 0 : i32
        %dma_start3A_308 = tpu.memref_slice %arg11[%add3A_306, %dma_start3A_307] : memref<160x32xi32, #tpu.memory_space<vmem>> -> memref<1x32xi32, #tpu.memory_space<vmem>>
        %dma_start3A_309 = tpu.memref_squeeze %dma_start3A_308 : memref<1x32xi32, #tpu.memory_space<vmem>> -> memref<32xi32, #tpu.memory_space<vmem>>
        %dma_start3A_310 = arith.constant 0 : i32
        %dma_start3A_311 = arith.constant 0 : i32
        %dma_start3A_312 = tpu.memref_slice %arg18[%dma_start3A_310, %dma_start3A_311] : memref<10240x128xf32, #tpu.memory_space<vmem_shared>> -> memref<10240x128xf32, #tpu.memory_space<vmem_shared>>
        tpu.enqueue_indirect_dma source(%arg15 : memref<32x128xf32, #tpu.memory_space<vmem>>) target(%dma_start3A_312 : memref<10240x128xf32, #tpu.memory_space<vmem_shared>>) offsets(%dma_start3A_309 : memref<32xi32, #tpu.memory_space<vmem>>) semaphore(%arg26 : memref<!tpu.dma_semaphore, #tpu.memory_space<semaphore_mem>>) {add = true}
        %add3A_313 = arith.constant 3 : i32
        %add3A_314 = arith.addi %mul3A_197, %add3A_313 : i32
        %get3A_315 = arith.index_cast %add3A_314 : i32 to index
        %get3A_316 = arith.constant 0 : index
        %get3A_317 = tpu.vector_load %arg11[%get3A_315, %get3A_316] {strides = array<i32>} : memref<160x32xi32, #tpu.memory_space<vmem>>, vector<16xi32>,
        %get3A_318 = arith.index_cast %add3A_314 : i32 to index
        %get3A_319 = arith.constant 0 : index
        %get3A_320 = tpu.vector_load %arg10[%get3A_318, %get3A_319] {strides = array<i32>} : memref<160x32xi32, #tpu.memory_space<vmem>>, vector<16xi32>,
        %gather3A_321 = tpu.vector_load_idx %arg16[%get3A_317] : memref<10240xf32, #tpu.memory_space<vmem>>[vector<16xi32>], vector<16xf32>,
        tpu.vector_store_idx %arg17[%get3A_320], %gather3A_321 {add = true} : memref<10240xf32, #tpu.memory_space<vmem>>[vector<16xi32>], vector<16xf32>,
        %get3A_322 = arith.index_cast %add3A_314 : i32 to index
        %get3A_323 = arith.constant 16 : index
        %get3A_324 = tpu.vector_load %arg11[%get3A_322, %get3A_323] {strides = array<i32>} : memref<160x32xi32, #tpu.memory_space<vmem>>, vector<16xi32>,
        %get3A_325 = arith.index_cast %add3A_314 : i32 to index
        %get3A_326 = arith.constant 16 : index
        %get3A_327 = tpu.vector_load %arg10[%get3A_325, %get3A_326] {strides = array<i32>} : memref<160x32xi32, #tpu.memory_space<vmem>>, vector<16xi32>,
        %gather3A_328 = tpu.vector_load_idx %arg16[%get3A_324] : memref<10240xf32, #tpu.memory_space<vmem>>[vector<16xi32>], vector<16xf32>,
        tpu.vector_store_idx %arg17[%get3A_327], %gather3A_328 {add = true} : memref<10240xf32, #tpu.memory_space<vmem>>[vector<16xi32>], vector<16xf32>,
        %add3A_329 = arith.constant 3 : i32
        %add3A_330 = arith.addi %mul3A_197, %add3A_329 : i32
        %dma_wait3A_331 = arith.constant 0 : i32
        %dma_wait3A_332 = tpu.memref_slice %arg11[%add3A_330, %dma_wait3A_331] : memref<160x32xi32, #tpu.memory_space<vmem>> -> memref<1x32xi32, #tpu.memory_space<vmem>>
        %dma_wait3A_333 = tpu.memref_squeeze %dma_wait3A_332 : memref<1x32xi32, #tpu.memory_space<vmem>> -> memref<32xi32, #tpu.memory_space<vmem>>
        %dma_wait3A_334 = arith.constant 0 : i32
        %dma_wait3A_335 = arith.constant 0 : i32
        %dma_wait3A_336 = tpu.memref_slice %arg18[%dma_wait3A_334, %dma_wait3A_335] : memref<10240x128xf32, #tpu.memory_space<vmem_shared>> -> memref<10240x128xf32, #tpu.memory_space<vmem_shared>>
        tpu.wait_indirect_dma semaphore(%arg26 : memref<!tpu.dma_semaphore, #tpu.memory_space<semaphore_mem>>) src(%arg15 : memref<32x128xf32, #tpu.memory_space<vmem>>) dst(%dma_wait3A_336 : memref<10240x128xf32, #tpu.memory_space<vmem_shared>>)
        %lt3A_337 = arith.constant 39 : i32
        %lt3A_338 = arith.cmpi slt, %scan3A_195, %lt3A_337 : i32
        %convert_element_type3A_339 = arith.extui %lt3A_338 : i1 to i32
        %cond3A_340 = arith.constant 0 : i32
        %cond3A_341 = arith.cmpi ne, %convert_element_type3A_339, %cond3A_340 : i32
        scf.if %cond3A_341 {
          %add3A_342 = arith.constant 3 : i32
          %add3A_343 = arith.addi %mul3A_197, %add3A_342 : i32
          %add3A_344 = arith.constant 4 : i32
          %add3A_345 = arith.addi %add3A_343, %add3A_344 : i32
          %dma_start3A_346 = arith.constant 0 : i32
          %dma_start3A_347 = tpu.memref_slice %arg10[%add3A_345, %dma_start3A_346] : memref<160x32xi32, #tpu.memory_space<vmem>> -> memref<1x32xi32, #tpu.memory_space<vmem>>
          %dma_start3A_348 = tpu.memref_squeeze %dma_start3A_347 : memref<1x32xi32, #tpu.memory_space<vmem>> -> memref<32xi32, #tpu.memory_space<vmem>>
          %dma_start3A_349 = arith.constant 0 : i32
          %dma_start3A_350 = arith.constant 0 : i32
          %dma_start3A_351 = tpu.memref_slice %arg5[%dma_start3A_349, %dma_start3A_350] : memref<10240x128xf32, #tpu.memory_space<hbm>> -> memref<10240x128xf32, #tpu.memory_space<hbm>>
          tpu.enqueue_indirect_dma source(%dma_start3A_351 : memref<10240x128xf32, #tpu.memory_space<hbm>>) target(%arg15 : memref<32x128xf32, #tpu.memory_space<vmem>>) offsets(%dma_start3A_348 : memref<32xi32, #tpu.memory_space<vmem>>) semaphore(%arg22 : memref<!tpu.dma_semaphore, #tpu.memory_space<semaphore_mem>>)
        } else {
        }
      }
      %scan3A_194 = arith.constant 40 : i32
    } else {
    }
    %barrier3A_96 = arith.constant 0 : index
    tpu.barrier barrier_id(%barrier3A_96)
    %eq3A_97 = arith.constant 0 : i32
    %eq3A_98 = arith.cmpi eq, %arg0, %eq3A_97 : i32
    %convert_element_type3A_99 = arith.extui %eq3A_98 : i1 to i32
    %cond3A_100 = arith.constant 0 : i32
    %cond3A_101 = arith.cmpi ne, %convert_element_type3A_99, %cond3A_100 : i32
    scf.if %cond3A_101 {
      %mul3A_112 = arith.constant 640 : i32
      %mul3A_113 = arith.muli %arg1, %mul3A_112 : i32
      %mul3A_114 = arith.constant 640 : i32
      %mul3A_115 = arith.muli %arg1, %mul3A_114 : i32
      "tpu.region"() ({
        %run_scoped3A = tpu.sem_alloc : memref<!tpu.dma_semaphore, #tpu.memory_space<semaphore_mem>>
        %dma_start3A = arith.constant 0 : i32
        %dma_start3A_116 = tpu.memref_slice %arg7[%mul3A_115, %dma_start3A] : memref<10240x128xf32, #tpu.memory_space<hbm>> -> memref<640x128xf32, #tpu.memory_space<hbm>>
        %dma_start3A_117 = arith.constant 0 : i32
        %dma_start3A_118 = tpu.memref_slice %arg18[%mul3A_113, %dma_start3A_117] : memref<10240x128xf32, #tpu.memory_space<vmem_shared>> -> memref<640x128xf32, #tpu.memory_space<vmem_shared>>
        tpu.enqueue_dma source(%dma_start3A_118 : memref<640x128xf32, #tpu.memory_space<vmem_shared>>) target(%dma_start3A_116 : memref<640x128xf32, #tpu.memory_space<hbm>>) target_semaphore(%run_scoped3A : memref<!tpu.dma_semaphore, #tpu.memory_space<semaphore_mem>>)
        %dma_wait3A = arith.constant 0 : i32
        %dma_wait3A_119 = tpu.memref_slice %arg7[%mul3A_115, %dma_wait3A] : memref<10240x128xf32, #tpu.memory_space<hbm>> -> memref<640x128xf32, #tpu.memory_space<hbm>>
        %dma_wait3A_120 = arith.constant 0 : i32
        %dma_wait3A_121 = tpu.memref_slice %arg18[%mul3A_113, %dma_wait3A_120] : memref<10240x128xf32, #tpu.memory_space<vmem_shared>> -> memref<640x128xf32, #tpu.memory_space<vmem_shared>>
        tpu.wait_dma2 semaphore(%run_scoped3A : memref<!tpu.dma_semaphore, #tpu.memory_space<semaphore_mem>>) src(%dma_wait3A_121 : memref<640x128xf32, #tpu.memory_space<vmem_shared>>) dst(%dma_wait3A_119 : memref<640x128xf32, #tpu.memory_space<hbm>>)
        tpu.yield
      }) : () -> ()
    } else {
    }
    %eq3A_102 = arith.constant 1 : i32
    %eq3A_103 = arith.cmpi eq, %arg0, %eq3A_102 : i32
    %convert_element_type3A_104 = arith.extui %eq3A_103 : i1 to i32
    %cond3A_105 = arith.constant 0 : i32
    %cond3A_106 = arith.cmpi ne, %convert_element_type3A_104, %cond3A_105 : i32
    scf.if %cond3A_106 {
      %mul3A_112 = arith.constant 640 : i32
      %mul3A_113 = arith.muli %arg1, %mul3A_112 : i32
      %mul3A_114 = arith.constant 640 : i32
      %mul3A_115 = arith.muli %arg1, %mul3A_114 : i32
      "tpu.region"() ({
        %run_scoped3A = tpu.sem_alloc : memref<!tpu.dma_semaphore, #tpu.memory_space<semaphore_mem>>
        %dma_start3A = arith.constant 0 : i32
        %dma_start3A_116 = tpu.memref_slice %arg8[%mul3A_115, %dma_start3A] : memref<10240x128xf32, #tpu.memory_space<hbm>> -> memref<640x128xf32, #tpu.memory_space<hbm>>
        %dma_start3A_117 = arith.constant 0 : i32
        %dma_start3A_118 = tpu.memref_slice %arg18[%mul3A_113, %dma_start3A_117] : memref<10240x128xf32, #tpu.memory_space<vmem_shared>> -> memref<640x128xf32, #tpu.memory_space<vmem_shared>>
        tpu.enqueue_dma source(%dma_start3A_118 : memref<640x128xf32, #tpu.memory_space<vmem_shared>>) target(%dma_start3A_116 : memref<640x128xf32, #tpu.memory_space<hbm>>) target_semaphore(%run_scoped3A : memref<!tpu.dma_semaphore, #tpu.memory_space<semaphore_mem>>)
        %dma_wait3A = arith.constant 0 : i32
        %dma_wait3A_119 = tpu.memref_slice %arg8[%mul3A_115, %dma_wait3A] : memref<10240x128xf32, #tpu.memory_space<hbm>> -> memref<640x128xf32, #tpu.memory_space<hbm>>
        %dma_wait3A_120 = arith.constant 0 : i32
        %dma_wait3A_121 = tpu.memref_slice %arg18[%mul3A_113, %dma_wait3A_120] : memref<10240x128xf32, #tpu.memory_space<vmem_shared>> -> memref<640x128xf32, #tpu.memory_space<vmem_shared>>
        tpu.wait_dma2 semaphore(%run_scoped3A : memref<!tpu.dma_semaphore, #tpu.memory_space<semaphore_mem>>) src(%dma_wait3A_121 : memref<640x128xf32, #tpu.memory_space<vmem_shared>>) dst(%dma_wait3A_119 : memref<640x128xf32, #tpu.memory_space<hbm>>)
        tpu.yield
      }) : () -> ()
    } else {
    }
    %mul3A_107 = arith.constant 16 : i32
    %mul3A_108 = arith.muli %arg0, %mul3A_107 : i32
    %add3A_109 = arith.addi %mul3A_108, %arg1 : i32
    %mul3A_110 = arith.constant 10240 : i32
    %mul3A_111 = arith.muli %add3A_109, %mul3A_110 : i32
    "tpu.region"() ({
      %run_scoped3A = tpu.sem_alloc : memref<!tpu.dma_semaphore, #tpu.memory_space<semaphore_mem>>
      %dma_start3A = tpu.memref_slice %arg9[%mul3A_111] : memref<327680xf32, #tpu.memory_space<hbm>> -> memref<10240xf32, #tpu.memory_space<hbm>>
      %dma_start3A_112 = tpu.memref_slice %arg9[%mul3A_111] : memref<327680xf32, #tpu.memory_space<hbm>> -> memref<10240xf32, #tpu.memory_space<hbm>>
      tpu.enqueue_dma source(%arg17 : memref<10240xf32, #tpu.memory_space<vmem>>) target(%dma_start3A_112 : memref<10240xf32, #tpu.memory_space<hbm>>) target_semaphore(%run_scoped3A : memref<!tpu.dma_semaphore, #tpu.memory_space<semaphore_mem>>)
      %dma_wait3A = tpu.memref_slice %arg9[%mul3A_111] : memref<327680xf32, #tpu.memory_space<hbm>> -> memref<10240xf32, #tpu.memory_space<hbm>>
      %dma_wait3A_113 = tpu.memref_slice %arg9[%mul3A_111] : memref<327680xf32, #tpu.memory_space<hbm>> -> memref<10240xf32, #tpu.memory_space<hbm>>
      tpu.wait_dma2 semaphore(%run_scoped3A : memref<!tpu.dma_semaphore, #tpu.memory_space<semaphore_mem>>) src(%arg17 : memref<10240xf32, #tpu.memory_space<vmem>>) dst(%dma_wait3A_113 : memref<10240xf32, #tpu.memory_space<hbm>>)
      tpu.yield
    }) : () -> ()
    return
  }
}

module attributes {stable_mosaic.version = 14 : i64} {
  func.func @_normx_body(%arg0: memref<10240x256xf32, #tpu.memory_space<vmem>>, %arg1: memref<32x10240xf32, #tpu.memory_space<vmem>>, %arg2: memref<32x10240xf32, #tpu.memory_space<vmem>>, %arg3: memref<10240x128xf32, #tpu.memory_space<vmem>>, %arg4: memref<10240x128xf32, #tpu.memory_space<vmem>>, %arg5: memref<10240x1xf32, #tpu.memory_space<vmem>>, %arg6: memref<10240x1xf32, #tpu.memory_space<vmem>>) attributes {dimension_semantics = [], scalar_prefetch = 0 : i64, scratch_operands = 0 : i64, tpu.core_type = #tpu.core_type<tc>} {
    %get3A = arith.constant 0 : index
    %get3A_0 = arith.constant 0 : index
    %get3A_1 = vector.load %arg1[%get3A, %get3A_0] : memref<32x10240xf32, #tpu.memory_space<vmem>>, vector<32x10240xf32>
    %transpose3A = tpu.transpose %get3A_1, [1, 0] : vector<32x10240xf32> -> vector<10240x32xf32>
    %reduce_sum3A = arith.constant dense<0.000000e+00> : vector<10240xf32>
    %reduce_sum3A_2 = vector.multi_reduction <add>, %transpose3A, %reduce_sum3A [1] : vector<10240x32xf32> to vector<10240xf32>
    %broadcast_in_dim3A = vector.shape_cast %reduce_sum3A_2 : vector<10240xf32> to vector<10240x1xf32>
    %get3A_3 = arith.constant 0 : index
    %get3A_4 = arith.constant 0 : index
    %get3A_5 = vector.load %arg2[%get3A_3, %get3A_4] : memref<32x10240xf32, #tpu.memory_space<vmem>>, vector<32x10240xf32>
    %transpose3A_6 = tpu.transpose %get3A_5, [1, 0] : vector<32x10240xf32> -> vector<10240x32xf32>
    %reduce_sum3A_7 = arith.constant dense<0.000000e+00> : vector<10240xf32>
    %reduce_sum3A_8 = vector.multi_reduction <add>, %transpose3A_6, %reduce_sum3A_7 [1] : vector<10240x32xf32> to vector<10240xf32>
    %broadcast_in_dim3A_9 = vector.shape_cast %reduce_sum3A_8 : vector<10240xf32> to vector<10240x1xf32>
    %max3A = arith.constant 1.000000e+00 : f32
    %max3A_10 = vector.broadcast %max3A : f32 to vector<10240x1xf32>
    %max3A_11 = arith.maximumf %broadcast_in_dim3A, %max3A_10 : vector<10240x1xf32>
    %rsqrt3A = math.rsqrt %max3A_11 : vector<10240x1xf32>
    %max3A_12 = arith.constant 1.000000e+00 : f32
    %max3A_13 = vector.broadcast %max3A_12 : f32 to vector<10240x1xf32>
    %max3A_14 = arith.maximumf %broadcast_in_dim3A_9, %max3A_13 : vector<10240x1xf32>
    %rsqrt3A_15 = math.rsqrt %max3A_14 : vector<10240x1xf32>
    %get3A_16 = arith.constant 0 : index
    %get3A_17 = arith.constant 0 : index
    %get3A_18 = vector.load %arg0[%get3A_16, %get3A_17] : memref<10240x256xf32, #tpu.memory_space<vmem>>, vector<10240x256xf32>
    %mul3A = vector.broadcast %rsqrt3A : vector<10240x1xf32> to vector<10240x256xf32>
    %mul3A_19 = arith.mulf %get3A_18, %mul3A : vector<10240x256xf32>
    %slice3A = vector.extract_strided_slice %mul3A_19 {offsets = [0, 0], sizes = [10240, 128], strides = [1, 1]} : vector<10240x256xf32> to vector<10240x128xf32>
    %swap3A = arith.constant 0 : index
    %swap3A_20 = arith.constant 0 : index
    %swap3A_21 = vector.load %arg3[%swap3A, %swap3A_20] : memref<10240x128xf32, #tpu.memory_space<vmem>>, vector<10240x128xf32>
    tpu.vector_store %arg3[%swap3A, %swap3A_20], %slice3A {strides = array<i32>} : memref<10240x128xf32, #tpu.memory_space<vmem>>, vector<10240x128xf32>,
    %slice3A_22 = vector.extract_strided_slice %mul3A_19 {offsets = [0, 128], sizes = [10240, 128], strides = [1, 1]} : vector<10240x256xf32> to vector<10240x128xf32>
    %swap3A_23 = arith.constant 0 : index
    %swap3A_24 = arith.constant 0 : index
    %swap3A_25 = vector.load %arg4[%swap3A_23, %swap3A_24] : memref<10240x128xf32, #tpu.memory_space<vmem>>, vector<10240x128xf32>
    tpu.vector_store %arg4[%swap3A_23, %swap3A_24], %slice3A_22 {strides = array<i32>} : memref<10240x128xf32, #tpu.memory_space<vmem>>, vector<10240x128xf32>,
    %swap3A_26 = arith.constant 0 : index
    %swap3A_27 = arith.constant 0 : index
    %swap3A_28 = vector.load %arg5[%swap3A_26, %swap3A_27] : memref<10240x1xf32, #tpu.memory_space<vmem>>, vector<10240x1xf32>
    tpu.vector_store %arg5[%swap3A_26, %swap3A_27], %rsqrt3A {strides = array<i32>} : memref<10240x1xf32, #tpu.memory_space<vmem>>, vector<10240x1xf32>,
    %swap3A_29 = arith.constant 0 : index
    %swap3A_30 = arith.constant 0 : index
    %swap3A_31 = vector.load %arg6[%swap3A_29, %swap3A_30] : memref<10240x1xf32, #tpu.memory_space<vmem>>, vector<10240x1xf32>
    tpu.vector_store %arg6[%swap3A_29, %swap3A_30], %rsqrt3A_15 {strides = array<i32>} : memref<10240x1xf32, #tpu.memory_space<vmem>>, vector<10240x1xf32>,
    return
  }
}

module attributes {stable_mosaic.version = 14 : i64} {
  func.func @_head_body(%arg0: memref<10240x128xf32, #tpu.memory_space<vmem>>, %arg1: memref<10240x128xf32, #tpu.memory_space<vmem>>, %arg2: memref<32x10240xf32, #tpu.memory_space<vmem>>, %arg3: memref<10240x1xf32, #tpu.memory_space<vmem>>, %arg4: memref<10240x1xf32, #tpu.memory_space<vmem>>, %arg5: memref<256x256xf32, #tpu.memory_space<vmem>>, %arg6: memref<256xf32, #tpu.memory_space<vmem>>, %arg7: memref<256x256xf32, #tpu.memory_space<vmem>>, %arg8: memref<256xf32, #tpu.memory_space<vmem>>, %arg9: memref<1x256xf32, #tpu.memory_space<vmem>>) attributes {dimension_semantics = [], scalar_prefetch = 0 : i64, scratch_operands = 0 : i64, tpu.core_type = #tpu.core_type<tc>} {
    %get3A = arith.constant 0 : index
    %get3A_0 = arith.constant 0 : index
    %get3A_1 = vector.load %arg0[%get3A, %get3A_0] : memref<10240x128xf32, #tpu.memory_space<vmem>>, vector<10240x128xf32>
    %get3A_2 = arith.constant 0 : index
    %get3A_3 = arith.constant 0 : index
    %get3A_4 = vector.load %arg1[%get3A_2, %get3A_3] : memref<10240x128xf32, #tpu.memory_space<vmem>>, vector<10240x128xf32>
    %concatenate3A = tpu.concatenate %get3A_1, %get3A_4 in 1 : vector<10240x128xf32>, vector<10240x128xf32> -> vector<10240x256xf32>
    %get3A_5 = arith.constant 0 : index
    %get3A_6 = arith.constant 0 : index
    %get3A_7 = vector.load %arg4[%get3A_5, %get3A_6] : memref<10240x1xf32, #tpu.memory_space<vmem>>, vector<10240x1xf32>
    %mul3A = vector.broadcast %get3A_7 : vector<10240x1xf32> to vector<10240x256xf32>
    %mul3A_8 = arith.mulf %concatenate3A, %mul3A : vector<10240x256xf32>
    %get3A_9 = arith.constant 0 : index
    %get3A_10 = arith.constant 0 : index
    %get3A_11 = vector.load %arg5[%get3A_9, %get3A_10] : memref<256x256xf32, #tpu.memory_space<vmem>>, vector<256x256xf32>
    %dot_general3A = arith.constant dense<0.000000e+00> : vector<10240x256xf32>
    %dot_general3A_12 = tpu.matmul %mul3A_8, %get3A_11, %dot_general3A {dimension_numbers = #tpu.dot_dimension_numbers<[1], [0], [0], [1], [0, 0, 1, 1], [], []>, transpose_lhs_hint = false} : vector<10240x256xf32>, vector<256x256xf32>, vector<10240x256xf32> -> vector<10240x256xf32>
    %get3A_13 = arith.constant 0 : index
    %get3A_14 = vector.load %arg6[%get3A_13] : memref<256xf32, #tpu.memory_space<vmem>>, vector<256xf32>
    %broadcast_in_dim3A = vector.shape_cast %get3A_14 : vector<256xf32> to vector<1x256xf32>
    %add3A = vector.broadcast %broadcast_in_dim3A : vector<1x256xf32> to vector<10240x256xf32>
    %add3A_15 = arith.addf %dot_general3A_12, %add3A : vector<10240x256xf32>
    %max3A = arith.constant 0.000000e+00 : f32
    %max3A_16 = vector.broadcast %max3A : f32 to vector<10240x256xf32>
    %max3A_17 = arith.maximumf %add3A_15, %max3A_16 : vector<10240x256xf32>
    %get3A_18 = arith.constant 0 : index
    %get3A_19 = arith.constant 0 : index
    %get3A_20 = vector.load %arg2[%get3A_18, %get3A_19] : memref<32x10240xf32, #tpu.memory_space<vmem>>, vector<32x10240xf32>
    %transpose3A = tpu.transpose %get3A_20, [1, 0] : vector<32x10240xf32> -> vector<10240x32xf32>
    %reduce_sum3A = arith.constant dense<0.000000e+00> : vector<10240xf32>
    %reduce_sum3A_21 = vector.multi_reduction <add>, %transpose3A, %reduce_sum3A [1] : vector<10240x32xf32> to vector<10240xf32>
    %broadcast_in_dim3A_22 = vector.shape_cast %reduce_sum3A_21 : vector<10240xf32> to vector<10240x1xf32>
    %get3A_23 = arith.constant 0 : index
    %get3A_24 = arith.constant 0 : index
    %get3A_25 = vector.load %arg3[%get3A_23, %get3A_24] : memref<10240x1xf32, #tpu.memory_space<vmem>>, vector<10240x1xf32>
    %mul3A_26 = arith.mulf %get3A_25, %broadcast_in_dim3A_22 : vector<10240x1xf32>
    %iota3A = tpu.iota {dimensions = array<i32: 0>} : vector<10240x1xi32>
    %lt3A = arith.constant 10000 : i32
    %lt3A_27 = vector.broadcast %lt3A : i32 to vector<10240x1xi32>
    %lt3A_28 = arith.cmpi slt, %iota3A, %lt3A_27 : vector<10240x1xi32>
    %jit3A = arith.constant 0.000000e+00 : f32
    %broadcast_in_dim3A_29 = vector.broadcast %jit3A : f32 to vector<10240x1xf32>
    %select_n3A = arith.select %lt3A_28, %mul3A_26, %broadcast_in_dim3A_29 : vector<10240x1xi1>, vector<10240x1xf32>
    %mul3A_30 = vector.broadcast %select_n3A : vector<10240x1xf32> to vector<10240x256xf32>
    %mul3A_31 = arith.mulf %max3A_17, %mul3A_30 : vector<10240x256xf32>
    %reduce_sum3A_32 = arith.constant dense<0.000000e+00> : vector<256xf32>
    %reduce_sum3A_33 = vector.multi_reduction <add>, %mul3A_31, %reduce_sum3A_32 [0] : vector<10240x256xf32> to vector<256xf32>
    %broadcast_in_dim3A_34 = vector.shape_cast %reduce_sum3A_33 : vector<256xf32> to vector<1x256xf32>
    %mul3A_35 = arith.constant 9.99999974E-5 : f32
    %mul3A_36 = vector.broadcast %mul3A_35 : f32 to vector<1x256xf32>
    %mul3A_37 = arith.mulf %broadcast_in_dim3A_34, %mul3A_36 : vector<1x256xf32>
    %get3A_38 = arith.constant 0 : index
    %get3A_39 = arith.constant 0 : index
    %get3A_40 = vector.load %arg7[%get3A_38, %get3A_39] : memref<256x256xf32, #tpu.memory_space<vmem>>, vector<256x256xf32>
    %dot_general3A_41 = arith.constant dense<0.000000e+00> : vector<1x256xf32>
    %dot_general3A_42 = tpu.matmul %mul3A_37, %get3A_40, %dot_general3A_41 {dimension_numbers = #tpu.dot_dimension_numbers<[1], [0], [0], [1], [0, 0, 1, 1], [], []>, transpose_lhs_hint = false} : vector<1x256xf32>, vector<256x256xf32>, vector<1x256xf32> -> vector<1x256xf32>
    %get3A_43 = arith.constant 0 : index
    %get3A_44 = vector.load %arg8[%get3A_43] : memref<256xf32, #tpu.memory_space<vmem>>, vector<256xf32>
    %broadcast_in_dim3A_45 = vector.shape_cast %get3A_44 : vector<256xf32> to vector<1x256xf32>
    %add3A_46 = arith.addf %dot_general3A_42, %broadcast_in_dim3A_45 : vector<1x256xf32>
    %swap3A = arith.constant 0 : index
    %swap3A_47 = arith.constant 0 : index
    %swap3A_48 = vector.load %arg9[%swap3A, %swap3A_47] : memref<1x256xf32, #tpu.memory_space<vmem>>, vector<1x256xf32>
    tpu.vector_store %arg9[%swap3A, %swap3A_47], %add3A_46 {strides = array<i32>} : memref<1x256xf32, #tpu.memory_space<vmem>>, vector<1x256xf32>,
    return
  }
}

</mosaic_0001>

<sc_bundles>
// kernel: kernel.6.cloned.1.call-start
scs
__scs_entry_jumppad:
0x0: {  	(pc) =	sbr.rel $0x88, $3  }
0x1: {  	(tag) =	ssettag $0x0;
	lr =	simm.s32 $0x1  }
0x2: {  	[smem:$0x3F9B] =	sst lr;
	_ =	strace $0xD0000000  }
0x3: {  	_ = 	snop  }
0x4: {  	_ = 	snop  }
0x5: {  	_ = 	snop  }
0x6: {  	_ = 	snop  }
0x7: {  	_ = 	snop  }
__scs_overlays_trampoline_lowered:
0x8: {  	[smem:$0x3FAA] =	sst s0  }
0x9: {  	[smem:$0x3FAB] =	sst s1  }
0xa: {  	[smem:$0x3FAC] =	sst s2  }
0xb: {  	[smem:$0x3FAD] =	sst s3  }
0xc: {  	[smem:$0x3FAE] =	sst s4  }
0xd: {  	[smem:$0x3FAF] =	sst s5  }
0xe: {  	[smem:$0x3FB0] =	sst s6  }
0xf: {  	[smem:$0x3FB1] =	sst s7  }
0x10: {  	[smem:$0x3FB2] =	sst s8  }
0x11: {  	[smem:$0x3FB3] =	sst s9;
	s0 =	simm.s32 @!p0 $0x0  }
0x12: {  	s1 =	sld [smem:$0x3F99];
	s0 =	simm.s32 @p0 $0x1  }
0x13: {  	[smem:$0x3FB4] =	sst s0;
	s0 =	simm.s32 @!p1 $0x0  }
0x14: {  	s2 =	sld [smem:$0x3F98];
	s0 =	simm.s32 @p1 $0x1  }
0x15: {  	[smem:$0x3FB5] =	sst s0;
	s0 =	simm.s32 @!p2 $0x0  }
0x16: {  	s3 =	sld [smem:$0x3FDB];
	s0 =	simm.s32 @p2 $0x1  }
0x17: {  	s4 =	simm.s32 $0x1BF5;
	[smem:$0x3FB7] =	sst s0  }
0x18: {  	s0 =	sld [smem:$0x3F9A];
	_ =	swait.ge [sflag:s4], $0x0  }
0x19: {  	s7 =	sld [smem:$0x3F9B]  }
0x1a: {  	s8 =	sadd.s32 $0xFFFFE003, lr  }
0x1b: {  	s9 =	sadd.s32 $0xFFFFFEF7, lr;
	s5 =	simm.s32 $0xFFFFFFFF;
	p2 =	slt.u32 s8, $0xFFFFF086  }
0x1c: {  	p1 =	slt.u32 s9, $0xF7A;
	s5 =	simm.s32 @!p2 $0x0  }
0x1d: {  	s5 =	simm.s32 @p1 $0x1;
	p0 =	seq.s32 s7, s2  }
0x1e: {  	s7 =	smul.u32 @!p0 $0xF7A, s2;
	p2 =	seq.s32 @!p0 s5, $0x0  }
0x1f: {  	s9 =	smul.u32 $0xF7A, s1;
	s8 =	simm.s32 @!p0 $0x1BF5;
	p2 =	por !p2, p0  }
0x20: {  	[sflag:s8] =	ssyncset.s32 @!p0 $0xFFFFF086;
	s6 =	sadd.s32 @!p0 s3, s7;
	s7 =	simm.s32 @!p0 $0x108  }
0x21: {  	s3 =	sadd.s32 s3, s9;
	s6 =	sadd.s32 @!p0 $0x88, s6;
	s7 =	simm.s32 @p2 $0x1082  }
0x22: {  	[simem:s7], [sflag:s8] =	dma.local @!p0 [hbm:s6], $0xF7A  }
0x23: {  	s9 =	sor.u32 $0xD0000000, s2;
	s6 =	simm.s32 $0x108;
	_ =	swait.ge @!p0 [sflag:s8], $0x0  }
0x24: {  	s3 =	sadd.s32 $0x88, s3;
	s6 =	simm.s32 @!p1 $0x1082;
	[sflag:s4] =	ssyncset.s32 $0xFFFFF086  }
0x25: {  	[simem:s6], [sflag:s4] =	dma.local [hbm:s3], $0xF7A  }
0x26: {  	[smem:$0x3F9B] =	sst s1;
	(tag) =	ssettag s2;
	_ =	strace s9  }
0x27: {  	s1 =	sld [smem:$0x3FAB]  }
0x28: {  	s2 =	sld [smem:$0x3FAC]  }
0x29: {  	s4 =	sld [smem:$0x3FAE]  }
0x2a: {  	p0 =	seq.s32 s5, $0x0;
	s5 =	sld [smem:$0x3FAF]  }
0x2b: {  	s6 =	sld [smem:$0x3FB0]  }
0x2c: {  	s7 =	sld [smem:$0x3FB1]  }
0x2d: {  	s3 =	simm.s32 $0x108;
	s8 =	sld [smem:$0x3FB2]  }
0x2e: {  	s3 =	simm.s32 @!p0 $0x1082;
	s9 =	sld [smem:$0x3FB3]  }
0x2f: {  	lr =	sadd.s32 s0, s3;
	s0 =	sld [smem:$0x3FAA]  }
0x30: {  	s3 =	sld [smem:$0x3FAD]  }
0x31: {  	[smem:$0x3FB6] =	sst s10  }
0x32: {  	s10 =	sld [smem:$0x3FB4];
	_ =	sdelay $0x3  }
0x33: {  	p0 =	seq.s32 s10, $0x1;
	s10 =	sld [smem:$0x3FB6];
	_ =	sdelay $0x3  }
0x34: {  	[smem:$0x3FB6] =	sst s10  }
0x35: {  	s10 =	sld [smem:$0x3FB5];
	_ =	sdelay $0x3  }
0x36: {  	p1 =	seq.s32 s10, $0x1;
	s10 =	sld [smem:$0x3FB6];
	_ =	sdelay $0x3  }
0x37: {  	[smem:$0x3FB6] =	sst s10  }
0x38: {  	s10 =	sld [smem:$0x3FB7]  }
0x39: {  	_ = 	snop;
	(pc) =	sbr.ind lr, $3  }
0x3a: {  	_ = 	snop  }
0x3b: {  	_ = 	snop  }
0x3c: {  	p2 =	seq.s32 s10, $0x1;
	s10 =	sld [smem:$0x3FB6]  }
0x3d: {  	_ =	shalt  }
0x3e: {  	_ =	shalt  }
0x3f: {  	_ =	shalt  }
0x40: {  	_ =	shalt  }
0x41: {  	_ =	shalt  }
0x42: {  	_ =	shalt  }
0x43: {  	_ =	shalt  }
0x44: {  	_ =	shalt  }
0x45: {  	_ =	shalt  }
0x46: {  	_ =	shalt  }
0x47: {  	_ =	shalt  }
0x48: {  	_ =	shalt  }
0x49: {  	_ =	shalt  }
0x4a: {  	_ =	shalt  }
0x4b: {  	_ =	shalt  }
0x4c: {  	_ =	shalt  }
0x4d: {  	_ =	shalt  }
0x4e: {  	_ =	shalt  }
0x4f: {  	_ =	shalt  }
0x50: {  	_ =	shalt  }
0x51: {  	_ =	shalt  }
0x52: {  	_ =	shalt  }
0x53: {  	_ =	shalt  }
0x54: {  	_ =	shalt  }
0x55: {  	_ =	shalt  }
0x56: {  	_ =	shalt  }
0x57: {  	_ =	shalt  }
0x58: {  	_ =	shalt  }
0x59: {  	_ =	shalt  }
0x5a: {  	_ =	shalt  }
0x5b: {  	_ =	shalt  }
0x5c: {  	_ =	shalt  }
0x5d: {  	_ =	shalt  }
0x5e: {  	_ =	shalt  }
0x5f: {  	_ =	shalt  }
0x60: {  	_ =	shalt  }
0x61: {  	_ =	shalt  }
0x62: {  	_ =	shalt  }
0x63: {  	_ =	shalt  }
0x64: {  	_ =	shalt  }
0x65: {  	_ =	shalt  }
0x66: {  	_ =	shalt  }
0x67: {  	_ =	shalt  }
0x68: {  	_ =	shalt  }
0x69: {  	_ =	shalt  }
0x6a: {  	_ =	shalt  }
0x6b: {  	_ =	shalt  }
0x6c: {  	_ =	shalt  }
0x6d: {  	_ =	shalt  }
0x6e: {  	_ =	shalt  }
0x6f: {  	_ =	shalt  }
0x70: {  	_ =	shalt  }
0x71: {  	_ =	shalt  }
0x72: {  	_ =	shalt  }
0x73: {  	_ =	shalt  }
0x74: {  	_ =	shalt  }
0x75: {  	_ =	shalt  }
0x76: {  	_ =	shalt  }
0x77: {  	_ =	shalt  }
0x78: {  	_ =	shalt  }
0x79: {  	_ =	shalt  }
0x7a: {  	_ =	shalt  }
0x7b: {  	_ =	shalt  }
0x7c: {  	_ =	shalt  }
0x7d: {  	_ =	shalt  }
0x7e: {  	_ =	shalt  }
0x7f: {  	_ =	shalt  }
0x80: {  	_ =	shalt  }
0x81: {  	_ =	shalt  }
0x82: {  	_ =	shalt  }
0x83: {  	_ =	shalt  }
0x84: {  	_ =	shalt  }
0x85: {  	_ =	shalt  }
0x86: {  	_ =	shalt  }
0x87: {  	_ =	shalt  }
.Lfunc_end0:
.L_simem_size_0:
called_computation_lowered:
.L_overlay_start_0:
0x88: {  	s2 =	sld [smem:$0x3FD9]  }
0x89: {  	s3 =	sld [smem:$0x3FFE];
	_ =	sdelay $0x1  }
0x8a: {  	s1 =	srdreg.scid  }
0x8b: {  	s0 =	sand.u32 $0x1, s1  }
0x8c: {  	s16 =	sshll.u32 s0, $0xA;
	s2 =	sadd.s32 s3, s2  }
0x8d: {  	s2 =	sadd.s32 s2, s16  }
0x8e: {  	[smem:$0x3FC2] =	sst s2  }
0x8f: {  	_ = 	snop  }
0x90: {  	(tm) =	ssettm $0x1  }
0x91: {  	s17 =	sld [smem:$0x3FFB];
	_ =	sdelay $0x3  }
0x92: {  	_ =	strace s17  }
0x93: {  	s2 =	sld [smem:$0x3FFC];
	_ =	sdelay $0x3  }
0x94: {  	_ =	strace s2  }
0x95: {  	s2 =	sld [smem:$0x3FFD];
	_ =	sdelay $0x3  }
0x96: {  	_ =	strace s2  }
0x97: {  	_ =	strace $0x8FFFFFFF  }
0x98: {  	s18 =	sld [smem:$0x3FDB];
	_ =	sdelay $0x1  }
0x99: {  	s19 =	simm.s32 $_scs_section_size  }
0x9a: {  	s4 =	simm.s32 $_size__tile_overlayer_lowered;
	s5 =	simm.s32 $_tile_overlayer_lowered  }
0x9b: {  	s22 =	simm.s32 $0x1BFF;
	s21 =	sshll.u32 s5, $0x1;
	s2 =	sadd.s32 s19, s18  }
0x9c: {  	s6 =	simm.s32 $0x0;
	s20 =	sshll.u32 s4, $0x1;
	s4 =	sadd.s32 s21, s2  }
0x9d: {  	[timem:s6], [sflag:s22] =	dma.local [hbm:s4], s20  }
0x9e: {  	_ =	swait.ge [sflag:s22], s20  }
0x9f: {  	s3 =	ssub.s32 $0x0, s20;
	[sflag:s22] =	ssyncset.done $0x0  }
0xa0: {  	[sflag:s22] =	ssyncadd.s32 s3;
	_ =	sdelay $0x1  }
0xa1: {  	s23 =	simm.s32 $0x1B8B  }
0xa2: {  	_ =	swait.ge [sflag:s23], $0x1  }
0xa3: {  	[sflag:s23] =	ssyncset.done $0x0  }
0xa4: {  	s25 =	simm.s32 $0x1B8E;
	s24 =	sld [smem:$0x3FFE];
	[sflag:s23] =	ssyncadd.s32 $0xFFFFFFFF  }
0xa5: {  	s26 =	simm.s32 $execute0_lowered;
	[smem:$0x3FD2] =	sst s25  }
0xa6: {  	s4 =	sshll.u32 s26, $0x1;
	_ =	strace $0x80000046;
	[dreg:$0x1] =	wrdreg $0xFFFFFFFF  }
0xa7: {  	s28 =	simm.s32 $_size_execute0_lowered;
	s2 =	sadd.s32 s2, s4;
	[dreg:$0x0] =	wrdreg $0x0  }
0xa8: {  	s4 =	sshll.u32 s28, $0x1;
	[dreg:$0x2] =	wrdreg s2  }
0xa9: {  	[dreg:$0x3] =	wrdreg s4  }
0xaa: {  	[dreg:$0x4] =	wrdreg $0xC0  }
0xab: {  	_ =	task [dreg:s6], $0x5FFFF  }
0xac: {  	[dreg:$0x1] =	wrdreg $0xFFFFFFFF  }
0xad: {  	[dreg:$0x0] =	wrdreg $0x60  }
0xae: {  	[dreg:$0x2] =	wrdreg s24  }
0xaf: {  	[dreg:$0x3] =	wrdreg $0x9  }
0xb0: {  	_ =	task.clear_ibuf [dreg:s6], $0x4FFFF;
	_ =	strace $0x90000046  }
0xb1: {  	s29 =	simm.s32 $0x9;
	_ =	strace $0x80000048  }
0xb2: {  	_ =	swait.ge [sflag:s29], $0x1  }
0xb3: {  	[sflag:s29] =	ssyncadd.s32 $0xFFFFFFFF  }
0xb4: {  	_ =	strace $0x90000048  }
0xb5: {  	_ =	sfence  }
0xb6: {  	s30 =	sld [smem:$0x0];
	_ =	sdelay $0x2  }
0xb7: {  	s31 =	sshll.u32 s1, $0xD;
	s1 =	sshrl.u32 s1, $0x2  }
0xb8: {  	s3 =	sand.u32 $0x4000, s31;
	s1 =	sadd.s32 s1, s30  }
0xb9: {  	s0 =	sor.u32 s3, s0;
	s1 =	sshll.u32 s1, $0x11  }
0xba: {  	s0 =	sor.u32 s1, s0  }
0xbb: {  	s0 =	sadd.s32 $0x8F2B, s0  }
0xbc: {  	[sflag:s0] =	ssyncadd.remote.s32 $0x1  }
0xbd: {  	_ =	sfence.sel $0xFFFF  }
0xbe: {  	[dreg:$0x0] =	wrdreg $0xFFFFFFFF;
	(pc) =	sbr.abs _section_cstart, $3  }
0xbf: {  	[dreg:$0x1] =	wrdreg $0xFFFFFFFF  }
0xc0: {  	_ =	task.clear_ibuf [dreg:s6], $0x2FFFF;
	_ =	strace $0x9FFFFFFF  }
0xc1: {  	(tm) =	ssettm $0x7FFFFFFF  }
tec
execute0_lowered:
.L_overlay_start_1:
0x0: {  	(tag) =	ssettag $0x1  }
0x1: {  	s0 =	srdreg.scid;
	s4 =	rddreg [dreg:$0x0];
	s2 =	simm.s32 $0x0  }
0x2: {  	s9 =	simm.s32 $0x1400;
	s10 =	simm.s32 $0x2800;
	s3 =	sand.u32 $0x1, s0  }
0x3: {  	s11 =	simm.s32 $0x5000;
	s0 =	stileid.u32;
	s1 =	sshll.u32 s3, $0x4  }
0x4: {  	s12 =	simm.s32 $0x0;
	s3 =	ssub.s32 $0x2, s3;
	s5 =	sor.u32 s0, s1  }
0x5: {  	[smem:$0x7FF] =	sst s2;
	s7 =	sshrl.u32 s3, $0x1;
	s6 =	smul.u32 $0x280, s5  }
0x6: {  	s1 =	rddreg [dreg:$0x1];
	s5 =	smul.u32 $0x500, s5;
	s7 =	ssub.s32 s3, s7  }
0x7: {  	_ =	strace $0x80000047;
	s7 =	smax.u32 s7, $0x1;
	s6 =	sadd.s32 s6, s4  }
0x8: {  	s8 =	sadd.s32 s5, s4;
	s3 =	sadd.s32 $0x6C00, s6;
	s4 =	sadd.s32 $0x1C00, s6  }
0x9: {  	v0 =	vimm.f32 $0.0e+00;
	v1 =	vimm.f32 $1.000000000e+00;
	s5 =	sadd.s32 $0xBC00, s8;
	s6 =	sadd.s32 $0x15C00, s8;
	s8 =	simm.s32 $0x1  }
.LBB2_1:
0xa: {  	s13 =	simm.s32 $0x40;
	s14 =	simm.s32 $0x0  }
.LBB2_2:
0xb: {  	p0 =	sne.s32 s13, $0x9FC0;
	[tilespmem:s14+$0x2800] =	vst v0;
	s15 =	smov.u32 s13;
	s13 =	sadd.s32 $0x40, s13  }
.Ltmp0:
0xc: {  	[tilespmem:s14+$0x5000] =	vst v0;
	(pc) =	sbr.rel @p0 .LBB2_2-.Ltmp0, $2  }
0xd: {  	_ =	sdelay $0x2  }
0xe: {  	s14 =	sshra.s32 s15, $0x2  }
0xf: {  	[tilespmem:s14+$0x2800] =	vst v0  }
0x10: {  	[tilespmem:s14+$0x5000] =	vst v0;
	s13 =	simm.s32 $0x0  }
0x11: {  	[tilespmem:s13], [sflag:$0x1] =	stream.linear.gather [hbm4b:s3+s13], $0x1400, $0x38;
	[tilespmem:$0x7800] =	vst v63  }
0x12: {  	_ =	swait.ge [sflag:s8], $0x1400  }
0x13: {  	[sflag:s8] =	ssyncset.done $0x0  }
0x14: {  	[sflag:s8] =	ssyncadd.s32 $0xFFFFEC00  }
0x15: {  	[tilespmem:s9], [sflag:$0x1] =	stream.linear.gather [hbm4b:s4+s13], $0x1400, $0x38;
	[tilespmem:$0x7800] =	vst v63  }
0x16: {  	_ =	swait.ge [sflag:s8], $0x1400  }
0x17: {  	[sflag:s8] =	ssyncset.done $0x0  }
0x18: {  	s14 =	simm.s32 $0x0;
	[sflag:s8] =	ssyncadd.s32 $0xFFFFEC00  }
0x19: {  	s13 =	simm.s32 $0x40;
	v2 =	vld [tilespmem:s14+$0x0]  }
.LBB2_4:
0x1a: {  	p0 =	sne.s32 s13, $0x4FC0;
	v3 =	vld [tilespmem:s14+$0x1400];
	_ =	sdelay $0x4  }
.Ltmp1:
0x1b: {  	(pc) =	sbr.rel @p0 .LBB2_4-.Ltmp1, $4  }
0x1c: {  	_ = 	snop  }
0x1d: {  	[tilespmem:v2+s10+$0x0] =	vst.idx.add.f32.msk $0xffff, v1  }
0x1e: {  	s14 =	sshra.s32 s13, $0x2;
	[tilespmem:v3+s11+$0x0] =	vst.idx.add.f32.msk $0xffff, v1  }
0x1f: {  	s13 =	sadd.s32 $0x40, s13;
	v2 =	vld [tilespmem:s14+$0x0]  }
0x20: {  	_ = 	snop  }
0x21: {  	v3 =	vld [tilespmem:s14+$0x1400];
	_ =	sdelay $0x6  }
0x22: {  	[tilespmem:v2+s10+$0x0] =	vst.idx.add.f32.msk $0xffff, v1  }
0x23: {  	[tilespmem:v3+s11+$0x0] =	vst.idx.add.f32.msk $0xffff, v1  }
0x24: {  	[hbm4b:s5+s2] =	stream.linear.scatter [tilespmem:s10], [sflag:$0x1], $0x2800, $0x38;
	[tilespmem:$0x7800] =	vst v63  }
0x25: {  	s12 =	sadd.s32 $0x1, s12;
	_ =	swait.ge [sflag:s8], $0x2800  }
0x26: {  	p0 =	sne.s32 s12, s7;
	[sflag:s8] =	ssyncset.done $0x0  }
.Ltmp2:
0x27: {  	[sflag:s8] =	ssyncadd.s32 $0xFFFFD800;
	(pc) =	sbr.rel @p0 .LBB2_1-.Ltmp2, $4  }
0x28: {  	[hbm4b:s6+s2] =	stream.linear.scatter [tilespmem:s11], [sflag:$0x1], $0x2800, $0x38;
	[tilespmem:$0x7800] =	vst v63  }
0x29: {  	_ =	swait.ge [sflag:s8], $0x2800  }
0x2a: {  	[sflag:s8] =	ssyncset.done $0x0  }
0x2b: {  	[sflag:s8] =	ssyncadd.s32 $0xFFFFD800  }
0x2c: {  	_ =	sfence.sel $0x180000  }
0x2d: {  	[bflag:$0x0] =	sbarrier.arrive $0xFFFF  }
0x2e: {  	p0 =	sne.s32 s0, $0x0;
	_ =	strace $0x90000047  }
0x2f: {  	s0 =	sadd.s32 @!p0 $0x100000, s1;
	[bflag:$0x2] =	sbarrier.arrive $0xFFFF  }
0x30: {  	[sflag:s0] =	ssyncadd.tile.s32 @!p0 $0x1;
	_ =	shalt  }
.Lfunc_end2:
_tile_overlayer_lowered:
.L_overlay_start_2:
0x31: {  	(tag) =	ssettag $0x2  }
0x32: {  	s0 =	rddreg [dreg:$0x0];
	s2 =	stileid.u32  }
0x33: {  	s1 =	rddreg [dreg:$0x1];
	p0 =	sne.s32 s2, $0x0  }
0x34: {  	s3 =	rddreg [dreg:$0x2];
	[bflag:$0x3] =	sbarrier.arrive $0xFFFF;
	s2 =	simm.s32 @!p0 $0x1C01  }
0x35: {  	[timem:s3], [sflag:s2] =	dma.local @!p0 [hbm:s0], s1  }
0x36: {  	s0 =	simm.s32 @!p0 $0x1  }
0x37: {  	_ =	swait.ge @!p0 [sflag:s0], s1  }
0x38: {  	s1 =	ssub.s32 @!p0 $0x0, s1;
	[sflag:s0] =	ssyncset.done @!p0 $0x0  }
0x39: {  	[sflag:s0] =	ssyncadd.s32 @!p0 s1  }
0x3a: {  	[bflag:$0x3] =	sbarrier.arrive $0xFFFF  }
0x3b: {  	_ =	shalt  }

// kernel: kernel.9.cloned.1.call-start
scs
__scs_entry_jumppad:
0x0: {  	(pc) =	sbr.rel $0x88, $3  }
0x1: {  	(tag) =	ssettag $0x0;
	lr =	simm.s32 $0x1  }
0x2: {  	[smem:$0x3F9B] =	sst lr;
	_ =	strace $0xD0000000  }
0x3: {  	_ = 	snop  }
0x4: {  	_ = 	snop  }
0x5: {  	_ = 	snop  }
0x6: {  	_ = 	snop  }
0x7: {  	_ = 	snop  }
__scs_overlays_trampoline_lowered:
0x8: {  	[smem:$0x3FAA] =	sst s0  }
0x9: {  	[smem:$0x3FAB] =	sst s1  }
0xa: {  	[smem:$0x3FAC] =	sst s2  }
0xb: {  	[smem:$0x3FAD] =	sst s3  }
0xc: {  	[smem:$0x3FAE] =	sst s4  }
0xd: {  	[smem:$0x3FAF] =	sst s5  }
0xe: {  	[smem:$0x3FB0] =	sst s6  }
0xf: {  	[smem:$0x3FB1] =	sst s7  }
0x10: {  	[smem:$0x3FB2] =	sst s8  }
0x11: {  	[smem:$0x3FB3] =	sst s9;
	s0 =	simm.s32 @!p0 $0x0  }
0x12: {  	s1 =	sld [smem:$0x3F99];
	s0 =	simm.s32 @p0 $0x1  }
0x13: {  	[smem:$0x3FB4] =	sst s0;
	s0 =	simm.s32 @!p1 $0x0  }
0x14: {  	s2 =	sld [smem:$0x3F98];
	s0 =	simm.s32 @p1 $0x1  }
0x15: {  	[smem:$0x3FB5] =	sst s0;
	s0 =	simm.s32 @!p2 $0x0  }
0x16: {  	s3 =	sld [smem:$0x3FDB];
	s0 =	simm.s32 @p2 $0x1  }
0x17: {  	s4 =	simm.s32 $0x1BF5;
	[smem:$0x3FB7] =	sst s0  }
0x18: {  	s0 =	sld [smem:$0x3F9A];
	_ =	swait.ge [sflag:s4], $0x0  }
0x19: {  	s7 =	sld [smem:$0x3F9B]  }
0x1a: {  	s8 =	sadd.s32 $0xFFFFE003, lr  }
0x1b: {  	s9 =	sadd.s32 $0xFFFFFEF7, lr;
	s5 =	simm.s32 $0xFFFFFFFF;
	p2 =	slt.u32 s8, $0xFFFFF086  }
0x1c: {  	p1 =	slt.u32 s9, $0xF7A;
	s5 =	simm.s32 @!p2 $0x0  }
0x1d: {  	s5 =	simm.s32 @p1 $0x1;
	p0 =	seq.s32 s7, s2  }
0x1e: {  	s7 =	smul.u32 @!p0 $0xF7A, s2;
	p2 =	seq.s32 @!p0 s5, $0x0  }
0x1f: {  	s9 =	smul.u32 $0xF7A, s1;
	s8 =	simm.s32 @!p0 $0x1BF5;
	p2 =	por !p2, p0  }
0x20: {  	[sflag:s8] =	ssyncset.s32 @!p0 $0xFFFFF086;
	s6 =	sadd.s32 @!p0 s3, s7;
	s7 =	simm.s32 @!p0 $0x108  }
0x21: {  	s3 =	sadd.s32 s3, s9;
	s6 =	sadd.s32 @!p0 $0x88, s6;
	s7 =	simm.s32 @p2 $0x1082  }
0x22: {  	[simem:s7], [sflag:s8] =	dma.local @!p0 [hbm:s6], $0xF7A  }
0x23: {  	s9 =	sor.u32 $0xD0000000, s2;
	s6 =	simm.s32 $0x108;
	_ =	swait.ge @!p0 [sflag:s8], $0x0  }
0x24: {  	s3 =	sadd.s32 $0x88, s3;
	s6 =	simm.s32 @!p1 $0x1082;
	[sflag:s4] =	ssyncset.s32 $0xFFFFF086  }
0x25: {  	[simem:s6], [sflag:s4] =	dma.local [hbm:s3], $0xF7A  }
0x26: {  	[smem:$0x3F9B] =	sst s1;
	(tag) =	ssettag s2;
	_ =	strace s9  }
0x27: {  	s1 =	sld [smem:$0x3FAB]  }
0x28: {  	s2 =	sld [smem:$0x3FAC]  }
0x29: {  	s4 =	sld [smem:$0x3FAE]  }
0x2a: {  	p0 =	seq.s32 s5, $0x0;
	s5 =	sld [smem:$0x3FAF]  }
0x2b: {  	s6 =	sld [smem:$0x3FB0]  }
0x2c: {  	s7 =	sld [smem:$0x3FB1]  }
0x2d: {  	s3 =	simm.s32 $0x108;
	s8 =	sld [smem:$0x3FB2]  }
0x2e: {  	s3 =	simm.s32 @!p0 $0x1082;
	s9 =	sld [smem:$0x3FB3]  }
0x2f: {  	lr =	sadd.s32 s0, s3;
	s0 =	sld [smem:$0x3FAA]  }
0x30: {  	s3 =	sld [smem:$0x3FAD]  }
0x31: {  	[smem:$0x3FB6] =	sst s10  }
0x32: {  	s10 =	sld [smem:$0x3FB4];
	_ =	sdelay $0x3  }
0x33: {  	p0 =	seq.s32 s10, $0x1;
	s10 =	sld [smem:$0x3FB6];
	_ =	sdelay $0x3  }
0x34: {  	[smem:$0x3FB6] =	sst s10  }
0x35: {  	s10 =	sld [smem:$0x3FB5];
	_ =	sdelay $0x3  }
0x36: {  	p1 =	seq.s32 s10, $0x1;
	s10 =	sld [smem:$0x3FB6];
	_ =	sdelay $0x3  }
0x37: {  	[smem:$0x3FB6] =	sst s10  }
0x38: {  	s10 =	sld [smem:$0x3FB7]  }
0x39: {  	_ = 	snop;
	(pc) =	sbr.ind lr, $3  }
0x3a: {  	_ = 	snop  }
0x3b: {  	_ = 	snop  }
0x3c: {  	p2 =	seq.s32 s10, $0x1;
	s10 =	sld [smem:$0x3FB6]  }
0x3d: {  	_ =	shalt  }
0x3e: {  	_ =	shalt  }
0x3f: {  	_ =	shalt  }
0x40: {  	_ =	shalt  }
0x41: {  	_ =	shalt  }
0x42: {  	_ =	shalt  }
0x43: {  	_ =	shalt  }
0x44: {  	_ =	shalt  }
0x45: {  	_ =	shalt  }
0x46: {  	_ =	shalt  }
0x47: {  	_ =	shalt  }
0x48: {  	_ =	shalt  }
0x49: {  	_ =	shalt  }
0x4a: {  	_ =	shalt  }
0x4b: {  	_ =	shalt  }
0x4c: {  	_ =	shalt  }
0x4d: {  	_ =	shalt  }
0x4e: {  	_ =	shalt  }
0x4f: {  	_ =	shalt  }
0x50: {  	_ =	shalt  }
0x51: {  	_ =	shalt  }
0x52: {  	_ =	shalt  }
0x53: {  	_ =	shalt  }
0x54: {  	_ =	shalt  }
0x55: {  	_ =	shalt  }
0x56: {  	_ =	shalt  }
0x57: {  	_ =	shalt  }
0x58: {  	_ =	shalt  }
0x59: {  	_ =	shalt  }
0x5a: {  	_ =	shalt  }
0x5b: {  	_ =	shalt  }
0x5c: {  	_ =	shalt  }
0x5d: {  	_ =	shalt  }
0x5e: {  	_ =	shalt  }
0x5f: {  	_ =	shalt  }
0x60: {  	_ =	shalt  }
0x61: {  	_ =	shalt  }
0x62: {  	_ =	shalt  }
0x63: {  	_ =	shalt  }
0x64: {  	_ =	shalt  }
0x65: {  	_ =	shalt  }
0x66: {  	_ =	shalt  }
0x67: {  	_ =	shalt  }
0x68: {  	_ =	shalt  }
0x69: {  	_ =	shalt  }
0x6a: {  	_ =	shalt  }
0x6b: {  	_ =	shalt  }
0x6c: {  	_ =	shalt  }
0x6d: {  	_ =	shalt  }
0x6e: {  	_ =	shalt  }
0x6f: {  	_ =	shalt  }
0x70: {  	_ =	shalt  }
0x71: {  	_ =	shalt  }
0x72: {  	_ =	shalt  }
0x73: {  	_ =	shalt  }
0x74: {  	_ =	shalt  }
0x75: {  	_ =	shalt  }
0x76: {  	_ =	shalt  }
0x77: {  	_ =	shalt  }
0x78: {  	_ =	shalt  }
0x79: {  	_ =	shalt  }
0x7a: {  	_ =	shalt  }
0x7b: {  	_ =	shalt  }
0x7c: {  	_ =	shalt  }
0x7d: {  	_ =	shalt  }
0x7e: {  	_ =	shalt  }
0x7f: {  	_ =	shalt  }
0x80: {  	_ =	shalt  }
0x81: {  	_ =	shalt  }
0x82: {  	_ =	shalt  }
0x83: {  	_ =	shalt  }
0x84: {  	_ =	shalt  }
0x85: {  	_ =	shalt  }
0x86: {  	_ =	shalt  }
0x87: {  	_ =	shalt  }
.Lfunc_end0:
.L_simem_size_0:
called_computation.1_lowered:
.L_overlay_start_0:
0x88: {  	s2 =	sld [smem:$0x3FD9]  }
0x89: {  	s3 =	sld [smem:$0x3FFE];
	_ =	sdelay $0x1  }
0x8a: {  	s1 =	srdreg.scid  }
0x8b: {  	s0 =	sand.u32 $0x1, s1  }
0x8c: {  	s16 =	sshll.u32 s0, $0xA;
	s2 =	sadd.s32 s3, s2  }
0x8d: {  	s2 =	sadd.s32 s2, s16  }
0x8e: {  	[smem:$0x3FC2] =	sst s2  }
0x8f: {  	_ = 	snop  }
0x90: {  	(tm) =	ssettm $0x1  }
0x91: {  	s17 =	sld [smem:$0x3FFB];
	_ =	sdelay $0x3  }
0x92: {  	_ =	strace s17  }
0x93: {  	s2 =	sld [smem:$0x3FFC];
	_ =	sdelay $0x3  }
0x94: {  	_ =	strace s2  }
0x95: {  	s2 =	sld [smem:$0x3FFD];
	_ =	sdelay $0x3  }
0x96: {  	_ =	strace s2  }
0x97: {  	_ =	strace $0x8FFFFFFF  }
0x98: {  	s18 =	sld [smem:$0x3FDB];
	_ =	sdelay $0x1  }
0x99: {  	s19 =	simm.s32 $_scs_section_size  }
0x9a: {  	s4 =	simm.s32 $_size__tile_overlayer_lowered;
	s5 =	simm.s32 $_tile_overlayer_lowered  }
0x9b: {  	s22 =	simm.s32 $0x1BFF;
	s21 =	sshll.u32 s5, $0x1;
	s2 =	sadd.s32 s19, s18  }
0x9c: {  	s6 =	simm.s32 $0x0;
	s20 =	sshll.u32 s4, $0x1;
	s4 =	sadd.s32 s21, s2  }
0x9d: {  	[timem:s6], [sflag:s22] =	dma.local [hbm:s4], s20  }
0x9e: {  	_ =	swait.ge [sflag:s22], s20  }
0x9f: {  	s3 =	ssub.s32 $0x0, s20;
	[sflag:s22] =	ssyncset.done $0x0  }
0xa0: {  	[sflag:s22] =	ssyncadd.s32 s3;
	_ =	sdelay $0x1  }
0xa1: {  	s23 =	simm.s32 $0x1B8B  }
0xa2: {  	_ =	swait.ge [sflag:s23], $0x1  }
0xa3: {  	[sflag:s23] =	ssyncset.done $0x0  }
0xa4: {  	s25 =	simm.s32 $0x1B8E;
	s24 =	sld [smem:$0x3FFE];
	[sflag:s23] =	ssyncadd.s32 $0xFFFFFFFF  }
0xa5: {  	s26 =	simm.s32 $execute0_lowered;
	[smem:$0x3FD2] =	sst s25  }
0xa6: {  	s4 =	sshll.u32 s26, $0x1;
	_ =	strace $0x80000049;
	[dreg:$0x1] =	wrdreg $0xFFFFFFFF  }
0xa7: {  	s28 =	simm.s32 $_size_execute0_lowered;
	s2 =	sadd.s32 s2, s4;
	[dreg:$0x0] =	wrdreg $0x0  }
0xa8: {  	s4 =	sshll.u32 s28, $0x1;
	[dreg:$0x2] =	wrdreg s2  }
0xa9: {  	[dreg:$0x3] =	wrdreg s4  }
0xaa: {  	[dreg:$0x4] =	wrdreg $0xC0  }
0xab: {  	_ =	task [dreg:s6], $0x5FFFF  }
0xac: {  	[dreg:$0x1] =	wrdreg $0xFFFFFFFF  }
0xad: {  	[dreg:$0x0] =	wrdreg $0x60  }
0xae: {  	[dreg:$0x2] =	wrdreg s24  }
0xaf: {  	[dreg:$0x3] =	wrdreg $0xB8000  }
0xb0: {  	[dreg:$0x4] =	wrdreg $0x9  }
0xb1: {  	_ =	task.clear_ibuf [dreg:s6], $0x5FFFF;
	_ =	strace $0x90000049  }
0xb2: {  	s29 =	simm.s32 $0x9;
	_ =	strace $0x8000004B  }
0xb3: {  	_ =	swait.ge [sflag:s29], $0x1  }
0xb4: {  	[sflag:s29] =	ssyncadd.s32 $0xFFFFFFFF  }
0xb5: {  	_ =	strace $0x9000004B  }
0xb6: {  	_ =	sfence  }
0xb7: {  	s30 =	sld [smem:$0x0];
	_ =	sdelay $0x2  }
0xb8: {  	s31 =	sshll.u32 s1, $0xD;
	s1 =	sshrl.u32 s1, $0x2  }
0xb9: {  	s3 =	sand.u32 $0x4000, s31;
	s1 =	sadd.s32 s1, s30  }
0xba: {  	s0 =	sor.u32 s3, s0;
	s1 =	sshll.u32 s1, $0x11  }
0xbb: {  	s0 =	sor.u32 s1, s0  }
0xbc: {  	s0 =	sadd.s32 $0x8F2B, s0  }
0xbd: {  	[sflag:s0] =	ssyncadd.remote.s32 $0x1  }
0xbe: {  	_ =	sfence.sel $0xFFFF  }
0xbf: {  	[dreg:$0x0] =	wrdreg $0xFFFFFFFF;
	(pc) =	sbr.abs _section_cstart, $3  }
0xc0: {  	[dreg:$0x1] =	wrdreg $0xFFFFFFFF  }
0xc1: {  	_ =	task.clear_ibuf [dreg:s6], $0x2FFFF;
	_ =	strace $0x9FFFFFFF  }
0xc2: {  	(tm) =	ssettm $0x7FFFFFFF  }
0xc3: {  	_ =	shalt  }
tec
execute0_lowered:
.L_overlay_start_1:
0x0: {  	(tag) =	ssettag $0x1  }
0x1: {  	s0 =	rddreg [dreg:$0x0]  }
0x2: {  	s1 =	rddreg [dreg:$0x1]  }
0x3: {  	s2 =	srdreg.scid;
	s3 =	simm.s32 $0x0;
	s12 =	stileid.u32  }
0x4: {  	s2 =	sand.u32 $0x1, s2;
	[smem:$0x7FF] =	sst s3;
	s9 =	smul.u32 $0x50000, s12  }
0x5: {  	s6 =	sadd.s32 $0x6C00, s0;
	s10 =	sadd.s32 $0x5BC00, s0;
	s11 =	smul.u32 $0x14000, s12  }
0x6: {  	s17 =	sadd.s32 $0x97C00, s0;
	s18 =	sadd.s32 $0xBFC00, s0;
	s23 =	smul.u32 $0x2800, s12  }
0x7: {  	s4 =	sshll.u32 s2, $0x4;
	_ =	strace $0x8000004A;
	[dreg:$0x3] =	wrdreg s10  }
0x8: {  	[dreg:$0x4] =	wrdreg s17;
	s4 =	sor.u32 s12, s4;
	s12 =	smul.u32 $0x500, s12  }
0x9: {  	s7 =	sadd.s32 $0x1C00, s0;
	[dreg:$0x5] =	wrdreg s18;
	s8 =	smul.u32 $0x500, s4  }
0xa: {  	s20 =	sshrl.u32 s9, $0x2;
	s14 =	sadd.s32 s6, s12;
	s12 =	sadd.s32 s7, s12  }
0xb: {  	s10 =	sadd.s32 s8, s0;
	s8 =	sadd.s32 s20, s1;
	[dreg:$0xd] =	wrdreg s14  }
0xc: {  	[dreg:$0xe] =	wrdreg s12;
	s22 =	sadd.s32 $0x1000, s8  }
0xd: {  	s13 =	sadd.s32 $0x2000, s8;
	[dreg:$0x6] =	wrdreg s22  }
0xe: {  	s28 =	simm.s32 $0x6;
	s24 =	sadd.s32 $0x3000, s8;
	[dreg:$0x7] =	wrdreg s13  }
0xf: {  	s29 =	simm.s32 $0x0;
	s25 =	sadd.s32 $0x4000, s8;
	[dreg:$0x8] =	wrdreg s24  }
0x10: {  	s5 =	sadd.s32 $0xBC00, s0;
	s26 =	sadd.s32 $0x5000, s8;
	[dreg:$0x9] =	wrdreg s25  }
0x11: {  	s19 =	ssub.s32 $0x2, s2;
	s30 =	sadd.s32 $0x6000, s8;
	[dreg:$0xa] =	wrdreg s26  }
0x12: {  	p0 =	sne.s32 s2, $0x0;
	s31 =	sadd.s32 $0x7000, s8;
	[dreg:$0xb] =	wrdreg s30  }
0x13: {  	s21 =	sshrl.u32 s19, $0x1;
	s15 =	sadd.s32 $0x8000, s8;
	[dreg:$0xc] =	wrdreg s31  }
0x14: {  	s4 =	sadd.s32 $0x33C00, s0;
	s16 =	sadd.s32 $0x9000, s8;
	[dreg:$0x11] =	wrdreg s15  }
0x15: {  	s9 =	ssub.s32 s19, s21;
	s17 =	sadd.s32 $0xA000, s8;
	[dreg:$0x12] =	wrdreg s16  }
0x16: {  	s0 =	sshrl.u32 s23, $0x3;
	s18 =	sadd.s32 $0xB000, s8;
	[dreg:$0x13] =	wrdreg s17  }
0x17: {  	s14 =	simm.s32 $0x3800;
	s19 =	sadd.s32 $0xC000, s8;
	[dreg:$0x14] =	wrdreg s18  }
0x18: {  	s0 =	sadd.s32 $0x280, s0;
	s20 =	sadd.s32 $0xD000, s8;
	[dreg:$0x15] =	wrdreg s19  }
0x19: {  	s21 =	sadd.s32 $0xE000, s8;
	s23 =	sadd.s32 $0x10000, s8;
	[dreg:$0x16] =	wrdreg s20  }
0x1a: {  	s6 =	sadd.s32 s6, s0;
	s0 =	sadd.s32 s7, s0;
	[dreg:$0x17] =	wrdreg s21  }
0x1b: {  	s22 =	sadd.s32 $0xF000, s8;
	[dreg:$0x19] =	wrdreg s23;
	s24 =	sadd.s32 $0x11000, s8  }
0x1c: {  	s25 =	sadd.s32 $0x12000, s8;
	s26 =	sadd.s32 $0x13000, s8;
	[dreg:$0xf] =	wrdreg s6  }
0x1d: {  	s7 =	sadd.s32 s11, s1;
	s30 =	sshrl.u32 s11, $0x3;
	[dreg:$0x10] =	wrdreg s0  }
0x1e: {  	s31 =	sadd.s32 $0x5C200, s10;
	s10 =	simm.s32 $0x9;
	[dreg:$0x18] =	wrdreg s22  }
0x1f: {  	s11 =	simm.s32 $0x2800;
	s13 =	simm.s32 $0x20;
	[dreg:$0x1a] =	wrdreg s24  }
0x20: {  	s16 =	simm.s32 $0x4800;
	s17 =	simm.s32 $0x60;
	[dreg:$0x1b] =	wrdreg s25  }
.Ltmp0:
0x21: {  	s18 =	simm.s32 $0x5800;
	[dreg:$0x1c] =	wrdreg s26;
	(pc) =	sbr.rel .LBB2_1-.Ltmp0, $4  }
0x22: {  	s19 =	simm.s32 $0x1;
	s20 =	simm.s32 $0x9000;
	[dreg:$0x1d] =	wrdreg s30  }
0x23: {  	s21 =	simm.s32 $0x5;
	s23 =	simm.s32 $0x7;
	[dreg:$0x1e] =	wrdreg s31  }
0x24: {  	s6 =	smax.u32 s9, $0x1;
	s9 =	simm.s32 $0x6800;
	s22 =	simm.s32 $0x3  }
0x25: {  	v0 =	vimm.f32 $0.0e+00;
	s24 =	simm.s32 $0x4;
	s25 =	simm.s32 $0x8;
	s26 =	simm.s32 $0x2  }
.LBB2_19:
0x26: {  	_ =	swait.ge [sflag:s24], $0x1000  }
0x27: {  	[sflag:s24] =	ssyncset.done $0x0  }
0x28: {  	s0 =	simm.s32 $0x27E0;
	[sflag:s24] =	ssyncadd.s32 $0xFFFFF000  }
0x29: {  	[spmem:s1] =	stream.indirect.scatter.add.f32 [tilespmem:s18], [sflag:$0x8], $0x80, s0, s13, $0xb8;
	[tilespmem:$0x1F800] =	vst v63  }
0x2a: {  	_ =	swait.ge [sflag:s25], $0x1000  }
0x2b: {  	[sflag:s25] =	ssyncset.done $0x0  }
0x2c: {  	s12 =	rddreg [dreg:$0x4];
	[sflag:s25] =	ssyncadd.s32 $0xFFFFF000  }
.LBB2_20:
0x2d: {  	s2 =	stileid.u32  }
0x2e: {  	s0 =	rddreg [dreg:$0x1d];
	[bflag:$0x0] =	sbarrier.arrive $0xFFFF;
	s2 =	sshll.u32 s2, $0x6  }
0x2f: {  	s8 =	sshrl.u32 s7, $0x3;
	s0 =	sadd.s32 s12, s0;
	s2 =	sor.u32 $0x1C09, s2  }
0x30: {  	[hbm:s0], [sflag:s2] =	dma.local [spmem:s8], $0x2800  }
0x31: {  	s29 =	sadd.s32 $0x1, s29;
	_ =	swait.ge [sflag:s10], $0x2800  }
0x32: {  	p1 =	sne.s32 s29, s6;
	[sflag:s10] =	ssyncset.done $0x0  }
.Ltmp1:
0x33: {  	s31 =	rddreg [dreg:$0x1e];
	[sflag:s10] =	ssyncadd.s32 $0xFFFFD800;
	(pc) =	sbr.rel @!p1 .LBB2_21-.Ltmp1, $4  }
0x34: {  	[hbm4b:s31+s3] =	stream.linear.scatter [tilespmem:s20], [sflag:$0x9], $0x2800, $0x38;
	[tilespmem:$0x1F800] =	vst v63  }
0x35: {  	_ =	swait.ge [sflag:s10], $0x2800  }
0x36: {  	[sflag:s10] =	ssyncset.done $0x0  }
0x37: {  	[sflag:s10] =	ssyncadd.s32 $0xFFFFD800  }
.LBB2_1:
0x38: {  	s12 =	simm.s32 $0x40;
	s30 =	simm.s32 $0x0  }
.LBB2_2:
0x39: {  	p1 =	sne.s32 s12, $0x9FC0;
	[tilespmem:s30+$0x9000] =	vst v0;
	s30 =	smov.u32 s12;
	s12 =	sadd.s32 $0x40, s12  }
.Ltmp2:
0x3a: {  	(pc) =	sbr.rel @p1 .LBB2_2-.Ltmp2, $2  }
0x3b: {  	_ =	sdelay $0x2  }
0x3c: {  	s30 =	sshra.s32 s30, $0x2  }
0x3d: {  	[tilespmem:s30+$0x9000] =	vst v0;
	s12 =	simm.s32 $0x0;
	s0 =	rddreg [dreg:$0x3]  }
0x3e: {  	[tilespmem:s9], [sflag:$0x9] =	stream.linear.gather [hbm4b:s0+s12], $0x2800, $0x38;
	[tilespmem:$0x1F800] =	vst v63  }
0x3f: {  	_ =	swait.ge [sflag:s10], $0x2800  }
0x40: {  	[sflag:s10] =	ssyncset.done $0x0  }
0x41: {  	s30 =	simm.s32 $0x200;
	s12 =	simm.s32 $0x0;
	[sflag:s10] =	ssyncadd.s32 $0xFFFFD800  }
.LBB2_4:
0x42: {  	p1 =	sne.s32 s30, $0x3E00;
	[tilespmem:s12+$0x2870] =	vst v0  }
0x43: {  	[tilespmem:s12+$0x2800] =	vst v0  }
0x44: {  	[tilespmem:s12+$0x2810] =	vst v0  }
.Ltmp3:
0x45: {  	[tilespmem:s12+$0x2820] =	vst v0;
	(pc) =	sbr.rel @p1 .LBB2_4-.Ltmp3, $4  }
0x46: {  	[tilespmem:s12+$0x2830] =	vst v0  }
0x47: {  	[tilespmem:s12+$0x2840] =	vst v0  }
0x48: {  	[tilespmem:s12+$0x2850] =	vst v0  }
0x49: {  	[tilespmem:s12+$0x2860] =	vst v0;
	s12 =	sshra.s32 s30, $0x2;
	s30 =	sadd.s32 $0x200, s30  }
0x4a: {  	[tilespmem:s12+$0x2870] =	vst v0  }
0x4b: {  	[tilespmem:s12+$0x2800] =	vst v0  }
0x4c: {  	[tilespmem:s12+$0x2810] =	vst v0  }
0x4d: {  	[tilespmem:s12+$0x2820] =	vst v0  }
0x4e: {  	[tilespmem:s12+$0x2830] =	vst v0  }
0x4f: {  	[tilespmem:s12+$0x2840] =	vst v0  }
0x50: {  	[tilespmem:s12+$0x2850] =	vst v0  }
0x51: {  	[tilespmem:s12+$0x2860] =	vst v0  }
0x52: {  	[spmem:s7] =	stream.linear.scatter [tilespmem:s11], [sflag:$0x9], $0x1000, $0x38;
	[tilespmem:$0x1F800] =	vst v63  }
0x53: {  	_ =	swait.ge [sflag:s10], $0x1000  }
0x54: {  	[sflag:s10] =	ssyncset.done $0x0  }
0x55: {  	s0 =	rddreg [dreg:$0x6];
	[sflag:s10] =	ssyncadd.s32 $0xFFFFF000  }
0x56: {  	[spmem:s0] =	stream.linear.scatter [tilespmem:s11], [sflag:$0x9], $0x1000, $0x38;
	[tilespmem:$0x1F800] =	vst v63  }
0x57: {  	_ =	swait.ge [sflag:s10], $0x1000  }
0x58: {  	[sflag:s10] =	ssyncset.done $0x0  }
0x59: {  	s2 =	rddreg [dreg:$0x7];
	[sflag:s10] =	ssyncadd.s32 $0xFFFFF000  }
0x5a: {  	[spmem:s2] =	stream.linear.scatter [tilespmem:s11], [sflag:$0x9], $0x1000, $0x38;
	[tilespmem:$0x1F800] =	vst v63  }
0x5b: {  	_ =	swait.ge [sflag:s10], $0x1000  }
0x5c: {  	[sflag:s10] =	ssyncset.done $0x0  }
0x5d: {  	s8 =	rddreg [dreg:$0x8];
	[sflag:s10] =	ssyncadd.s32 $0xFFFFF000  }
0x5e: {  	[spmem:s8] =	stream.linear.scatter [tilespmem:s11], [sflag:$0x9], $0x1000, $0x38;
	[tilespmem:$0x1F800] =	vst v63  }
0x5f: {  	_ =	swait.ge [sflag:s10], $0x1000  }
0x60: {  	[sflag:s10] =	ssyncset.done $0x0  }
0x61: {  	s12 =	rddreg [dreg:$0x9];
	[sflag:s10] =	ssyncadd.s32 $0xFFFFF000  }
0x62: {  	[spmem:s12] =	stream.linear.scatter [tilespmem:s11], [sflag:$0x9], $0x1000, $0x38;
	[tilespmem:$0x1F800] =	vst v63  }
0x63: {  	_ =	swait.ge [sflag:s10], $0x1000  }
0x64: {  	[sflag:s10] =	ssyncset.done $0x0  }
0x65: {  	s15 =	rddreg [dreg:$0xa];
	[sflag:s10] =	ssyncadd.s32 $0xFFFFF000  }
0x66: {  	[spmem:s15] =	stream.linear.scatter [tilespmem:s11], [sflag:$0x9], $0x1000, $0x38;
	[tilespmem:$0x1F800] =	vst v63  }
0x67: {  	_ =	swait.ge [sflag:s10], $0x1000  }
0x68: {  	[sflag:s10] =	ssyncset.done $0x0  }
0x69: {  	s31 =	rddreg [dreg:$0xb];
	[sflag:s10] =	ssyncadd.s32 $0xFFFFF000  }
0x6a: {  	[spmem:s31] =	stream.linear.scatter [tilespmem:s11], [sflag:$0x9], $0x1000, $0x38;
	[tilespmem:$0x1F800] =	vst v63  }
0x6b: {  	_ =	swait.ge [sflag:s10], $0x1000  }
0x6c: {  	[sflag:s10] =	ssyncset.done $0x0  }
0x6d: {  	s2 =	rddreg [dreg:$0xc];
	[sflag:s10] =	ssyncadd.s32 $0xFFFFF000  }
0x6e: {  	[spmem:s2] =	stream.linear.scatter [tilespmem:s11], [sflag:$0x9], $0x1000, $0x38;
	[tilespmem:$0x1F800] =	vst v63  }
0x6f: {  	_ =	swait.ge [sflag:s10], $0x1000  }
0x70: {  	[sflag:s10] =	ssyncset.done $0x0  }
0x71: {  	s8 =	rddreg [dreg:$0x11];
	[sflag:s10] =	ssyncadd.s32 $0xFFFFF000  }
0x72: {  	[spmem:s8] =	stream.linear.scatter [tilespmem:s11], [sflag:$0x9], $0x1000, $0x38;
	[tilespmem:$0x1F800] =	vst v63  }
0x73: {  	_ =	swait.ge [sflag:s10], $0x1000  }
0x74: {  	[sflag:s10] =	ssyncset.done $0x0  }
0x75: {  	s12 =	rddreg [dreg:$0x12];
	[sflag:s10] =	ssyncadd.s32 $0xFFFFF000  }
0x76: {  	[spmem:s12] =	stream.linear.scatter [tilespmem:s11], [sflag:$0x9], $0x1000, $0x38;
	[tilespmem:$0x1F800] =	vst v63  }
0x77: {  	_ =	swait.ge [sflag:s10], $0x1000  }
0x78: {  	[sflag:s10] =	ssyncset.done $0x0  }
0x79: {  	s15 =	rddreg [dreg:$0x13];
	[sflag:s10] =	ssyncadd.s32 $0xFFFFF000  }
0x7a: {  	[spmem:s15] =	stream.linear.scatter [tilespmem:s11], [sflag:$0x9], $0x1000, $0x38;
	[tilespmem:$0x1F800] =	vst v63  }
0x7b: {  	_ =	swait.ge [sflag:s10], $0x1000  }
0x7c: {  	[sflag:s10] =	ssyncset.done $0x0  }
0x7d: {  	s31 =	rddreg [dreg:$0x14];
	[sflag:s10] =	ssyncadd.s32 $0xFFFFF000  }
0x7e: {  	[spmem:s31] =	stream.linear.scatter [tilespmem:s11], [sflag:$0x9], $0x1000, $0x38;
	[tilespmem:$0x1F800] =	vst v63  }
0x7f: {  	_ =	swait.ge [sflag:s10], $0x1000  }
0x80: {  	[sflag:s10] =	ssyncset.done $0x0  }
0x81: {  	s2 =	rddreg [dreg:$0x15];
	[sflag:s10] =	ssyncadd.s32 $0xFFFFF000  }
0x82: {  	[spmem:s2] =	stream.linear.scatter [tilespmem:s11], [sflag:$0x9], $0x1000, $0x38;
	[tilespmem:$0x1F800] =	vst v63  }
0x83: {  	_ =	swait.ge [sflag:s10], $0x1000  }
0x84: {  	[sflag:s10] =	ssyncset.done $0x0  }
0x85: {  	s8 =	rddreg [dreg:$0x16];
	[sflag:s10] =	ssyncadd.s32 $0xFFFFF000  }
0x86: {  	[spmem:s8] =	stream.linear.scatter [tilespmem:s11], [sflag:$0x9], $0x1000, $0x38;
	[tilespmem:$0x1F800] =	vst v63  }
0x87: {  	_ =	swait.ge [sflag:s10], $0x1000  }
0x88: {  	[sflag:s10] =	ssyncset.done $0x0  }
0x89: {  	s12 =	rddreg [dreg:$0x17];
	[sflag:s10] =	ssyncadd.s32 $0xFFFFF000  }
0x8a: {  	[spmem:s12] =	stream.linear.scatter [tilespmem:s11], [sflag:$0x9], $0x1000, $0x38;
	[tilespmem:$0x1F800] =	vst v63  }
0x8b: {  	_ =	swait.ge [sflag:s10], $0x1000  }
0x8c: {  	[sflag:s10] =	ssyncset.done $0x0  }
0x8d: {  	s15 =	rddreg [dreg:$0x18];
	[sflag:s10] =	ssyncadd.s32 $0xFFFFF000  }
0x8e: {  	[spmem:s15] =	stream.linear.scatter [tilespmem:s11], [sflag:$0x9], $0x1000, $0x38;
	[tilespmem:$0x1F800] =	vst v63  }
0x8f: {  	_ =	swait.ge [sflag:s10], $0x1000  }
0x90: {  	[sflag:s10] =	ssyncset.done $0x0  }
0x91: {  	s31 =	rddreg [dreg:$0x19];
	[sflag:s10] =	ssyncadd.s32 $0xFFFFF000  }
0x92: {  	[spmem:s31] =	stream.linear.scatter [tilespmem:s11], [sflag:$0x9], $0x1000, $0x38;
	[tilespmem:$0x1F800] =	vst v63  }
0x93: {  	_ =	swait.ge [sflag:s10], $0x1000  }
0x94: {  	[sflag:s10] =	ssyncset.done $0x0  }
0x95: {  	s2 =	rddreg [dreg:$0x1a];
	[sflag:s10] =	ssyncadd.s32 $0xFFFFF000  }
0x96: {  	[spmem:s2] =	stream.linear.scatter [tilespmem:s11], [sflag:$0x9], $0x1000, $0x38;
	[tilespmem:$0x1F800] =	vst v63  }
0x97: {  	_ =	swait.ge [sflag:s10], $0x1000  }
0x98: {  	[sflag:s10] =	ssyncset.done $0x0  }
0x99: {  	s8 =	rddreg [dreg:$0x1b];
	[sflag:s10] =	ssyncadd.s32 $0xFFFFF000  }
0x9a: {  	[spmem:s8] =	stream.linear.scatter [tilespmem:s11], [sflag:$0x9], $0x1000, $0x38;
	[tilespmem:$0x1F800] =	vst v63  }
0x9b: {  	_ =	swait.ge [sflag:s10], $0x1000  }
0x9c: {  	[sflag:s10] =	ssyncset.done $0x0  }
0x9d: {  	s12 =	rddreg [dreg:$0x1c];
	[sflag:s10] =	ssyncadd.s32 $0xFFFFF000  }
0x9e: {  	[spmem:s12] =	stream.linear.scatter [tilespmem:s11], [sflag:$0x9], $0x1000, $0x38;
	[tilespmem:$0x1F800] =	vst v63  }
0x9f: {  	_ =	swait.ge [sflag:s10], $0x1000  }
0xa0: {  	[sflag:s10] =	ssyncset.done $0x0  }
0xa1: {  	[sflag:s10] =	ssyncadd.s32 $0xFFFFF000  }
0xa2: {  	[bflag:$0x0] =	sbarrier.arrive $0xFFFF  }
0xa3: {  	s15 =	rddreg [dreg:$0xd]  }
0xa4: {  	[tilespmem:s3], [sflag:$0x9] =	stream.linear.gather [hbm4b:s15+s3], $0x1400, $0x38;
	[tilespmem:$0x1F800] =	vst v63  }
0xa5: {  	_ =	swait.ge [sflag:s10], $0x1400  }
0xa6: {  	s2 =	simm.s32 $0x1400;
	[sflag:s10] =	ssyncset.done $0x0  }
.Ltmp4:
0xa7: {  	s31 =	rddreg [dreg:$0xe];
	[sflag:s10] =	ssyncadd.s32 $0xFFFFEC00;
	(pc) =	sbr.rel @p0 .LBB2_12-.Ltmp4, $4  }
0xa8: {  	[tilespmem:s2], [sflag:$0x9] =	stream.linear.gather [hbm4b:s31+s3], $0x1400, $0x38;
	[tilespmem:$0x1F800] =	vst v63  }
0xa9: {  	_ =	swait.ge [sflag:s10], $0x1400  }
0xaa: {  	[sflag:s10] =	ssyncset.done $0x0  }
0xab: {  	s30 =	simm.s32 $0x0;
	[sflag:s10] =	ssyncadd.s32 $0xFFFFEC00  }
0xac: {  	[tilespmem:s11], [sflag:$0x1] =	stream.indirect.gather [hbm4b:s4+s13], $0x80, s30, s13, $0xb8;
	[tilespmem:$0x1F800] =	vst v63  }
0xad: {  	_ = 	snop  }
0xae: {  	[tilespmem:s14], [sflag:$0x2] =	stream.indirect.gather [hbm4b:s4+s13], $0x80, s13, s13, $0xb8;
	[tilespmem:$0x1F800] =	vst v63  }
0xaf: {  	s0 =	simm.s32 $0x40  }
0xb0: {  	[tilespmem:s16], [sflag:$0x3] =	stream.indirect.gather [hbm4b:s4+s13], $0x80, s0, s13, $0xb8;
	[tilespmem:$0x1F800] =	vst v63  }
0xb1: {  	_ = 	snop  }
0xb2: {  	[tilespmem:s18], [sflag:$0x4] =	stream.indirect.gather [hbm4b:s4+s13], $0x80, s17, s13, $0xb8;
	[tilespmem:$0x1F800] =	vst v63  }
.LBB2_7:
0xb3: {  	_ =	swait.ge [sflag:s19], $0x1000  }
0xb4: {  	s12 =	sshra.s32 s30, $0x2;
	[sflag:s19] =	ssyncset.done $0x0  }
0xb5: {  	s31 =	sadd.s32 $0x1400, s12;
	[sflag:s19] =	ssyncadd.s32 $0xFFFFF000  }
0xb6: {  	[spmem:s1] =	stream.indirect.scatter.add.f32 [tilespmem:s11], [sflag:$0x5], $0x80, s31, s13, $0xb8;
	[tilespmem:$0x1F800] =	vst v63  }
0xb7: {  	v1 =	vld [tilespmem:s12+$0x1400];
	_ =	sdelay $0x4  }
0xb8: {  	v2 =	vld [tilespmem:s12+$0x0];
	_ =	sdelay $0x2  }
0xb9: {  	v1 =	vld.idx.msk [tilespmem:v1+s9+$0x0], $0xffff;
	_ =	sdelay $0x4  }
0xba: {  	[tilespmem:v2+s20+$0x0] =	vst.idx.add.f32.msk $0xffff, v1  }
0xbb: {  	v1 =	vld [tilespmem:s12+$0x1410];
	_ =	sdelay $0x4  }
0xbc: {  	v2 =	vld [tilespmem:s12+$0x10];
	_ =	sdelay $0x2  }
0xbd: {  	v1 =	vld.idx.msk [tilespmem:v1+s9+$0x0], $0xffff;
	_ =	sdelay $0x4  }
0xbe: {  	[tilespmem:v2+s20+$0x0] =	vst.idx.add.f32.msk $0xffff, v1  }
0xbf: {  	_ =	swait.ge [sflag:s21], $0x1000  }
0xc0: {  	p1 =	seq.s32 s30, $0x4E00;
	[sflag:s21] =	ssyncset.done $0x0  }
0xc1: {  	s31 =	simm.s32 @p1 $0x2;
	[sflag:s21] =	ssyncadd.s32 $0xFFFFF000  }
0xc2: {  	_ =	swait.ge @p1 [sflag:s31], $0x1000  }
0xc3: {  	s0 =	simm.s32 @p1 $0x27A0;
	[sflag:s31] =	ssyncset.done @p1 $0x0  }
0xc4: {  	s15 =	simm.s32 @p1 $0x3800;
	[sflag:s31] =	ssyncadd.s32 @p1 $0xFFFFF000;
	s31 =	simm.s32 @p1 $0x20  }
0xc5: {  	[spmem:s1] =	stream.indirect.scatter.add.f32 @p1 [tilespmem:s15], [sflag:$0x6], $0x80, s0, s31, $0xb8;
	[tilespmem:$0x1F800] =	vst v63  }
0xc6: {  	s0 =	simm.s32 @p1 $0x6  }
0xc7: {  	_ =	swait.ge @p1 [sflag:s0], $0x1000  }
0xc8: {  	[sflag:s0] =	ssyncset.done @p1 $0x0  }
0xc9: {  	[sflag:s0] =	ssyncadd.s32 @p1 $0xFFFFF000;
	s0 =	sshra.s32 @!p1 s30, $0x2  }
0xca: {  	s8 =	simm.s32 @!p1 $0x2800;
	s31 =	simm.s32 @!p1 $0x20;
	s15 =	sadd.s32 @!p1 $0x80, s0  }
0xcb: {  	[tilespmem:s8], [sflag:$0x1] =	stream.indirect.gather @!p1 [hbm4b:s4+s31], $0x80, s15, s31, $0xb8;
	[tilespmem:$0x1F800] =	vst v63  }
0xcc: {  	s8 =	simm.s32 @!p1 $0x2  }
0xcd: {  	_ =	swait.ge @!p1 [sflag:s8], $0x1000  }
0xce: {  	[sflag:s8] =	ssyncset.done @!p1 $0x0  }
0xcf: {  	s15 =	simm.s32 @!p1 $0x3800;
	[sflag:s8] =	ssyncadd.s32 @!p1 $0xFFFFF000;
	s8 =	sadd.s32 @!p1 $0x1420, s0  }
0xd0: {  	[spmem:s1] =	stream.indirect.scatter.add.f32 @!p1 [tilespmem:s15], [sflag:$0x6], $0x80, s8, s31, $0xb8;
	[tilespmem:$0x1F800] =	vst v63  }
0xd1: {  	s8 =	simm.s32 @!p1 $0x6  }
0xd2: {  	_ =	swait.ge @!p1 [sflag:s8], $0x1000  }
0xd3: {  	[sflag:s8] =	ssyncset.done @!p1 $0x0  }
0xd4: {  	s0 =	sadd.s32 @!p1 $0xA0, s0;
	[sflag:s8] =	ssyncadd.s32 @!p1 $0xFFFFF000  }
0xd5: {  	[tilespmem:s15], [sflag:$0x2] =	stream.indirect.gather @!p1 [hbm4b:s4+s31], $0x80, s0, s31, $0xb8;
	[tilespmem:$0x1F800] =	vst v63  }
0xd6: {  	_ =	swait.ge [sflag:s22], $0x1000  }
0xd7: {  	[sflag:s22] =	ssyncset.done $0x0  }
0xd8: {  	s31 =	sadd.s32 $0x1440, s12;
	[sflag:s22] =	ssyncadd.s32 $0xFFFFF000  }
0xd9: {  	[spmem:s1] =	stream.indirect.scatter.add.f32 [tilespmem:s16], [sflag:$0x7], $0x80, s31, s13, $0xb8;
	[tilespmem:$0x1F800] =	vst v63  }
0xda: {  	v1 =	vld [tilespmem:s12+$0x1440];
	_ =	sdelay $0x4  }
0xdb: {  	v2 =	vld [tilespmem:s12+$0x40];
	_ =	sdelay $0x2  }
0xdc: {  	v1 =	vld.idx.msk [tilespmem:v1+s9+$0x0], $0xffff;
	_ =	sdelay $0x4  }
0xdd: {  	[tilespmem:v2+s20+$0x0] =	vst.idx.add.f32.msk $0xffff, v1  }
0xde: {  	v1 =	vld [tilespmem:s12+$0x1450];
	_ =	sdelay $0x4  }
0xdf: {  	v2 =	vld [tilespmem:s12+$0x50];
	_ =	sdelay $0x2  }
0xe0: {  	v1 =	vld.idx.msk [tilespmem:v1+s9+$0x0], $0xffff;
	_ =	sdelay $0x3  }
.Ltmp5:
0xe1: {  	_ = 	snop;
	(pc) =	sbr.rel @p1 .LBB2_9-.Ltmp5, $4  }
0xe2: {  	[tilespmem:v2+s20+$0x0] =	vst.idx.add.f32.msk $0xffff, v1  }
0xe3: {  	_ =	swait.ge [sflag:s23], $0x1000  }
0xe4: {  	[sflag:s23] =	ssyncset.done $0x0  }
0xe5: {  	[sflag:s23] =	ssyncadd.s32 $0xFFFFF000  }
0xe6: {  	s0 =	sadd.s32 $0xC0, s12  }
0xe7: {  	[tilespmem:s16], [sflag:$0x3] =	stream.indirect.gather [hbm4b:s4+s13], $0x80, s0, s13, $0xb8;
	[tilespmem:$0x1F800] =	vst v63  }
0xe8: {  	_ =	swait.ge [sflag:s24], $0x1000  }
0xe9: {  	[sflag:s24] =	ssyncset.done $0x0  }
0xea: {  	s15 =	sadd.s32 $0x1460, s12;
	[sflag:s24] =	ssyncadd.s32 $0xFFFFF000  }
0xeb: {  	[spmem:s1] =	stream.indirect.scatter.add.f32 [tilespmem:s18], [sflag:$0x8], $0x80, s15, s13, $0xb8;
	[tilespmem:$0x1F800] =	vst v63  }
.Ltmp6:
0xec: {  	_ = 	snop;
	(pc) =	sbr.rel .LBB2_7-.Ltmp6, $4  }
0xed: {  	_ =	swait.ge [sflag:s25], $0x1000  }
0xee: {  	[sflag:s25] =	ssyncset.done $0x0  }
0xef: {  	s31 =	sadd.s32 $0xE0, s12;
	s30 =	sadd.s32 $0x200, s30;
	[sflag:s25] =	ssyncadd.s32 $0xFFFFF000  }
0xf0: {  	[tilespmem:s18], [sflag:$0x4] =	stream.indirect.gather [hbm4b:s4+s13], $0x80, s31, s13, $0xb8;
	[tilespmem:$0x1F800] =	vst v63  }
.LBB2_12:
0xf1: {  	[tilespmem:s11], [sflag:$0x1] =	stream.indirect.gather [hbm4b:s5+s13], $0x80, s30, s13, $0xb8;
	[tilespmem:$0x1F800] =	vst v63  }
0xf2: {  	_ = 	snop  }
0xf3: {  	[tilespmem:s14], [sflag:$0x2] =	stream.indirect.gather [hbm4b:s5+s13], $0x80, s13, s13, $0xb8;
	[tilespmem:$0x1F800] =	vst v63  }
0xf4: {  	s0 =	simm.s32 $0x40  }
0xf5: {  	[tilespmem:s16], [sflag:$0x3] =	stream.indirect.gather [hbm4b:s5+s13], $0x80, s0, s13, $0xb8;
	[tilespmem:$0x1F800] =	vst v63  }
0xf6: {  	_ = 	snop  }
0xf7: {  	[tilespmem:s18], [sflag:$0x4] =	stream.indirect.gather [hbm4b:s5+s13], $0x80, s17, s13, $0xb8;
	[tilespmem:$0x1F800] =	vst v63  }
.LBB2_13:
0xf8: {  	_ =	swait.ge [sflag:s19], $0x1000  }
0xf9: {  	s12 =	sshra.s32 s30, $0x2;
	[sflag:s19] =	ssyncset.done $0x0  }
0xfa: {  	s0 =	sadd.s32 $0x1400, s12;
	[sflag:s19] =	ssyncadd.s32 $0xFFFFF000  }
0xfb: {  	[spmem:s1] =	stream.indirect.scatter.add.f32 [tilespmem:s11], [sflag:$0x5], $0x80, s0, s13, $0xb8;
	[tilespmem:$0x1F800] =	vst v63  }
0xfc: {  	p1 =	seq.s32 s30, $0x4E00;
	_ =	swait.ge [sflag:s21], $0x1000  }
0xfd: {  	s15 =	simm.s32 @!p1 $0x20;
	s0 =	sshra.s32 @!p1 s30, $0x2;
	[sflag:s21] =	ssyncset.done $0x0  }
0xfe: {  	s31 =	simm.s32 @!p1 $0x2800;
	s8 =	sadd.s32 @!p1 $0x80, s0;
	[sflag:s21] =	ssyncadd.s32 $0xFFFFF000  }
0xff: {  	[tilespmem:s31], [sflag:$0x1] =	stream.indirect.gather @!p1 [hbm4b:s5+s15], $0x80, s8, s15, $0xb8;
	[tilespmem:$0x1F800] =	vst v63  }
0x100: {  	_ =	swait.ge [sflag:s26], $0x1000  }
0x101: {  	[sflag:s26] =	ssyncset.done $0x0  }
0x102: {  	s2 =	sadd.s32 $0x1420, s12;
	[sflag:s26] =	ssyncadd.s32 $0xFFFFF000  }
0x103: {  	[spmem:s1] =	stream.indirect.scatter.add.f32 [tilespmem:s14], [sflag:$0x6], $0x80, s2, s13, $0xb8;
	[tilespmem:$0x1F800] =	vst v63  }
0x104: {  	v1 =	vld [tilespmem:s12+$0x1420];
	_ =	sdelay $0x4  }
0x105: {  	v2 =	vld [tilespmem:s12+$0x20];
	_ =	sdelay $0x2  }
0x106: {  	v1 =	vld.idx.msk [tilespmem:v1+s9+$0x0], $0xffff;
	_ =	sdelay $0x4  }
0x107: {  	[tilespmem:v2+s20+$0x0] =	vst.idx.add.f32.msk $0xffff, v1  }
0x108: {  	v1 =	vld [tilespmem:s12+$0x1430];
	_ =	sdelay $0x4  }
0x109: {  	v2 =	vld [tilespmem:s12+$0x30];
	_ =	sdelay $0x2  }
0x10a: {  	v1 =	vld.idx.msk [tilespmem:v1+s9+$0x0], $0xffff;
	_ =	sdelay $0x4  }
0x10b: {  	[tilespmem:v2+s20+$0x0] =	vst.idx.add.f32.msk $0xffff, v1  }
0x10c: {  	_ =	swait.ge [sflag:s28], $0x1000  }
0x10d: {  	[sflag:s28] =	ssyncset.done $0x0  }
0x10e: {  	s8 =	simm.s32 @p1 $0x3;
	[sflag:s28] =	ssyncadd.s32 $0xFFFFF000  }
0x10f: {  	_ =	swait.ge @p1 [sflag:s8], $0x1000  }
0x110: {  	[sflag:s8] =	ssyncset.done @p1 $0x0  }
0x111: {  	[sflag:s8] =	ssyncadd.s32 @p1 $0xFFFFF000;
	s8 =	sshra.s32 @p1 s30, $0x2  }
0x112: {  	s31 =	simm.s32 @p1 $0x20;
	s2 =	simm.s32 @p1 $0x4800;
	s8 =	sadd.s32 @p1 $0x1440, s8  }
0x113: {  	[spmem:s1] =	stream.indirect.scatter.add.f32 @p1 [tilespmem:s2], [sflag:$0x7], $0x80, s8, s31, $0xb8;
	[tilespmem:$0x1F800] =	vst v63  }
0x114: {  	s2 =	simm.s32 @p1 $0x7  }
0x115: {  	_ =	swait.ge @p1 [sflag:s2], $0x1000  }
0x116: {  	[sflag:s2] =	ssyncset.done @p1 $0x0  }
0x117: {  	s8 =	simm.s32 @!p1 $0x3800;
	[sflag:s2] =	ssyncadd.s32 @p1 $0xFFFFF000;
	s2 =	sadd.s32 @!p1 $0xA0, s0  }
0x118: {  	[tilespmem:s8], [sflag:$0x2] =	stream.indirect.gather @!p1 [hbm4b:s5+s15], $0x80, s2, s15, $0xb8;
	[tilespmem:$0x1F800] =	vst v63  }
0x119: {  	s2 =	simm.s32 @!p1 $0x3  }
0x11a: {  	_ =	swait.ge @!p1 [sflag:s2], $0x1000  }
0x11b: {  	[sflag:s2] =	ssyncset.done @!p1 $0x0  }
0x11c: {  	s8 =	simm.s32 @!p1 $0x4800;
	[sflag:s2] =	ssyncadd.s32 @!p1 $0xFFFFF000;
	s2 =	sadd.s32 @!p1 $0x1440, s0  }
0x11d: {  	[spmem:s1] =	stream.indirect.scatter.add.f32 @!p1 [tilespmem:s8], [sflag:$0x7], $0x80, s2, s15, $0xb8;
	[tilespmem:$0x1F800] =	vst v63  }
0x11e: {  	s2 =	simm.s32 @!p1 $0x7  }
0x11f: {  	_ =	swait.ge @!p1 [sflag:s2], $0x1000  }
0x120: {  	[sflag:s2] =	ssyncset.done @!p1 $0x0  }
0x121: {  	s0 =	sadd.s32 @!p1 $0xC0, s0;
	[sflag:s2] =	ssyncadd.s32 @!p1 $0xFFFFF000  }
0x122: {  	[tilespmem:s8], [sflag:$0x3] =	stream.indirect.gather @!p1 [hbm4b:s5+s15], $0x80, s0, s15, $0xb8;
	[tilespmem:$0x1F800] =	vst v63  }
0x123: {  	_ =	swait.ge [sflag:s24], $0x1000  }
0x124: {  	[sflag:s24] =	ssyncset.done $0x0  }
0x125: {  	s31 =	sadd.s32 $0x1460, s12;
	[sflag:s24] =	ssyncadd.s32 $0xFFFFF000  }
0x126: {  	[spmem:s1] =	stream.indirect.scatter.add.f32 [tilespmem:s18], [sflag:$0x8], $0x80, s31, s13, $0xb8;
	[tilespmem:$0x1F800] =	vst v63  }
0x127: {  	v1 =	vld [tilespmem:s12+$0x1460];
	_ =	sdelay $0x4  }
0x128: {  	v2 =	vld [tilespmem:s12+$0x60];
	_ =	sdelay $0x2  }
0x129: {  	v1 =	vld.idx.msk [tilespmem:v1+s9+$0x0], $0xffff;
	_ =	sdelay $0x4  }
0x12a: {  	[tilespmem:v2+s20+$0x0] =	vst.idx.add.f32.msk $0xffff, v1  }
0x12b: {  	v1 =	vld [tilespmem:s12+$0x1470];
	_ =	sdelay $0x4  }
0x12c: {  	v2 =	vld [tilespmem:s12+$0x70];
	_ =	sdelay $0x2  }
0x12d: {  	v1 =	vld.idx.msk [tilespmem:v1+s9+$0x0], $0xffff;
	_ =	sdelay $0x3  }
.Ltmp7:
0x12e: {  	_ = 	snop;
	(pc) =	sbr.rel @p1 .LBB2_15-.Ltmp7, $4  }
0x12f: {  	[tilespmem:v2+s20+$0x0] =	vst.idx.add.f32.msk $0xffff, v1  }
0x130: {  	_ =	swait.ge [sflag:s25], $0x1000  }
0x131: {  	[sflag:s25] =	ssyncset.done $0x0  }
0x132: {  	[sflag:s25] =	ssyncadd.s32 $0xFFFFF000  }
.Ltmp8:
0x133: {  	(pc) =	sbr.rel .LBB2_13-.Ltmp8, $3  }
0x134: {  	_ =	sdelay $0x1  }
0x135: {  	s0 =	sadd.s32 $0xE0, s12;
	s30 =	sadd.s32 $0x200, s30  }
0x136: {  	[tilespmem:s18], [sflag:$0x4] =	stream.indirect.gather [hbm4b:s5+s13], $0x80, s0, s13, $0xb8;
	[tilespmem:$0x1F800] =	vst v63  }
.LBB2_9:
0x137: {  	_ =	swait.ge [sflag:s24], $0x1000  }
0x138: {  	[sflag:s24] =	ssyncset.done $0x0  }
0x139: {  	s0 =	simm.s32 $0x27E0;
	[sflag:s24] =	ssyncadd.s32 $0xFFFFF000  }
0x13a: {  	[spmem:s1] =	stream.indirect.scatter.add.f32 [tilespmem:s18], [sflag:$0x8], $0x80, s0, s13, $0xb8;
	[tilespmem:$0x1F800] =	vst v63  }
0x13b: {  	_ =	swait.ge [sflag:s25], $0x1000  }
0x13c: {  	[sflag:s25] =	ssyncset.done $0x0  }
0x13d: {  	s30 =	simm.s32 $0x0;
	s12 =	rddreg [dreg:$0xf];
	[sflag:s25] =	ssyncadd.s32 $0xFFFFF000  }
0x13e: {  	[tilespmem:s30], [sflag:$0x9] =	stream.linear.gather [hbm4b:s12+s30], $0x1400, $0x38;
	[tilespmem:$0x1F800] =	vst v63  }
0x13f: {  	_ =	swait.ge [sflag:s10], $0x1400  }
0x140: {  	[sflag:s10] =	ssyncset.done $0x0  }
0x141: {  	s2 =	simm.s32 $0x1400;
	s15 =	rddreg [dreg:$0x10];
	[sflag:s10] =	ssyncadd.s32 $0xFFFFEC00  }
0x142: {  	[tilespmem:s2], [sflag:$0x9] =	stream.linear.gather [hbm4b:s15+s30], $0x1400, $0x38;
	[tilespmem:$0x1F800] =	vst v63  }
0x143: {  	_ =	swait.ge [sflag:s10], $0x1400  }
0x144: {  	[sflag:s10] =	ssyncset.done $0x0  }
0x145: {  	[sflag:s10] =	ssyncadd.s32 $0xFFFFEC00  }
0x146: {  	[tilespmem:s11], [sflag:$0x1] =	stream.indirect.gather [hbm4b:s4+s13], $0x80, s30, s13, $0xb8;
	[tilespmem:$0x1F800] =	vst v63  }
0x147: {  	_ = 	snop  }
0x148: {  	[tilespmem:s14], [sflag:$0x2] =	stream.indirect.gather [hbm4b:s4+s13], $0x80, s13, s13, $0xb8;
	[tilespmem:$0x1F800] =	vst v63  }
0x149: {  	s31 =	simm.s32 $0x40  }
0x14a: {  	[tilespmem:s16], [sflag:$0x3] =	stream.indirect.gather [hbm4b:s4+s13], $0x80, s31, s13, $0xb8;
	[tilespmem:$0x1F800] =	vst v63  }
0x14b: {  	_ = 	snop  }
0x14c: {  	[tilespmem:s18], [sflag:$0x4] =	stream.indirect.gather [hbm4b:s4+s13], $0x80, s17, s13, $0xb8;
	[tilespmem:$0x1F800] =	vst v63  }
.LBB2_10:
0x14d: {  	_ =	swait.ge [sflag:s19], $0x1000  }
0x14e: {  	s12 =	sshra.s32 s30, $0x2;
	[sflag:s19] =	ssyncset.done $0x0  }
0x14f: {  	s0 =	sadd.s32 $0x1400, s12;
	[sflag:s19] =	ssyncadd.s32 $0xFFFFF000  }
0x150: {  	[spmem:s1] =	stream.indirect.scatter.add.f32 [tilespmem:s11], [sflag:$0x5], $0x80, s0, s13, $0xb8;
	[tilespmem:$0x1F800] =	vst v63  }
0x151: {  	v1 =	vld [tilespmem:s12+$0x1400];
	_ =	sdelay $0x4  }
0x152: {  	v2 =	vld [tilespmem:s12+$0x0];
	_ =	sdelay $0x2  }
0x153: {  	v1 =	vld.idx.msk [tilespmem:v1+s9+$0x0], $0xffff;
	_ =	sdelay $0x4  }
0x154: {  	[tilespmem:v2+s20+$0x0] =	vst.idx.add.f32.msk $0xffff, v1  }
0x155: {  	v1 =	vld [tilespmem:s12+$0x1410];
	_ =	sdelay $0x4  }
0x156: {  	v2 =	vld [tilespmem:s12+$0x10];
	_ =	sdelay $0x2  }
0x157: {  	v1 =	vld.idx.msk [tilespmem:v1+s9+$0x0], $0xffff;
	_ =	sdelay $0x4  }
0x158: {  	[tilespmem:v2+s20+$0x0] =	vst.idx.add.f32.msk $0xffff, v1  }
0x159: {  	_ =	swait.ge [sflag:s21], $0x1000  }
0x15a: {  	p1 =	seq.s32 s30, $0x4E00;
	[sflag:s21] =	ssyncset.done $0x0  }
0x15b: {  	s0 =	simm.s32 @p1 $0x2;
	[sflag:s21] =	ssyncadd.s32 $0xFFFFF000  }
0x15c: {  	_ =	swait.ge @p1 [sflag:s0], $0x1000  }
0x15d: {  	s8 =	simm.s32 @p1 $0x27A0;
	[sflag:s0] =	ssyncset.done @p1 $0x0  }
0x15e: {  	s15 =	simm.s32 @p1 $0x3800;
	[sflag:s0] =	ssyncadd.s32 @p1 $0xFFFFF000;
	s0 =	simm.s32 @p1 $0x20  }
0x15f: {  	[spmem:s1] =	stream.indirect.scatter.add.f32 @p1 [tilespmem:s15], [sflag:$0x6], $0x80, s8, s0, $0xb8;
	[tilespmem:$0x1F800] =	vst v63  }
0x160: {  	s0 =	simm.s32 @p1 $0x6  }
0x161: {  	_ =	swait.ge @p1 [sflag:s0], $0x1000  }
0x162: {  	[sflag:s0] =	ssyncset.done @p1 $0x0  }
0x163: {  	[sflag:s0] =	ssyncadd.s32 @p1 $0xFFFFF000;
	s0 =	sshra.s32 @!p1 s30, $0x2  }
0x164: {  	s31 =	simm.s32 @!p1 $0x2800;
	s15 =	simm.s32 @!p1 $0x20;
	s8 =	sadd.s32 @!p1 $0x80, s0  }
0x165: {  	[tilespmem:s31], [sflag:$0x1] =	stream.indirect.gather @!p1 [hbm4b:s4+s15], $0x80, s8, s15, $0xb8;
	[tilespmem:$0x1F800] =	vst v63  }
0x166: {  	s8 =	simm.s32 @!p1 $0x2  }
0x167: {  	_ =	swait.ge @!p1 [sflag:s8], $0x1000  }
0x168: {  	[sflag:s8] =	ssyncset.done @!p1 $0x0  }
0x169: {  	s31 =	simm.s32 @!p1 $0x3800;
	[sflag:s8] =	ssyncadd.s32 @!p1 $0xFFFFF000;
	s8 =	sadd.s32 @!p1 $0x1420, s0  }
0x16a: {  	[spmem:s1] =	stream.indirect.scatter.add.f32 @!p1 [tilespmem:s31], [sflag:$0x6], $0x80, s8, s15, $0xb8;
	[tilespmem:$0x1F800] =	vst v63  }
0x16b: {  	s8 =	simm.s32 @!p1 $0x6  }
0x16c: {  	_ =	swait.ge @!p1 [sflag:s8], $0x1000  }
0x16d: {  	[sflag:s8] =	ssyncset.done @!p1 $0x0  }
0x16e: {  	s0 =	sadd.s32 @!p1 $0xA0, s0;
	[sflag:s8] =	ssyncadd.s32 @!p1 $0xFFFFF000  }
0x16f: {  	[tilespmem:s31], [sflag:$0x2] =	stream.indirect.gather @!p1 [hbm4b:s4+s15], $0x80, s0, s15, $0xb8;
	[tilespmem:$0x1F800] =	vst v63  }
0x170: {  	_ =	swait.ge [sflag:s22], $0x1000  }
0x171: {  	[sflag:s22] =	ssyncset.done $0x0  }
0x172: {  	s31 =	sadd.s32 $0x1440, s12;
	[sflag:s22] =	ssyncadd.s32 $0xFFFFF000  }
0x173: {  	[spmem:s1] =	stream.indirect.scatter.add.f32 [tilespmem:s16], [sflag:$0x7], $0x80, s31, s13, $0xb8;
	[tilespmem:$0x1F800] =	vst v63  }
0x174: {  	v1 =	vld [tilespmem:s12+$0x1440];
	_ =	sdelay $0x4  }
0x175: {  	v2 =	vld [tilespmem:s12+$0x40];
	_ =	sdelay $0x2  }
0x176: {  	v1 =	vld.idx.msk [tilespmem:v1+s9+$0x0], $0xffff;
	_ =	sdelay $0x4  }
0x177: {  	[tilespmem:v2+s20+$0x0] =	vst.idx.add.f32.msk $0xffff, v1  }
0x178: {  	v1 =	vld [tilespmem:s12+$0x1450];
	_ =	sdelay $0x4  }
0x179: {  	v2 =	vld [tilespmem:s12+$0x50];
	_ =	sdelay $0x2  }
0x17a: {  	v1 =	vld.idx.msk [tilespmem:v1+s9+$0x0], $0xffff;
	_ =	sdelay $0x3  }
.Ltmp9:
0x17b: {  	_ = 	snop;
	(pc) =	sbr.rel @p1 .LBB2_19-.Ltmp9, $4  }
0x17c: {  	[tilespmem:v2+s20+$0x0] =	vst.idx.add.f32.msk $0xffff, v1  }
0x17d: {  	_ =	swait.ge [sflag:s23], $0x1000  }
0x17e: {  	[sflag:s23] =	ssyncset.done $0x0  }
0x17f: {  	[sflag:s23] =	ssyncadd.s32 $0xFFFFF000  }
0x180: {  	s0 =	sadd.s32 $0xC0, s12  }
0x181: {  	[tilespmem:s16], [sflag:$0x3] =	stream.indirect.gather [hbm4b:s4+s13], $0x80, s0, s13, $0xb8;
	[tilespmem:$0x1F800] =	vst v63  }
0x182: {  	_ =	swait.ge [sflag:s24], $0x1000  }
0x183: {  	[sflag:s24] =	ssyncset.done $0x0  }
0x184: {  	s15 =	sadd.s32 $0x1460, s12;
	[sflag:s24] =	ssyncadd.s32 $0xFFFFF000  }
0x185: {  	[spmem:s1] =	stream.indirect.scatter.add.f32 [tilespmem:s18], [sflag:$0x8], $0x80, s15, s13, $0xb8;
	[tilespmem:$0x1F800] =	vst v63  }
.Ltmp10:
0x186: {  	_ = 	snop;
	(pc) =	sbr.rel .LBB2_10-.Ltmp10, $4  }
0x187: {  	_ =	swait.ge [sflag:s25], $0x1000  }
0x188: {  	[sflag:s25] =	ssyncset.done $0x0  }
0x189: {  	s31 =	sadd.s32 $0xE0, s12;
	s30 =	sadd.s32 $0x200, s30;
	[sflag:s25] =	ssyncadd.s32 $0xFFFFF000  }
0x18a: {  	[tilespmem:s18], [sflag:$0x4] =	stream.indirect.gather [hbm4b:s4+s13], $0x80, s31, s13, $0xb8;
	[tilespmem:$0x1F800] =	vst v63  }
.LBB2_15:
0x18b: {  	s30 =	simm.s32 $0x0;
	s0 =	rddreg [dreg:$0xf]  }
0x18c: {  	[tilespmem:s30], [sflag:$0x9] =	stream.linear.gather [hbm4b:s0+s30], $0x1400, $0x38;
	[tilespmem:$0x1F800] =	vst v63  }
0x18d: {  	_ =	swait.ge [sflag:s10], $0x1400  }
0x18e: {  	[sflag:s10] =	ssyncset.done $0x0  }
0x18f: {  	s2 =	simm.s32 $0x1400;
	s15 =	rddreg [dreg:$0x10];
	[sflag:s10] =	ssyncadd.s32 $0xFFFFEC00  }
0x190: {  	[tilespmem:s2], [sflag:$0x9] =	stream.linear.gather [hbm4b:s15+s30], $0x1400, $0x38;
	[tilespmem:$0x1F800] =	vst v63  }
0x191: {  	_ =	swait.ge [sflag:s10], $0x1400  }
0x192: {  	[sflag:s10] =	ssyncset.done $0x0  }
0x193: {  	[sflag:s10] =	ssyncadd.s32 $0xFFFFEC00  }
0x194: {  	[tilespmem:s11], [sflag:$0x1] =	stream.indirect.gather [hbm4b:s5+s13], $0x80, s30, s13, $0xb8;
	[tilespmem:$0x1F800] =	vst v63  }
0x195: {  	_ = 	snop  }
0x196: {  	[tilespmem:s14], [sflag:$0x2] =	stream.indirect.gather [hbm4b:s5+s13], $0x80, s13, s13, $0xb8;
	[tilespmem:$0x1F800] =	vst v63  }
0x197: {  	s31 =	simm.s32 $0x40  }
0x198: {  	[tilespmem:s16], [sflag:$0x3] =	stream.indirect.gather [hbm4b:s5+s13], $0x80, s31, s13, $0xb8;
	[tilespmem:$0x1F800] =	vst v63  }
0x199: {  	_ = 	snop  }
0x19a: {  	[tilespmem:s18], [sflag:$0x4] =	stream.indirect.gather [hbm4b:s5+s13], $0x80, s17, s13, $0xb8;
	[tilespmem:$0x1F800] =	vst v63  }
.LBB2_16:
0x19b: {  	_ =	swait.ge [sflag:s19], $0x1000  }
0x19c: {  	s12 =	sshra.s32 s30, $0x2;
	[sflag:s19] =	ssyncset.done $0x0  }
0x19d: {  	s0 =	sadd.s32 $0x1400, s12;
	[sflag:s19] =	ssyncadd.s32 $0xFFFFF000  }
0x19e: {  	[spmem:s1] =	stream.indirect.scatter.add.f32 [tilespmem:s11], [sflag:$0x5], $0x80, s0, s13, $0xb8;
	[tilespmem:$0x1F800] =	vst v63  }
0x19f: {  	p1 =	seq.s32 s30, $0x4E00;
	_ =	swait.ge [sflag:s21], $0x1000  }
0x1a0: {  	s8 =	simm.s32 @!p1 $0x20;
	s0 =	sshra.s32 @!p1 s30, $0x2;
	[sflag:s21] =	ssyncset.done $0x0  }
0x1a1: {  	s15 =	simm.s32 @!p1 $0x2800;
	s2 =	sadd.s32 @!p1 $0x80, s0;
	[sflag:s21] =	ssyncadd.s32 $0xFFFFF000  }
0x1a2: {  	[tilespmem:s15], [sflag:$0x1] =	stream.indirect.gather @!p1 [hbm4b:s5+s8], $0x80, s2, s8, $0xb8;
	[tilespmem:$0x1F800] =	vst v63  }
0x1a3: {  	_ =	swait.ge [sflag:s26], $0x1000  }
0x1a4: {  	[sflag:s26] =	ssyncset.done $0x0  }
0x1a5: {  	s15 =	sadd.s32 $0x1420, s12;
	[sflag:s26] =	ssyncadd.s32 $0xFFFFF000  }
0x1a6: {  	[spmem:s1] =	stream.indirect.scatter.add.f32 [tilespmem:s14], [sflag:$0x6], $0x80, s15, s13, $0xb8;
	[tilespmem:$0x1F800] =	vst v63  }
0x1a7: {  	v1 =	vld [tilespmem:s12+$0x1420];
	_ =	sdelay $0x4  }
0x1a8: {  	v2 =	vld [tilespmem:s12+$0x20];
	_ =	sdelay $0x2  }
0x1a9: {  	v1 =	vld.idx.msk [tilespmem:v1+s9+$0x0], $0xffff;
	_ =	sdelay $0x4  }
0x1aa: {  	[tilespmem:v2+s20+$0x0] =	vst.idx.add.f32.msk $0xffff, v1  }
0x1ab: {  	v1 =	vld [tilespmem:s12+$0x1430];
	_ =	sdelay $0x4  }
0x1ac: {  	v2 =	vld [tilespmem:s12+$0x30];
	_ =	sdelay $0x2  }
0x1ad: {  	v1 =	vld.idx.msk [tilespmem:v1+s9+$0x0], $0xffff;
	_ =	sdelay $0x4  }
0x1ae: {  	[tilespmem:v2+s20+$0x0] =	vst.idx.add.f32.msk $0xffff, v1  }
0x1af: {  	_ =	swait.ge [sflag:s28], $0x1000  }
0x1b0: {  	[sflag:s28] =	ssyncset.done $0x0  }
0x1b1: {  	s2 =	simm.s32 @p1 $0x3;
	[sflag:s28] =	ssyncadd.s32 $0xFFFFF000  }
0x1b2: {  	_ =	swait.ge @p1 [sflag:s2], $0x1000  }
0x1b3: {  	[sflag:s2] =	ssyncset.done @p1 $0x0  }
0x1b4: {  	[sflag:s2] =	ssyncadd.s32 @p1 $0xFFFFF000;
	s2 =	sshra.s32 @p1 s30, $0x2  }
0x1b5: {  	s31 =	simm.s32 @p1 $0x4800;
	s15 =	simm.s32 @p1 $0x20;
	s2 =	sadd.s32 @p1 $0x1440, s2  }
0x1b6: {  	[spmem:s1] =	stream.indirect.scatter.add.f32 @p1 [tilespmem:s31], [sflag:$0x7], $0x80, s2, s15, $0xb8;
	[tilespmem:$0x1F800] =	vst v63  }
0x1b7: {  	s2 =	simm.s32 @p1 $0x7  }
0x1b8: {  	_ =	swait.ge @p1 [sflag:s2], $0x1000  }
0x1b9: {  	[sflag:s2] =	ssyncset.done @p1 $0x0  }
0x1ba: {  	s15 =	simm.s32 @!p1 $0x3800;
	[sflag:s2] =	ssyncadd.s32 @p1 $0xFFFFF000;
	s2 =	sadd.s32 @!p1 $0xA0, s0  }
0x1bb: {  	[tilespmem:s15], [sflag:$0x2] =	stream.indirect.gather @!p1 [hbm4b:s5+s8], $0x80, s2, s8, $0xb8;
	[tilespmem:$0x1F800] =	vst v63  }
0x1bc: {  	s2 =	simm.s32 @!p1 $0x3  }
0x1bd: {  	_ =	swait.ge @!p1 [sflag:s2], $0x1000  }
0x1be: {  	[sflag:s2] =	ssyncset.done @!p1 $0x0  }
0x1bf: {  	s15 =	simm.s32 @!p1 $0x4800;
	[sflag:s2] =	ssyncadd.s32 @!p1 $0xFFFFF000;
	s2 =	sadd.s32 @!p1 $0x1440, s0  }
0x1c0: {  	[spmem:s1] =	stream.indirect.scatter.add.f32 @!p1 [tilespmem:s15], [sflag:$0x7], $0x80, s2, s8, $0xb8;
	[tilespmem:$0x1F800] =	vst v63  }
0x1c1: {  	s2 =	simm.s32 @!p1 $0x7  }
0x1c2: {  	_ =	swait.ge @!p1 [sflag:s2], $0x1000  }
0x1c3: {  	[sflag:s2] =	ssyncset.done @!p1 $0x0  }
0x1c4: {  	s0 =	sadd.s32 @!p1 $0xC0, s0;
	[sflag:s2] =	ssyncadd.s32 @!p1 $0xFFFFF000  }
0x1c5: {  	[tilespmem:s15], [sflag:$0x3] =	stream.indirect.gather @!p1 [hbm4b:s5+s8], $0x80, s0, s8, $0xb8;
	[tilespmem:$0x1F800] =	vst v63  }
0x1c6: {  	_ =	swait.ge [sflag:s24], $0x1000  }
0x1c7: {  	[sflag:s24] =	ssyncset.done $0x0  }
0x1c8: {  	s31 =	sadd.s32 $0x1460, s12;
	[sflag:s24] =	ssyncadd.s32 $0xFFFFF000  }
0x1c9: {  	[spmem:s1] =	stream.indirect.scatter.add.f32 [tilespmem:s18], [sflag:$0x8], $0x80, s31, s13, $0xb8;
	[tilespmem:$0x1F800] =	vst v63  }
0x1ca: {  	v1 =	vld [tilespmem:s12+$0x1460];
	_ =	sdelay $0x4  }
0x1cb: {  	v2 =	vld [tilespmem:s12+$0x60];
	_ =	sdelay $0x2  }
0x1cc: {  	v1 =	vld.idx.msk [tilespmem:v1+s9+$0x0], $0xffff;
	_ =	sdelay $0x4  }
0x1cd: {  	[tilespmem:v2+s20+$0x0] =	vst.idx.add.f32.msk $0xffff, v1  }
0x1ce: {  	v1 =	vld [tilespmem:s12+$0x1470];
	_ =	sdelay $0x4  }
0x1cf: {  	v2 =	vld [tilespmem:s12+$0x70];
	_ =	sdelay $0x2  }
0x1d0: {  	v1 =	vld.idx.msk [tilespmem:v1+s9+$0x0], $0xffff;
	_ =	sdelay $0x3  }
.Ltmp11:
0x1d1: {  	_ = 	snop;
	(pc) =	sbr.rel @p1 .LBB2_17-.Ltmp11, $4  }
0x1d2: {  	[tilespmem:v2+s20+$0x0] =	vst.idx.add.f32.msk $0xffff, v1  }
0x1d3: {  	_ =	swait.ge [sflag:s25], $0x1000  }
0x1d4: {  	[sflag:s25] =	ssyncset.done $0x0  }
0x1d5: {  	[sflag:s25] =	ssyncadd.s32 $0xFFFFF000  }
.Ltmp12:
0x1d6: {  	(pc) =	sbr.rel .LBB2_16-.Ltmp12, $3  }
0x1d7: {  	_ =	sdelay $0x1  }
0x1d8: {  	s0 =	sadd.s32 $0xE0, s12;
	s30 =	sadd.s32 $0x200, s30  }
0x1d9: {  	[tilespmem:s18], [sflag:$0x4] =	stream.indirect.gather [hbm4b:s5+s13], $0x80, s0, s13, $0xb8;
	[tilespmem:$0x1F800] =	vst v63  }
.LBB2_17:
.Ltmp13:
0x1da: {  	(pc) =	sbr.rel .LBB2_20-.Ltmp13, $2  }
0x1db: {  	_ =	sdelay $0x2  }
0x1dc: {  	s12 =	rddreg [dreg:$0x5]  }
.LBB2_21:
0x1dd: {  	_ =	sfence.sel $0x180000  }
0x1de: {  	[bflag:$0x0] =	sbarrier.arrive $0xFFFF  }
0x1df: {  	_ =	strace $0x9000004A  }
0x1e0: {  	s0 =	stileid.u32;
	[bflag:$0x2] =	sbarrier.arrive $0xFFFF  }
0x1e1: {  	p0 =	sne.s32 s0, $0x0;
	s0 =	rddreg [dreg:$0x2]  }
0x1e2: {  	s0 =	sadd.s32 @!p0 $0x100000, s0  }
0x1e3: {  	[sflag:s0] =	ssyncadd.tile.s32 @!p0 $0x1;
	_ =	shalt  }
.Lfunc_end2:
_tile_overlayer_lowered:
.L_overlay_start_2:
0x1e4: {  	(tag) =	ssettag $0x2  }
0x1e5: {  	s0 =	rddreg [dreg:$0x0];
	s2 =	stileid.u32  }
0x1e6: {  	s1 =	rddreg [dreg:$0x1];
	p0 =	sne.s32 s2, $0x0  }
0x1e7: {  	s3 =	rddreg [dreg:$0x2];
	[bflag:$0x3] =	sbarrier.arrive $0xFFFF;
	s2 =	simm.s32 @!p0 $0x1C09  }
0x1e8: {  	[timem:s3], [sflag:s2] =	dma.local @!p0 [hbm:s0], s1  }
0x1e9: {  	s0 =	simm.s32 @!p0 $0x9  }
0x1ea: {  	_ =	swait.ge @!p0 [sflag:s0], s1  }
0x1eb: {  	s1 =	ssub.s32 @!p0 $0x0, s1;
	[sflag:s0] =	ssyncset.done @!p0 $0x0  }
0x1ec: {  	[sflag:s0] =	ssyncadd.s32 @!p0 s1  }
0x1ed: {  	[bflag:$0x3] =	sbarrier.arrive $0xFFFF  }
0x1ee: {  	_ =	shalt  }

</sc_bundles>
